<compile_context>
chip_gen: v7x
topology: tpu7x:2x2x1
jax: 0.10.2.dev20260603
libtpu: 0.0.44.dev20260713+nightly
codegen_flags: <defaults>
</compile_context>

<pallas_src>
import functools

import jax
import jax.numpy as jnp
from jax import lax
from jax.experimental import pallas as pl
from jax.experimental.pallas import tpu as pltpu
from jax.experimental.pallas import tpu_sc as plsc

N = 10000
F_IN = 128
DIM = 32
E = 320000

NPAD = 10240
NC, NS = 2, 16
NW = NC * NS
CH = 128
K = 79
EPT = K * CH
EPAD = NW * EPT
RPT = NPAD // NS
BL = 2048


def _mesh():
    return plsc.VectorSubcoreMesh(
        core_axis_name="c", subcore_axis_name="s", num_cores=NC, num_subcores=NS
    )


def _sc_deg_body(d1_ref, d2_ref, out_ref, idx_v, ones_v, zer_v, acc1, acc2):
    cid = lax.axis_index("c")
    sid = lax.axis_index("s")
    for i in range(CH // 16):
        ones_v[pl.ds(i * 16, 16)] = jnp.full((16,), 1.0, jnp.float32)
    for i in range(RPT // 16):
        zer_v[pl.ds(i * 16, 16)] = jnp.zeros((16,), jnp.float32)
    sl = pl.ds(sid * RPT, RPT)
    pltpu.sync_copy(zer_v, acc1.at[sl])
    pltpu.sync_copy(zer_v, acc2.at[sl])
    plsc.subcore_barrier()
    for d_ref, acc in ((d1_ref, acc1), (d2_ref, acc2)):
        pltpu.sync_copy(d_ref.at[cid, sid], idx_v)

        def body(j, carry, acc=acc):
            pltpu.sync_copy(ones_v, acc.at[idx_v.at[j]], add=True)
            return carry

        lax.fori_loop(0, K, body, 0)
    plsc.subcore_barrier()
    pltpu.sync_copy(acc1.at[sl], out_ref.at[0, cid, sl])
    pltpu.sync_copy(acc2.at[sl], out_ref.at[1, cid, sl])


@functools.cache
def _deg_kernel_fn():
    return pl.kernel(
        _sc_deg_body,
        out_type=jax.ShapeDtypeStruct((2, NC, NPAD), jnp.float32),
        mesh=_mesh(),
        scratch_types=[
            pltpu.VMEM((K, CH), jnp.int32),
            pltpu.VMEM((CH,), jnp.float32),
            pltpu.VMEM((RPT,), jnp.float32),
            pltpu.VMEM_SHARED((NPAD,), jnp.float32),
            pltpu.VMEM_SHARED((NPAD,), jnp.float32),
        ],
    )


GW = 128


def _sc_msg_body(g_ref, s1_ref, d1_ref, s2_ref, d2_ref, out_ref,
                 sidx, didx, rows, acc, sem):
    cid = lax.axis_index("c")
    sid = lax.axis_index("s")
    z16 = jnp.zeros((16,), jnp.float32)

    def zbody(i, carry):
        for u in range(GW // 16):
            rows[i, pl.ds(u * 16, 16)] = z16
        return carry

    lax.fori_loop(0, CH, zbody, 0)
    for r in range(RPT // CH):
        pltpu.sync_copy(rows, acc.at[pl.ds(sid * RPT + r * CH, CH)])
    plsc.subcore_barrier()
    sl = pl.ds(sid * RPT, RPT)
    for set_i, (s_ref, d_ref) in enumerate(((s1_ref, d1_ref), (s2_ref, d2_ref))):
        pltpu.sync_copy(s_ref.at[cid, sid], sidx)
        pltpu.sync_copy(d_ref.at[cid, sid], didx)

        def body(j, carry):
            pltpu.async_copy(g_ref.at[sidx.at[j]], rows, sem).wait()
            pltpu.sync_copy(rows, acc.at[didx.at[j]], add=True)
            return carry

        lax.fori_loop(0, K, body, 0)
        plsc.subcore_barrier()
        pltpu.sync_copy(acc.at[sl], out_ref.at[set_i, cid, sl])
        plsc.subcore_barrier()


@functools.cache
def _msg_kernel_fn():
    return pl.kernel(
        _sc_msg_body,
        out_type=jax.ShapeDtypeStruct((2, NC, NPAD, GW), jnp.float32),
        mesh=_mesh(),
        scratch_types=[
            pltpu.VMEM((K, CH), jnp.int32),
            pltpu.VMEM((K, CH), jnp.int32),
            pltpu.VMEM((CH, GW), jnp.float32),
            pltpu.VMEM_SHARED((NPAD, GW), jnp.float32),
            pltpu.SemaphoreType.DMA,
        ],
    )


def _pack_g(dis1, dis2, h):
    bl = h.shape[0]
    return jnp.concatenate(
        [dis1 * h[:, :DIM], dis2 * h[:, DIM:],
         jnp.zeros((bl, GW - 2 * DIM), jnp.float32)], axis=1)


def _tc_prep_body(degp_ref, xp_ref, wc_ref, g_ref, hs_ref, dis_ref):
    deg1 = degp_ref[0, 0] + degp_ref[0, 1] + 1.0
    deg2 = degp_ref[1, 0] + degp_ref[1, 1] + 1.0
    dis1 = 1.0 / jnp.sqrt(deg1)
    dis2 = 1.0 / jnp.sqrt(deg2)
    h = jnp.dot(xp_ref[...], wc_ref[...], preferred_element_type=jnp.float32)
    g_ref[...] = _pack_g(dis1, dis2, h)
    hs_ref[...] = h
    dis_ref[...] = jnp.concatenate([dis1, dis2], axis=1)


def _tc_layer_body(p_ref, hs_ref, dis_ref, b1_ref, b2_ref, wc_ref,
                   g_ref, hs2_ref):
    dis1 = dis_ref[:, 0:1]
    dis2 = dis_ref[:, 1:2]
    agg1 = p_ref[0, 0][:, :DIM] + p_ref[0, 1][:, :DIM]
    agg2 = (p_ref[1, 0][:, DIM:2 * DIM] + p_ref[1, 1][:, DIM:2 * DIM]
            - p_ref[0, 0][:, DIM:2 * DIM] - p_ref[0, 1][:, DIM:2 * DIM])
    x1 = jnp.maximum(dis1 * agg1 + dis1 * dis1 * hs_ref[:, :DIM] + b1_ref[...], 0.0)
    x2 = jnp.maximum(dis2 * agg2 + dis2 * dis2 * hs_ref[:, DIM:] + b2_ref[...], 0.0)
    x12 = jnp.concatenate([x1, x2], axis=1)
    h2 = jnp.dot(x12, wc_ref[...], preferred_element_type=jnp.float32)
    g_ref[...] = _pack_g(dis1, dis2, h2)
    hs2_ref[...] = h2


def _tc_pre_body(q_ref, hs_ref, dis_ref, b1_ref, b2_ref, wih_ref, bb_ref,
                 pre_ref):
    dis1 = dis_ref[:, 0:1]
    dis2 = dis_ref[:, 1:2]
    agg1 = q_ref[0, 0][:, :DIM] + q_ref[0, 1][:, :DIM]
    agg2 = (q_ref[1, 0][:, DIM:2 * DIM] + q_ref[1, 1][:, DIM:2 * DIM]
            - q_ref[0, 0][:, DIM:2 * DIM] - q_ref[0, 1][:, DIM:2 * DIM])
    x1 = jnp.maximum(dis1 * agg1 + dis1 * dis1 * hs_ref[:, :DIM] + b1_ref[...], 0.0)
    x2 = jnp.maximum(dis2 * agg2 + dis2 * dis2 * hs_ref[:, DIM:] + b2_ref[...], 0.0)
    x12 = jnp.concatenate([x1, x2], axis=1)
    pre_ref[...] = (
        jnp.dot(x12, wih_ref[...], preferred_element_type=jnp.float32)
        + bb_ref[...]
    )


_UNROLL = 16
LW = 4 * GW


def _tc_lstm_body(pre_ref, whh_ref, ys_ref, hn_ref, cn_ref):
    whh = whh_ref[...]

    def blk(tb, carry):
        h, c = carry
        pre8 = pre_ref[pl.ds(tb * _UNROLL, _UNROLL), :]
        outs = []
        for k in range(_UNROLL):
            g = pre8[k:k + 1, :] + jnp.dot(
                h[:, :DIM], whh, preferred_element_type=jnp.float32)
            si = 0.5 + 0.5 * jnp.tanh(g[:, 0:GW])
            sf = 0.5 + 0.5 * jnp.tanh(g[:, GW:2 * GW])
            sg = jnp.tanh(g[:, 2 * GW:3 * GW])
            so = 0.5 + 0.5 * jnp.tanh(g[:, 3 * GW:])
            c = sf * c + si * sg
            h = so * jnp.tanh(c)
            outs.append(h[:, :DIM])
        ys_ref[pl.ds(tb * _UNROLL, _UNROLL), :] = jnp.concatenate(outs, axis=0)
        return (h, c)

    z = jnp.zeros((1, GW), jnp.float32)
    h, c = lax.fori_loop(0, N // _UNROLL, blk, (z, z))
    hn_ref[...] = h[:, :DIM]
    cn_ref[...] = c[:, :DIM]


_GRID = NPAD // BL


def _prep_call(degp4, xp, wc):
    return pl.pallas_call(
        _tc_prep_body,
        grid=(_GRID,),
        in_specs=[
            pl.BlockSpec((2, NC, BL, 1), lambda i: (0, 0, i, 0)),
            pl.BlockSpec((BL, F_IN), lambda i: (i, 0)),
            pl.BlockSpec((F_IN, 2 * DIM), lambda i: (0, 0)),
        ],
        out_specs=[
            pl.BlockSpec((BL, GW), lambda i: (i, 0)),
            pl.BlockSpec((BL, 2 * DIM), lambda i: (i, 0)),
            pl.BlockSpec((BL, 2), lambda i: (i, 0)),
        ],
        out_shape=[
            jax.ShapeDtypeStruct((NPAD, GW), jnp.float32),
            jax.ShapeDtypeStruct((NPAD, 2 * DIM), jnp.float32),
            jax.ShapeDtypeStruct((NPAD, 2), jnp.float32),
        ],
    )(degp4, xp, wc)


def _layer_call(p, hs, dis, b1, b2, wc):
    return pl.pallas_call(
        _tc_layer_body,
        grid=(_GRID,),
        in_specs=[
            pl.BlockSpec((2, NC, BL, GW), lambda i: (0, 0, i, 0)),
            pl.BlockSpec((BL, 2 * DIM), lambda i: (i, 0)),
            pl.BlockSpec((BL, 2), lambda i: (i, 0)),
            pl.BlockSpec((1, DIM), lambda i: (0, 0)),
            pl.BlockSpec((1, DIM), lambda i: (0, 0)),
            pl.BlockSpec((2 * DIM, 2 * DIM), lambda i: (0, 0)),
        ],
        out_specs=[
            pl.BlockSpec((BL, GW), lambda i: (i, 0)),
            pl.BlockSpec((BL, 2 * DIM), lambda i: (i, 0)),
        ],
        out_shape=[
            jax.ShapeDtypeStruct((NPAD, GW), jnp.float32),
            jax.ShapeDtypeStruct((NPAD, 2 * DIM), jnp.float32),
        ],
    )(p, hs, dis, b1, b2, wc)


def _pre_call(q, hs2, dis, b1, b2, wih_big, bb):
    return pl.pallas_call(
        _tc_pre_body,
        grid=(_GRID,),
        in_specs=[
            pl.BlockSpec((2, NC, BL, GW), lambda i: (0, 0, i, 0)),
            pl.BlockSpec((BL, 2 * DIM), lambda i: (i, 0)),
            pl.BlockSpec((BL, 2), lambda i: (i, 0)),
            pl.BlockSpec((1, DIM), lambda i: (0, 0)),
            pl.BlockSpec((1, DIM), lambda i: (0, 0)),
            pl.BlockSpec((2 * DIM, LW), lambda i: (0, 0)),
            pl.BlockSpec((1, LW), lambda i: (0, 0)),
        ],
        out_specs=[pl.BlockSpec((BL, LW), lambda i: (i, 0))],
        out_shape=[jax.ShapeDtypeStruct((NPAD, LW), jnp.float32)],
    )(q, hs2, dis, b1, b2, wih_big, bb)[0]


def _lstm_call(pre, whh_big):
    return pl.pallas_call(
        _tc_lstm_body,
        out_shape=[
            jax.ShapeDtypeStruct((N, DIM), jnp.float32),
            jax.ShapeDtypeStruct((1, DIM), jnp.float32),
            jax.ShapeDtypeStruct((1, DIM), jnp.float32),
        ],
    )(pre, whh_big)


def _tile_gates(w):
    return jnp.concatenate(
        [jnp.tile(w[:, g * DIM:(g + 1) * DIM], (1, 4)) for g in range(4)],
        axis=1)


def _pad_edges(ei):
    src, dst = ei[0], ei[1]
    pad = EPAD - E
    fill = N + (jnp.arange(pad, dtype=jnp.int32) % (NPAD - N))
    srcp = jnp.concatenate([src, fill]).reshape(NC, NS, K, CH)
    dstp = jnp.concatenate([dst, fill]).reshape(NC, NS, K, CH)
    return srcp, dstp


def kernel(x, edge_index, edge_index2, W11, b11, W12, b12, W21, b21, W22, b22,
           W_ih, W_hh, b_ih, b_hh):
    xp = jnp.pad(x, ((0, NPAD - N), (0, 0)))
    s1, d1 = _pad_edges(edge_index)
    s2, d2 = _pad_edges(edge_index2)

    degp = _deg_kernel_fn()(d1, d2)
    degp4 = degp.reshape(2, NC, NPAD, 1)
    wc1 = jnp.concatenate([W11, W12], axis=1)
    g, hs, dis = _prep_call(degp4, xp, wc1)

    p = _msg_kernel_fn()(g, s1, d1, s2, d2)
    wc2 = jnp.concatenate([W21, W22], axis=1)
    g2nd, hs2 = _layer_call(p, hs, dis, b11.reshape(1, DIM),
                            b12.reshape(1, DIM), wc2)

    q = _msg_kernel_fn()(g2nd, s1, d1, s2, d2)
    gate_scale = jnp.concatenate(
        [jnp.full((1, GW), 0.5, jnp.float32), jnp.full((1, GW), 0.5, jnp.float32),
         jnp.ones((1, GW), jnp.float32), jnp.full((1, GW), 0.5, jnp.float32)],
        axis=1)
    wih_big = _tile_gates(W_ih.T) * gate_scale
    whh_big = _tile_gates(W_hh.T) * gate_scale
    bb = _tile_gates((b_ih + b_hh).reshape(1, 4 * DIM)) * gate_scale

    pre = _pre_call(q, hs2, dis, b21.reshape(1, DIM), b22.reshape(1, DIM),
                    wih_big, bb)
    ys, hn, cn = _lstm_call(pre, whh_big)
    return ys[None], hn[None], cn[None]

# --- scband reference (transcript-rebuilt; emitter-appended) ---
"""Pipeline reference for scband-mymodel-82171314307758 (READ-ONLY COPY).

The authoritative reference and input builder live on the scoring server;
editing this copy changes nothing except your own understanding.
"""

import jax, jax.numpy as jnp
import numpy as np

N = 10000
E = 320000
F_IN = 128
DIM = 32

def gcn_conv(x, src, dst, W, b, num_nodes):
    # PyG GCNConv: add self loops, symmetric normalization, linear then scatter-add
    loop = jnp.arange(num_nodes, dtype=src.dtype)
    s = jnp.concatenate([src, loop])
    d = jnp.concatenate([dst, loop])
    deg = jnp.zeros((num_nodes,), dtype=x.dtype).at[d].add(1.0)
    dis = jnp.where(deg > 0, 1.0 / jnp.sqrt(deg), 0.0)
    norm = dis[s] * dis[d]
    h = x @ W
    msgs = h[s] * norm[:, None]
    out = jnp.zeros((num_nodes, W.shape[1]), dtype=x.dtype).at[d].add(msgs)
    return out + b

def lstm_run(xs, W_ih, W_hh, b_ih, b_hh):
    h0 = jnp.zeros((DIM,), dtype=xs.dtype)
    c0 = jnp.zeros((DIM,), dtype=xs.dtype)
    def step(carry, x_t):
        h, c = carry
        gates = x_t @ W_ih.T + h @ W_hh.T + b_ih + b_hh
        i, f, g, o = jnp.split(gates, 4)
        i = jax.nn.sigmoid(i)
        f = jax.nn.sigmoid(f)
        g = jnp.tanh(g)
        o = jax.nn.sigmoid(o)
        c2 = f * c + i * g
        h2 = o * jnp.tanh(c2)
        return (h2, c2), h2
    (hn, cn), ys = jax.lax.scan(step, (h0, c0), xs)
    return ys, hn, cn

def setup_inputs(seed: int = 0):
    key = jax.random.key(seed)
    ks = jax.random.split(key, 16)
    inp = {}
    inp["x"] = jax.random.normal(ks[0], (N, F_IN), dtype=jnp.float32)
    inp["edge_index"] = jax.random.randint(ks[1], (2, E), 0, N, dtype=jnp.int32)
    inp["edge_index2"] = jax.random.randint(ks[2], (2, E), 0, N, dtype=jnp.int32)
    inp["W11"] = jax.random.normal(ks[3], (F_IN, DIM), dtype=jnp.float32) * 0.05
    inp["b11"] = jnp.zeros((DIM,), dtype=jnp.float32)
    inp["W12"] = jax.random.normal(ks[4], (F_IN, DIM), dtype=jnp.float32) * 0.05
    inp["b12"] = jnp.zeros((DIM,), dtype=jnp.float32)
    inp["W21"] = jax.random.normal(ks[5], (2 * DIM, DIM), dtype=jnp.float32) * 0.05
    inp["b21"] = jnp.zeros((DIM,), dtype=jnp.float32)
    inp["W22"] = jax.random.normal(ks[6], (2 * DIM, DIM), dtype=jnp.float32) * 0.05
    inp["b22"] = jnp.zeros((DIM,), dtype=jnp.float32)
    inp["W_ih"] = jax.random.normal(ks[7], (4 * DIM, 2 * DIM), dtype=jnp.float32) * 0.05
    inp["W_hh"] = jax.random.normal(ks[8], (4 * DIM, DIM), dtype=jnp.float32) * 0.05
    inp["b_ih"] = jnp.zeros((4 * DIM,), dtype=jnp.float32)
    inp["b_hh"] = jnp.zeros((4 * DIM,), dtype=jnp.float32)
    return inp

def reference(x, edge_index, edge_index2, W11, b11, W12, b12, W21, b21, W22, b22, W_ih, W_hh, b_ih, b_hh):
    s1, d1 = edge_index[0], edge_index[1]
    s2, d2 = edge_index2[0], edge_index2[1]
    x1 = jax.nn.relu(gcn_conv(x, s1, d1, W11, b11, N))
    x2 = jax.nn.relu(gcn_conv(x, s2, d2, W12, b12, N))
    x12 = jnp.concatenate([x1, x2], axis=1)
    x1 = jax.nn.relu(gcn_conv(x12, s1, d1, W21, b21, N))
    x2 = jax.nn.relu(gcn_conv(x12, s2, d2, W22, b22, N))
    x12 = jnp.concatenate([x1, x2], axis=1)
    ys, hn, cn = lstm_run(x12, W_ih, W_hh, b_ih, b_hh)
    lstm_out = ys[None, :, :]
    return (lstm_out, hn[None, None, :], cn[None, None, :])

if __name__ == "__main__":
    import jax
    _d = setup_inputs()
    print(jax.jit(kernel)(*tuple(_d.values())))

</pallas_src>

<mosaic_0001>
#map = affine_map<(d0, d1) -> (0, 0, 0, 0)>
#map1 = affine_map<(d0, d1) -> (0, 0, 0)>
module attributes {stable_mosaic.version = 14 : i64} {
  func.func @_sc_deg_body(%arg0: i32, %arg1: i32, %arg2: memref<2x16x79x128xi32, #tpu.memory_space<hbm>>, %arg3: memref<2x16x79x128xi32, #tpu.memory_space<hbm>>, %arg4: memref<2x2x10240xf32, #tpu.memory_space<hbm>>, %arg5: memref<79x128xi32, #tpu.memory_space<vmem>>, %arg6: memref<128xf32, #tpu.memory_space<vmem>>, %arg7: memref<640xf32, #tpu.memory_space<vmem>>, %arg8: memref<10240xf32, #tpu.memory_space<vmem_shared>>, %arg9: memref<10240xf32, #tpu.memory_space<vmem_shared>>) attributes {dimension_semantics = [#tpu.dimension_semantics<core_parallel>, #tpu.dimension_semantics<subcore_parallel>], iteration_bounds = array<i64: 2, 16>, scalar_prefetch = 0 : i64, scratch_operands = 5 : i64, tpu.core_type = #tpu.core_type<sc_vector_subcore>, window_params = [{transform_indices = #map}, {transform_indices = #map}, {transform_indices = #map1}]} {
    %broadcast_in_dim3A = arith.constant 1.000000e+00 : f32
    %broadcast_in_dim3A_0 = vector.broadcast %broadcast_in_dim3A : f32 to vector<16xf32>
    %swap3A = arith.constant 0 : index
    %swap3A_1 = tpu.vector_load %arg6[%swap3A] {strides = array<i32>} : memref<128xf32, #tpu.memory_space<vmem>>, vector<16xf32>,
    %swap3A_2 = vector.shape_cast %swap3A_1 : vector<16xf32> to vector<16xf32>
    %swap3A_3 = vector.shape_cast %broadcast_in_dim3A_0 : vector<16xf32> to vector<16xf32>
    tpu.vector_store %arg6[%swap3A], %swap3A_3 {strides = array<i32>} : memref<128xf32, #tpu.memory_space<vmem>>, vector<16xf32>,
    %broadcast_in_dim3A_4 = arith.constant 1.000000e+00 : f32
    %broadcast_in_dim3A_5 = vector.broadcast %broadcast_in_dim3A_4 : f32 to vector<16xf32>
    %swap3A_6 = arith.constant 16 : index
    %swap3A_7 = tpu.vector_load %arg6[%swap3A_6] {strides = array<i32>} : memref<128xf32, #tpu.memory_space<vmem>>, vector<16xf32>,
    %swap3A_8 = vector.shape_cast %swap3A_7 : vector<16xf32> to vector<16xf32>
    %swap3A_9 = vector.shape_cast %broadcast_in_dim3A_5 : vector<16xf32> to vector<16xf32>
    tpu.vector_store %arg6[%swap3A_6], %swap3A_9 {strides = array<i32>} : memref<128xf32, #tpu.memory_space<vmem>>, vector<16xf32>,
    %broadcast_in_dim3A_10 = arith.constant 1.000000e+00 : f32
    %broadcast_in_dim3A_11 = vector.broadcast %broadcast_in_dim3A_10 : f32 to vector<16xf32>
    %swap3A_12 = arith.constant 32 : index
    %swap3A_13 = tpu.vector_load %arg6[%swap3A_12] {strides = array<i32>} : memref<128xf32, #tpu.memory_space<vmem>>, vector<16xf32>,
    %swap3A_14 = vector.shape_cast %swap3A_13 : vector<16xf32> to vector<16xf32>
    %swap3A_15 = vector.shape_cast %broadcast_in_dim3A_11 : vector<16xf32> to vector<16xf32>
    tpu.vector_store %arg6[%swap3A_12], %swap3A_15 {strides = array<i32>} : memref<128xf32, #tpu.memory_space<vmem>>, vector<16xf32>,
    %broadcast_in_dim3A_16 = arith.constant 1.000000e+00 : f32
    %broadcast_in_dim3A_17 = vector.broadcast %broadcast_in_dim3A_16 : f32 to vector<16xf32>
    %swap3A_18 = arith.constant 48 : index
    %swap3A_19 = tpu.vector_load %arg6[%swap3A_18] {strides = array<i32>} : memref<128xf32, #tpu.memory_space<vmem>>, vector<16xf32>,
    %swap3A_20 = vector.shape_cast %swap3A_19 : vector<16xf32> to vector<16xf32>
    %swap3A_21 = vector.shape_cast %broadcast_in_dim3A_17 : vector<16xf32> to vector<16xf32>
    tpu.vector_store %arg6[%swap3A_18], %swap3A_21 {strides = array<i32>} : memref<128xf32, #tpu.memory_space<vmem>>, vector<16xf32>,
    %broadcast_in_dim3A_22 = arith.constant 1.000000e+00 : f32
    %broadcast_in_dim3A_23 = vector.broadcast %broadcast_in_dim3A_22 : f32 to vector<16xf32>
    %swap3A_24 = arith.constant 64 : index
    %swap3A_25 = tpu.vector_load %arg6[%swap3A_24] {strides = array<i32>} : memref<128xf32, #tpu.memory_space<vmem>>, vector<16xf32>,
    %swap3A_26 = vector.shape_cast %swap3A_25 : vector<16xf32> to vector<16xf32>
    %swap3A_27 = vector.shape_cast %broadcast_in_dim3A_23 : vector<16xf32> to vector<16xf32>
    tpu.vector_store %arg6[%swap3A_24], %swap3A_27 {strides = array<i32>} : memref<128xf32, #tpu.memory_space<vmem>>, vector<16xf32>,
    %broadcast_in_dim3A_28 = arith.constant 1.000000e+00 : f32
    %broadcast_in_dim3A_29 = vector.broadcast %broadcast_in_dim3A_28 : f32 to vector<16xf32>
    %swap3A_30 = arith.constant 80 : index
    %swap3A_31 = tpu.vector_load %arg6[%swap3A_30] {strides = array<i32>} : memref<128xf32, #tpu.memory_space<vmem>>, vector<16xf32>,
    %swap3A_32 = vector.shape_cast %swap3A_31 : vector<16xf32> to vector<16xf32>
    %swap3A_33 = vector.shape_cast %broadcast_in_dim3A_29 : vector<16xf32> to vector<16xf32>
    tpu.vector_store %arg6[%swap3A_30], %swap3A_33 {strides = array<i32>} : memref<128xf32, #tpu.memory_space<vmem>>, vector<16xf32>,
    %broadcast_in_dim3A_34 = arith.constant 1.000000e+00 : f32
    %broadcast_in_dim3A_35 = vector.broadcast %broadcast_in_dim3A_34 : f32 to vector<16xf32>
    %swap3A_36 = arith.constant 96 : index
    %swap3A_37 = tpu.vector_load %arg6[%swap3A_36] {strides = array<i32>} : memref<128xf32, #tpu.memory_space<vmem>>, vector<16xf32>,
    %swap3A_38 = vector.shape_cast %swap3A_37 : vector<16xf32> to vector<16xf32>
    %swap3A_39 = vector.shape_cast %broadcast_in_dim3A_35 : vector<16xf32> to vector<16xf32>
    tpu.vector_store %arg6[%swap3A_36], %swap3A_39 {strides = array<i32>} : memref<128xf32, #tpu.memory_space<vmem>>, vector<16xf32>,
    %broadcast_in_dim3A_40 = arith.constant 1.000000e+00 : f32
    %broadcast_in_dim3A_41 = vector.broadcast %broadcast_in_dim3A_40 : f32 to vector<16xf32>
    %swap3A_42 = arith.constant 112 : index
    %swap3A_43 = tpu.vector_load %arg6[%swap3A_42] {strides = array<i32>} : memref<128xf32, #tpu.memory_space<vmem>>, vector<16xf32>,
    %swap3A_44 = vector.shape_cast %swap3A_43 : vector<16xf32> to vector<16xf32>
    %swap3A_45 = vector.shape_cast %broadcast_in_dim3A_41 : vector<16xf32> to vector<16xf32>
    tpu.vector_store %arg6[%swap3A_42], %swap3A_45 {strides = array<i32>} : memref<128xf32, #tpu.memory_space<vmem>>, vector<16xf32>,
    %broadcast_in_dim3A_46 = arith.constant 0.000000e+00 : f32
    %broadcast_in_dim3A_47 = vector.broadcast %broadcast_in_dim3A_46 : f32 to vector<16xf32>
    %swap3A_48 = arith.constant 0 : index
    %swap3A_49 = tpu.vector_load %arg7[%swap3A_48] {strides = array<i32>} : memref<640xf32, #tpu.memory_space<vmem>>, vector<16xf32>,
    %swap3A_50 = vector.shape_cast %swap3A_49 : vector<16xf32> to vector<16xf32>
    %swap3A_51 = vector.shape_cast %broadcast_in_dim3A_47 : vector<16xf32> to vector<16xf32>
    tpu.vector_store %arg7[%swap3A_48], %swap3A_51 {strides = array<i32>} : memref<640xf32, #tpu.memory_space<vmem>>, vector<16xf32>,
    %broadcast_in_dim3A_52 = arith.constant 0.000000e+00 : f32
    %broadcast_in_dim3A_53 = vector.broadcast %broadcast_in_dim3A_52 : f32 to vector<16xf32>
    %swap3A_54 = arith.constant 16 : index
    %swap3A_55 = tpu.vector_load %arg7[%swap3A_54] {strides = array<i32>} : memref<640xf32, #tpu.memory_space<vmem>>, vector<16xf32>,
    %swap3A_56 = vector.shape_cast %swap3A_55 : vector<16xf32> to vector<16xf32>
    %swap3A_57 = vector.shape_cast %broadcast_in_dim3A_53 : vector<16xf32> to vector<16xf32>
    tpu.vector_store %arg7[%swap3A_54], %swap3A_57 {strides = array<i32>} : memref<640xf32, #tpu.memory_space<vmem>>, vector<16xf32>,
    %broadcast_in_dim3A_58 = arith.constant 0.000000e+00 : f32
    %broadcast_in_dim3A_59 = vector.broadcast %broadcast_in_dim3A_58 : f32 to vector<16xf32>
    %swap3A_60 = arith.constant 32 : index
    %swap3A_61 = tpu.vector_load %arg7[%swap3A_60] {strides = array<i32>} : memref<640xf32, #tpu.memory_space<vmem>>, vector<16xf32>,
    %swap3A_62 = vector.shape_cast %swap3A_61 : vector<16xf32> to vector<16xf32>
    %swap3A_63 = vector.shape_cast %broadcast_in_dim3A_59 : vector<16xf32> to vector<16xf32>
    tpu.vector_store %arg7[%swap3A_60], %swap3A_63 {strides = array<i32>} : memref<640xf32, #tpu.memory_space<vmem>>, vector<16xf32>,
    %broadcast_in_dim3A_64 = arith.constant 0.000000e+00 : f32
    %broadcast_in_dim3A_65 = vector.broadcast %broadcast_in_dim3A_64 : f32 to vector<16xf32>
    %swap3A_66 = arith.constant 48 : index
    %swap3A_67 = tpu.vector_load %arg7[%swap3A_66] {strides = array<i32>} : memref<640xf32, #tpu.memory_space<vmem>>, vector<16xf32>,
    %swap3A_68 = vector.shape_cast %swap3A_67 : vector<16xf32> to vector<16xf32>
    %swap3A_69 = vector.shape_cast %broadcast_in_dim3A_65 : vector<16xf32> to vector<16xf32>
    tpu.vector_store %arg7[%swap3A_66], %swap3A_69 {strides = array<i32>} : memref<640xf32, #tpu.memory_space<vmem>>, vector<16xf32>,
    %broadcast_in_dim3A_70 = arith.constant 0.000000e+00 : f32
    %broadcast_in_dim3A_71 = vector.broadcast %broadcast_in_dim3A_70 : f32 to vector<16xf32>
    %swap3A_72 = arith.constant 64 : index
    %swap3A_73 = tpu.vector_load %arg7[%swap3A_72] {strides = array<i32>} : memref<640xf32, #tpu.memory_space<vmem>>, vector<16xf32>,
    %swap3A_74 = vector.shape_cast %swap3A_73 : vector<16xf32> to vector<16xf32>
    %swap3A_75 = vector.shape_cast %broadcast_in_dim3A_71 : vector<16xf32> to vector<16xf32>
    tpu.vector_store %arg7[%swap3A_72], %swap3A_75 {strides = array<i32>} : memref<640xf32, #tpu.memory_space<vmem>>, vector<16xf32>,
    %broadcast_in_dim3A_76 = arith.constant 0.000000e+00 : f32
    %broadcast_in_dim3A_77 = vector.broadcast %broadcast_in_dim3A_76 : f32 to vector<16xf32>
    %swap3A_78 = arith.constant 80 : index
    %swap3A_79 = tpu.vector_load %arg7[%swap3A_78] {strides = array<i32>} : memref<640xf32, #tpu.memory_space<vmem>>, vector<16xf32>,
    %swap3A_80 = vector.shape_cast %swap3A_79 : vector<16xf32> to vector<16xf32>
    %swap3A_81 = vector.shape_cast %broadcast_in_dim3A_77 : vector<16xf32> to vector<16xf32>
    tpu.vector_store %arg7[%swap3A_78], %swap3A_81 {strides = array<i32>} : memref<640xf32, #tpu.memory_space<vmem>>, vector<16xf32>,
    %broadcast_in_dim3A_82 = arith.constant 0.000000e+00 : f32
    %broadcast_in_dim3A_83 = vector.broadcast %broadcast_in_dim3A_82 : f32 to vector<16xf32>
    %swap3A_84 = arith.constant 96 : index
    %swap3A_85 = tpu.vector_load %arg7[%swap3A_84] {strides = array<i32>} : memref<640xf32, #tpu.memory_space<vmem>>, vector<16xf32>,
    %swap3A_86 = vector.shape_cast %swap3A_85 : vector<16xf32> to vector<16xf32>
    %swap3A_87 = vector.shape_cast %broadcast_in_dim3A_83 : vector<16xf32> to vector<16xf32>
    tpu.vector_store %arg7[%swap3A_84], %swap3A_87 {strides = array<i32>} : memref<640xf32, #tpu.memory_space<vmem>>, vector<16xf32>,
    %broadcast_in_dim3A_88 = arith.constant 0.000000e+00 : f32
    %broadcast_in_dim3A_89 = vector.broadcast %broadcast_in_dim3A_88 : f32 to vector<16xf32>
    %swap3A_90 = arith.constant 112 : index
    %swap3A_91 = tpu.vector_load %arg7[%swap3A_90] {strides = array<i32>} : memref<640xf32, #tpu.memory_space<vmem>>, vector<16xf32>,
    %swap3A_92 = vector.shape_cast %swap3A_91 : vector<16xf32> to vector<16xf32>
    %swap3A_93 = vector.shape_cast %broadcast_in_dim3A_89 : vector<16xf32> to vector<16xf32>
    tpu.vector_store %arg7[%swap3A_90], %swap3A_93 {strides = array<i32>} : memref<640xf32, #tpu.memory_space<vmem>>, vector<16xf32>,
    %broadcast_in_dim3A_94 = arith.constant 0.000000e+00 : f32
    %broadcast_in_dim3A_95 = vector.broadcast %broadcast_in_dim3A_94 : f32 to vector<16xf32>
    %swap3A_96 = arith.constant 128 : index
    %swap3A_97 = tpu.vector_load %arg7[%swap3A_96] {strides = array<i32>} : memref<640xf32, #tpu.memory_space<vmem>>, vector<16xf32>,
    %swap3A_98 = vector.shape_cast %swap3A_97 : vector<16xf32> to vector<16xf32>
    %swap3A_99 = vector.shape_cast %broadcast_in_dim3A_95 : vector<16xf32> to vector<16xf32>
    tpu.vector_store %arg7[%swap3A_96], %swap3A_99 {strides = array<i32>} : memref<640xf32, #tpu.memory_space<vmem>>, vector<16xf32>,
    %broadcast_in_dim3A_100 = arith.constant 0.000000e+00 : f32
    %broadcast_in_dim3A_101 = vector.broadcast %broadcast_in_dim3A_100 : f32 to vector<16xf32>
    %swap3A_102 = arith.constant 144 : index
    %swap3A_103 = tpu.vector_load %arg7[%swap3A_102] {strides = array<i32>} : memref<640xf32, #tpu.memory_space<vmem>>, vector<16xf32>,
    %swap3A_104 = vector.shape_cast %swap3A_103 : vector<16xf32> to vector<16xf32>
    %swap3A_105 = vector.shape_cast %broadcast_in_dim3A_101 : vector<16xf32> to vector<16xf32>
    tpu.vector_store %arg7[%swap3A_102], %swap3A_105 {strides = array<i32>} : memref<640xf32, #tpu.memory_space<vmem>>, vector<16xf32>,
    %broadcast_in_dim3A_106 = arith.constant 0.000000e+00 : f32
    %broadcast_in_dim3A_107 = vector.broadcast %broadcast_in_dim3A_106 : f32 to vector<16xf32>
    %swap3A_108 = arith.constant 160 : index
    %swap3A_109 = tpu.vector_load %arg7[%swap3A_108] {strides = array<i32>} : memref<640xf32, #tpu.memory_space<vmem>>, vector<16xf32>,
    %swap3A_110 = vector.shape_cast %swap3A_109 : vector<16xf32> to vector<16xf32>
    %swap3A_111 = vector.shape_cast %broadcast_in_dim3A_107 : vector<16xf32> to vector<16xf32>
    tpu.vector_store %arg7[%swap3A_108], %swap3A_111 {strides = array<i32>} : memref<640xf32, #tpu.memory_space<vmem>>, vector<16xf32>,
    %broadcast_in_dim3A_112 = arith.constant 0.000000e+00 : f32
    %broadcast_in_dim3A_113 = vector.broadcast %broadcast_in_dim3A_112 : f32 to vector<16xf32>
    %swap3A_114 = arith.constant 176 : index
    %swap3A_115 = tpu.vector_load %arg7[%swap3A_114] {strides = array<i32>} : memref<640xf32, #tpu.memory_space<vmem>>, vector<16xf32>,
    %swap3A_116 = vector.shape_cast %swap3A_115 : vector<16xf32> to vector<16xf32>
    %swap3A_117 = vector.shape_cast %broadcast_in_dim3A_113 : vector<16xf32> to vector<16xf32>
    tpu.vector_store %arg7[%swap3A_114], %swap3A_117 {strides = array<i32>} : memref<640xf32, #tpu.memory_space<vmem>>, vector<16xf32>,
    %broadcast_in_dim3A_118 = arith.constant 0.000000e+00 : f32
    %broadcast_in_dim3A_119 = vector.broadcast %broadcast_in_dim3A_118 : f32 to vector<16xf32>
    %swap3A_120 = arith.constant 192 : index
    %swap3A_121 = tpu.vector_load %arg7[%swap3A_120] {strides = array<i32>} : memref<640xf32, #tpu.memory_space<vmem>>, vector<16xf32>,
    %swap3A_122 = vector.shape_cast %swap3A_121 : vector<16xf32> to vector<16xf32>
    %swap3A_123 = vector.shape_cast %broadcast_in_dim3A_119 : vector<16xf32> to vector<16xf32>
    tpu.vector_store %arg7[%swap3A_120], %swap3A_123 {strides = array<i32>} : memref<640xf32, #tpu.memory_space<vmem>>, vector<16xf32>,
    %broadcast_in_dim3A_124 = arith.constant 0.000000e+00 : f32
    %broadcast_in_dim3A_125 = vector.broadcast %broadcast_in_dim3A_124 : f32 to vector<16xf32>
    %swap3A_126 = arith.constant 208 : index
    %swap3A_127 = tpu.vector_load %arg7[%swap3A_126] {strides = array<i32>} : memref<640xf32, #tpu.memory_space<vmem>>, vector<16xf32>,
    %swap3A_128 = vector.shape_cast %swap3A_127 : vector<16xf32> to vector<16xf32>
    %swap3A_129 = vector.shape_cast %broadcast_in_dim3A_125 : vector<16xf32> to vector<16xf32>
    tpu.vector_store %arg7[%swap3A_126], %swap3A_129 {strides = array<i32>} : memref<640xf32, #tpu.memory_space<vmem>>, vector<16xf32>,
    %broadcast_in_dim3A_130 = arith.constant 0.000000e+00 : f32
    %broadcast_in_dim3A_131 = vector.broadcast %broadcast_in_dim3A_130 : f32 to vector<16xf32>
    %swap3A_132 = arith.constant 224 : index
    %swap3A_133 = tpu.vector_load %arg7[%swap3A_132] {strides = array<i32>} : memref<640xf32, #tpu.memory_space<vmem>>, vector<16xf32>,
    %swap3A_134 = vector.shape_cast %swap3A_133 : vector<16xf32> to vector<16xf32>
    %swap3A_135 = vector.shape_cast %broadcast_in_dim3A_131 : vector<16xf32> to vector<16xf32>
    tpu.vector_store %arg7[%swap3A_132], %swap3A_135 {strides = array<i32>} : memref<640xf32, #tpu.memory_space<vmem>>, vector<16xf32>,
    %broadcast_in_dim3A_136 = arith.constant 0.000000e+00 : f32
    %broadcast_in_dim3A_137 = vector.broadcast %broadcast_in_dim3A_136 : f32 to vector<16xf32>
    %swap3A_138 = arith.constant 240 : index
    %swap3A_139 = tpu.vector_load %arg7[%swap3A_138] {strides = array<i32>} : memref<640xf32, #tpu.memory_space<vmem>>, vector<16xf32>,
    %swap3A_140 = vector.shape_cast %swap3A_139 : vector<16xf32> to vector<16xf32>
    %swap3A_141 = vector.shape_cast %broadcast_in_dim3A_137 : vector<16xf32> to vector<16xf32>
    tpu.vector_store %arg7[%swap3A_138], %swap3A_141 {strides = array<i32>} : memref<640xf32, #tpu.memory_space<vmem>>, vector<16xf32>,
    %broadcast_in_dim3A_142 = arith.constant 0.000000e+00 : f32
    %broadcast_in_dim3A_143 = vector.broadcast %broadcast_in_dim3A_142 : f32 to vector<16xf32>
    %swap3A_144 = arith.constant 256 : index
    %swap3A_145 = tpu.vector_load %arg7[%swap3A_144] {strides = array<i32>} : memref<640xf32, #tpu.memory_space<vmem>>, vector<16xf32>,
    %swap3A_146 = vector.shape_cast %swap3A_145 : vector<16xf32> to vector<16xf32>
    %swap3A_147 = vector.shape_cast %broadcast_in_dim3A_143 : vector<16xf32> to vector<16xf32>
    tpu.vector_store %arg7[%swap3A_144], %swap3A_147 {strides = array<i32>} : memref<640xf32, #tpu.memory_space<vmem>>, vector<16xf32>,
    %broadcast_in_dim3A_148 = arith.constant 0.000000e+00 : f32
    %broadcast_in_dim3A_149 = vector.broadcast %broadcast_in_dim3A_148 : f32 to vector<16xf32>
    %swap3A_150 = arith.constant 272 : index
    %swap3A_151 = tpu.vector_load %arg7[%swap3A_150] {strides = array<i32>} : memref<640xf32, #tpu.memory_space<vmem>>, vector<16xf32>,
    %swap3A_152 = vector.shape_cast %swap3A_151 : vector<16xf32> to vector<16xf32>
    %swap3A_153 = vector.shape_cast %broadcast_in_dim3A_149 : vector<16xf32> to vector<16xf32>
    tpu.vector_store %arg7[%swap3A_150], %swap3A_153 {strides = array<i32>} : memref<640xf32, #tpu.memory_space<vmem>>, vector<16xf32>,
    %broadcast_in_dim3A_154 = arith.constant 0.000000e+00 : f32
    %broadcast_in_dim3A_155 = vector.broadcast %broadcast_in_dim3A_154 : f32 to vector<16xf32>
    %swap3A_156 = arith.constant 288 : index
    %swap3A_157 = tpu.vector_load %arg7[%swap3A_156] {strides = array<i32>} : memref<640xf32, #tpu.memory_space<vmem>>, vector<16xf32>,
    %swap3A_158 = vector.shape_cast %swap3A_157 : vector<16xf32> to vector<16xf32>
    %swap3A_159 = vector.shape_cast %broadcast_in_dim3A_155 : vector<16xf32> to vector<16xf32>
    tpu.vector_store %arg7[%swap3A_156], %swap3A_159 {strides = array<i32>} : memref<640xf32, #tpu.memory_space<vmem>>, vector<16xf32>,
    %broadcast_in_dim3A_160 = arith.constant 0.000000e+00 : f32
    %broadcast_in_dim3A_161 = vector.broadcast %broadcast_in_dim3A_160 : f32 to vector<16xf32>
    %swap3A_162 = arith.constant 304 : index
    %swap3A_163 = tpu.vector_load %arg7[%swap3A_162] {strides = array<i32>} : memref<640xf32, #tpu.memory_space<vmem>>, vector<16xf32>,
    %swap3A_164 = vector.shape_cast %swap3A_163 : vector<16xf32> to vector<16xf32>
    %swap3A_165 = vector.shape_cast %broadcast_in_dim3A_161 : vector<16xf32> to vector<16xf32>
    tpu.vector_store %arg7[%swap3A_162], %swap3A_165 {strides = array<i32>} : memref<640xf32, #tpu.memory_space<vmem>>, vector<16xf32>,
    %broadcast_in_dim3A_166 = arith.constant 0.000000e+00 : f32
    %broadcast_in_dim3A_167 = vector.broadcast %broadcast_in_dim3A_166 : f32 to vector<16xf32>
    %swap3A_168 = arith.constant 320 : index
    %swap3A_169 = tpu.vector_load %arg7[%swap3A_168] {strides = array<i32>} : memref<640xf32, #tpu.memory_space<vmem>>, vector<16xf32>,
    %swap3A_170 = vector.shape_cast %swap3A_169 : vector<16xf32> to vector<16xf32>
    %swap3A_171 = vector.shape_cast %broadcast_in_dim3A_167 : vector<16xf32> to vector<16xf32>
    tpu.vector_store %arg7[%swap3A_168], %swap3A_171 {strides = array<i32>} : memref<640xf32, #tpu.memory_space<vmem>>, vector<16xf32>,
    %broadcast_in_dim3A_172 = arith.constant 0.000000e+00 : f32
    %broadcast_in_dim3A_173 = vector.broadcast %broadcast_in_dim3A_172 : f32 to vector<16xf32>
    %swap3A_174 = arith.constant 336 : index
    %swap3A_175 = tpu.vector_load %arg7[%swap3A_174] {strides = array<i32>} : memref<640xf32, #tpu.memory_space<vmem>>, vector<16xf32>,
    %swap3A_176 = vector.shape_cast %swap3A_175 : vector<16xf32> to vector<16xf32>
    %swap3A_177 = vector.shape_cast %broadcast_in_dim3A_173 : vector<16xf32> to vector<16xf32>
    tpu.vector_store %arg7[%swap3A_174], %swap3A_177 {strides = array<i32>} : memref<640xf32, #tpu.memory_space<vmem>>, vector<16xf32>,
    %broadcast_in_dim3A_178 = arith.constant 0.000000e+00 : f32
    %broadcast_in_dim3A_179 = vector.broadcast %broadcast_in_dim3A_178 : f32 to vector<16xf32>
    %swap3A_180 = arith.constant 352 : index
    %swap3A_181 = tpu.vector_load %arg7[%swap3A_180] {strides = array<i32>} : memref<640xf32, #tpu.memory_space<vmem>>, vector<16xf32>,
    %swap3A_182 = vector.shape_cast %swap3A_181 : vector<16xf32> to vector<16xf32>
    %swap3A_183 = vector.shape_cast %broadcast_in_dim3A_179 : vector<16xf32> to vector<16xf32>
    tpu.vector_store %arg7[%swap3A_180], %swap3A_183 {strides = array<i32>} : memref<640xf32, #tpu.memory_space<vmem>>, vector<16xf32>,
    %broadcast_in_dim3A_184 = arith.constant 0.000000e+00 : f32
    %broadcast_in_dim3A_185 = vector.broadcast %broadcast_in_dim3A_184 : f32 to vector<16xf32>
    %swap3A_186 = arith.constant 368 : index
    %swap3A_187 = tpu.vector_load %arg7[%swap3A_186] {strides = array<i32>} : memref<640xf32, #tpu.memory_space<vmem>>, vector<16xf32>,
    %swap3A_188 = vector.shape_cast %swap3A_187 : vector<16xf32> to vector<16xf32>
    %swap3A_189 = vector.shape_cast %broadcast_in_dim3A_185 : vector<16xf32> to vector<16xf32>
    tpu.vector_store %arg7[%swap3A_186], %swap3A_189 {strides = array<i32>} : memref<640xf32, #tpu.memory_space<vmem>>, vector<16xf32>,
    %broadcast_in_dim3A_190 = arith.constant 0.000000e+00 : f32
    %broadcast_in_dim3A_191 = vector.broadcast %broadcast_in_dim3A_190 : f32 to vector<16xf32>
    %swap3A_192 = arith.constant 384 : index
    %swap3A_193 = tpu.vector_load %arg7[%swap3A_192] {strides = array<i32>} : memref<640xf32, #tpu.memory_space<vmem>>, vector<16xf32>,
    %swap3A_194 = vector.shape_cast %swap3A_193 : vector<16xf32> to vector<16xf32>
    %swap3A_195 = vector.shape_cast %broadcast_in_dim3A_191 : vector<16xf32> to vector<16xf32>
    tpu.vector_store %arg7[%swap3A_192], %swap3A_195 {strides = array<i32>} : memref<640xf32, #tpu.memory_space<vmem>>, vector<16xf32>,
    %broadcast_in_dim3A_196 = arith.constant 0.000000e+00 : f32
    %broadcast_in_dim3A_197 = vector.broadcast %broadcast_in_dim3A_196 : f32 to vector<16xf32>
    %swap3A_198 = arith.constant 400 : index
    %swap3A_199 = tpu.vector_load %arg7[%swap3A_198] {strides = array<i32>} : memref<640xf32, #tpu.memory_space<vmem>>, vector<16xf32>,
    %swap3A_200 = vector.shape_cast %swap3A_199 : vector<16xf32> to vector<16xf32>
    %swap3A_201 = vector.shape_cast %broadcast_in_dim3A_197 : vector<16xf32> to vector<16xf32>
    tpu.vector_store %arg7[%swap3A_198], %swap3A_201 {strides = array<i32>} : memref<640xf32, #tpu.memory_space<vmem>>, vector<16xf32>,
    %broadcast_in_dim3A_202 = arith.constant 0.000000e+00 : f32
    %broadcast_in_dim3A_203 = vector.broadcast %broadcast_in_dim3A_202 : f32 to vector<16xf32>
    %swap3A_204 = arith.constant 416 : index
    %swap3A_205 = tpu.vector_load %arg7[%swap3A_204] {strides = array<i32>} : memref<640xf32, #tpu.memory_space<vmem>>, vector<16xf32>,
    %swap3A_206 = vector.shape_cast %swap3A_205 : vector<16xf32> to vector<16xf32>
    %swap3A_207 = vector.shape_cast %broadcast_in_dim3A_203 : vector<16xf32> to vector<16xf32>
    tpu.vector_store %arg7[%swap3A_204], %swap3A_207 {strides = array<i32>} : memref<640xf32, #tpu.memory_space<vmem>>, vector<16xf32>,
    %broadcast_in_dim3A_208 = arith.constant 0.000000e+00 : f32
    %broadcast_in_dim3A_209 = vector.broadcast %broadcast_in_dim3A_208 : f32 to vector<16xf32>
    %swap3A_210 = arith.constant 432 : index
    %swap3A_211 = tpu.vector_load %arg7[%swap3A_210] {strides = array<i32>} : memref<640xf32, #tpu.memory_space<vmem>>, vector<16xf32>,
    %swap3A_212 = vector.shape_cast %swap3A_211 : vector<16xf32> to vector<16xf32>
    %swap3A_213 = vector.shape_cast %broadcast_in_dim3A_209 : vector<16xf32> to vector<16xf32>
    tpu.vector_store %arg7[%swap3A_210], %swap3A_213 {strides = array<i32>} : memref<640xf32, #tpu.memory_space<vmem>>, vector<16xf32>,
    %broadcast_in_dim3A_214 = arith.constant 0.000000e+00 : f32
    %broadcast_in_dim3A_215 = vector.broadcast %broadcast_in_dim3A_214 : f32 to vector<16xf32>
    %swap3A_216 = arith.constant 448 : index
    %swap3A_217 = tpu.vector_load %arg7[%swap3A_216] {strides = array<i32>} : memref<640xf32, #tpu.memory_space<vmem>>, vector<16xf32>,
    %swap3A_218 = vector.shape_cast %swap3A_217 : vector<16xf32> to vector<16xf32>
    %swap3A_219 = vector.shape_cast %broadcast_in_dim3A_215 : vector<16xf32> to vector<16xf32>
    tpu.vector_store %arg7[%swap3A_216], %swap3A_219 {strides = array<i32>} : memref<640xf32, #tpu.memory_space<vmem>>, vector<16xf32>,
    %broadcast_in_dim3A_220 = arith.constant 0.000000e+00 : f32
    %broadcast_in_dim3A_221 = vector.broadcast %broadcast_in_dim3A_220 : f32 to vector<16xf32>
    %swap3A_222 = arith.constant 464 : index
    %swap3A_223 = tpu.vector_load %arg7[%swap3A_222] {strides = array<i32>} : memref<640xf32, #tpu.memory_space<vmem>>, vector<16xf32>,
    %swap3A_224 = vector.shape_cast %swap3A_223 : vector<16xf32> to vector<16xf32>
    %swap3A_225 = vector.shape_cast %broadcast_in_dim3A_221 : vector<16xf32> to vector<16xf32>
    tpu.vector_store %arg7[%swap3A_222], %swap3A_225 {strides = array<i32>} : memref<640xf32, #tpu.memory_space<vmem>>, vector<16xf32>,
    %broadcast_in_dim3A_226 = arith.constant 0.000000e+00 : f32
    %broadcast_in_dim3A_227 = vector.broadcast %broadcast_in_dim3A_226 : f32 to vector<16xf32>
    %swap3A_228 = arith.constant 480 : index
    %swap3A_229 = tpu.vector_load %arg7[%swap3A_228] {strides = array<i32>} : memref<640xf32, #tpu.memory_space<vmem>>, vector<16xf32>,
    %swap3A_230 = vector.shape_cast %swap3A_229 : vector<16xf32> to vector<16xf32>
    %swap3A_231 = vector.shape_cast %broadcast_in_dim3A_227 : vector<16xf32> to vector<16xf32>
    tpu.vector_store %arg7[%swap3A_228], %swap3A_231 {strides = array<i32>} : memref<640xf32, #tpu.memory_space<vmem>>, vector<16xf32>,
    %broadcast_in_dim3A_232 = arith.constant 0.000000e+00 : f32
    %broadcast_in_dim3A_233 = vector.broadcast %broadcast_in_dim3A_232 : f32 to vector<16xf32>
    %swap3A_234 = arith.constant 496 : index
    %swap3A_235 = tpu.vector_load %arg7[%swap3A_234] {strides = array<i32>} : memref<640xf32, #tpu.memory_space<vmem>>, vector<16xf32>,
    %swap3A_236 = vector.shape_cast %swap3A_235 : vector<16xf32> to vector<16xf32>
    %swap3A_237 = vector.shape_cast %broadcast_in_dim3A_233 : vector<16xf32> to vector<16xf32>
    tpu.vector_store %arg7[%swap3A_234], %swap3A_237 {strides = array<i32>} : memref<640xf32, #tpu.memory_space<vmem>>, vector<16xf32>,
    %broadcast_in_dim3A_238 = arith.constant 0.000000e+00 : f32
    %broadcast_in_dim3A_239 = vector.broadcast %broadcast_in_dim3A_238 : f32 to vector<16xf32>
    %swap3A_240 = arith.constant 512 : index
    %swap3A_241 = tpu.vector_load %arg7[%swap3A_240] {strides = array<i32>} : memref<640xf32, #tpu.memory_space<vmem>>, vector<16xf32>,
    %swap3A_242 = vector.shape_cast %swap3A_241 : vector<16xf32> to vector<16xf32>
    %swap3A_243 = vector.shape_cast %broadcast_in_dim3A_239 : vector<16xf32> to vector<16xf32>
    tpu.vector_store %arg7[%swap3A_240], %swap3A_243 {strides = array<i32>} : memref<640xf32, #tpu.memory_space<vmem>>, vector<16xf32>,
    %broadcast_in_dim3A_244 = arith.constant 0.000000e+00 : f32
    %broadcast_in_dim3A_245 = vector.broadcast %broadcast_in_dim3A_244 : f32 to vector<16xf32>
    %swap3A_246 = arith.constant 528 : index
    %swap3A_247 = tpu.vector_load %arg7[%swap3A_246] {strides = array<i32>} : memref<640xf32, #tpu.memory_space<vmem>>, vector<16xf32>,
    %swap3A_248 = vector.shape_cast %swap3A_247 : vector<16xf32> to vector<16xf32>
    %swap3A_249 = vector.shape_cast %broadcast_in_dim3A_245 : vector<16xf32> to vector<16xf32>
    tpu.vector_store %arg7[%swap3A_246], %swap3A_249 {strides = array<i32>} : memref<640xf32, #tpu.memory_space<vmem>>, vector<16xf32>,
    %broadcast_in_dim3A_250 = arith.constant 0.000000e+00 : f32
    %broadcast_in_dim3A_251 = vector.broadcast %broadcast_in_dim3A_250 : f32 to vector<16xf32>
    %swap3A_252 = arith.constant 544 : index
    %swap3A_253 = tpu.vector_load %arg7[%swap3A_252] {strides = array<i32>} : memref<640xf32, #tpu.memory_space<vmem>>, vector<16xf32>,
    %swap3A_254 = vector.shape_cast %swap3A_253 : vector<16xf32> to vector<16xf32>
    %swap3A_255 = vector.shape_cast %broadcast_in_dim3A_251 : vector<16xf32> to vector<16xf32>
    tpu.vector_store %arg7[%swap3A_252], %swap3A_255 {strides = array<i32>} : memref<640xf32, #tpu.memory_space<vmem>>, vector<16xf32>,
    %broadcast_in_dim3A_256 = arith.constant 0.000000e+00 : f32
    %broadcast_in_dim3A_257 = vector.broadcast %broadcast_in_dim3A_256 : f32 to vector<16xf32>
    %swap3A_258 = arith.constant 560 : index
    %swap3A_259 = tpu.vector_load %arg7[%swap3A_258] {strides = array<i32>} : memref<640xf32, #tpu.memory_space<vmem>>, vector<16xf32>,
    %swap3A_260 = vector.shape_cast %swap3A_259 : vector<16xf32> to vector<16xf32>
    %swap3A_261 = vector.shape_cast %broadcast_in_dim3A_257 : vector<16xf32> to vector<16xf32>
    tpu.vector_store %arg7[%swap3A_258], %swap3A_261 {strides = array<i32>} : memref<640xf32, #tpu.memory_space<vmem>>, vector<16xf32>,
    %broadcast_in_dim3A_262 = arith.constant 0.000000e+00 : f32
    %broadcast_in_dim3A_263 = vector.broadcast %broadcast_in_dim3A_262 : f32 to vector<16xf32>
    %swap3A_264 = arith.constant 576 : index
    %swap3A_265 = tpu.vector_load %arg7[%swap3A_264] {strides = array<i32>} : memref<640xf32, #tpu.memory_space<vmem>>, vector<16xf32>,
    %swap3A_266 = vector.shape_cast %swap3A_265 : vector<16xf32> to vector<16xf32>
    %swap3A_267 = vector.shape_cast %broadcast_in_dim3A_263 : vector<16xf32> to vector<16xf32>
    tpu.vector_store %arg7[%swap3A_264], %swap3A_267 {strides = array<i32>} : memref<640xf32, #tpu.memory_space<vmem>>, vector<16xf32>,
    %broadcast_in_dim3A_268 = arith.constant 0.000000e+00 : f32
    %broadcast_in_dim3A_269 = vector.broadcast %broadcast_in_dim3A_268 : f32 to vector<16xf32>
    %swap3A_270 = arith.constant 592 : index
    %swap3A_271 = tpu.vector_load %arg7[%swap3A_270] {strides = array<i32>} : memref<640xf32, #tpu.memory_space<vmem>>, vector<16xf32>,
    %swap3A_272 = vector.shape_cast %swap3A_271 : vector<16xf32> to vector<16xf32>
    %swap3A_273 = vector.shape_cast %broadcast_in_dim3A_269 : vector<16xf32> to vector<16xf32>
    tpu.vector_store %arg7[%swap3A_270], %swap3A_273 {strides = array<i32>} : memref<640xf32, #tpu.memory_space<vmem>>, vector<16xf32>,
    %broadcast_in_dim3A_274 = arith.constant 0.000000e+00 : f32
    %broadcast_in_dim3A_275 = vector.broadcast %broadcast_in_dim3A_274 : f32 to vector<16xf32>
    %swap3A_276 = arith.constant 608 : index
    %swap3A_277 = tpu.vector_load %arg7[%swap3A_276] {strides = array<i32>} : memref<640xf32, #tpu.memory_space<vmem>>, vector<16xf32>,
    %swap3A_278 = vector.shape_cast %swap3A_277 : vector<16xf32> to vector<16xf32>
    %swap3A_279 = vector.shape_cast %broadcast_in_dim3A_275 : vector<16xf32> to vector<16xf32>
    tpu.vector_store %arg7[%swap3A_276], %swap3A_279 {strides = array<i32>} : memref<640xf32, #tpu.memory_space<vmem>>, vector<16xf32>,
    %broadcast_in_dim3A_280 = arith.constant 0.000000e+00 : f32
    %broadcast_in_dim3A_281 = vector.broadcast %broadcast_in_dim3A_280 : f32 to vector<16xf32>
    %swap3A_282 = arith.constant 624 : index
    %swap3A_283 = tpu.vector_load %arg7[%swap3A_282] {strides = array<i32>} : memref<640xf32, #tpu.memory_space<vmem>>, vector<16xf32>,
    %swap3A_284 = vector.shape_cast %swap3A_283 : vector<16xf32> to vector<16xf32>
    %swap3A_285 = vector.shape_cast %broadcast_in_dim3A_281 : vector<16xf32> to vector<16xf32>
    tpu.vector_store %arg7[%swap3A_282], %swap3A_285 {strides = array<i32>} : memref<640xf32, #tpu.memory_space<vmem>>, vector<16xf32>,
    %mul3A = arith.constant 640 : i32
    %mul3A_286 = arith.muli %arg1, %mul3A : i32
    "tpu.region"() ({
      %run_scoped3A_300 = tpu.sem_alloc : memref<!tpu.dma_semaphore, #tpu.memory_space<semaphore_mem>>
      %dma_start3A = tpu.memref_slice %arg8[%mul3A_286] : memref<10240xf32, #tpu.memory_space<vmem_shared>> -> memref<640xf32, #tpu.memory_space<vmem_shared>>
      %dma_start3A_301 = tpu.memref_slice %arg8[%mul3A_286] : memref<10240xf32, #tpu.memory_space<vmem_shared>> -> memref<640xf32, #tpu.memory_space<vmem_shared>>
      tpu.enqueue_dma source(%arg7 : memref<640xf32, #tpu.memory_space<vmem>>) target(%dma_start3A_301 : memref<640xf32, #tpu.memory_space<vmem_shared>>) target_semaphore(%run_scoped3A_300 : memref<!tpu.dma_semaphore, #tpu.memory_space<semaphore_mem>>)
      %dma_wait3A = tpu.memref_slice %arg8[%mul3A_286] : memref<10240xf32, #tpu.memory_space<vmem_shared>> -> memref<640xf32, #tpu.memory_space<vmem_shared>>
      %dma_wait3A_302 = tpu.memref_slice %arg8[%mul3A_286] : memref<10240xf32, #tpu.memory_space<vmem_shared>> -> memref<640xf32, #tpu.memory_space<vmem_shared>>
      tpu.wait_dma2 semaphore(%run_scoped3A_300 : memref<!tpu.dma_semaphore, #tpu.memory_space<semaphore_mem>>) src(%arg7 : memref<640xf32, #tpu.memory_space<vmem>>) dst(%dma_wait3A_302 : memref<640xf32, #tpu.memory_space<vmem_shared>>)
      tpu.yield
    }) : () -> ()
    "tpu.region"() ({
      %run_scoped3A_300 = tpu.sem_alloc : memref<!tpu.dma_semaphore, #tpu.memory_space<semaphore_mem>>
      %dma_start3A = tpu.memref_slice %arg9[%mul3A_286] : memref<10240xf32, #tpu.memory_space<vmem_shared>> -> memref<640xf32, #tpu.memory_space<vmem_shared>>
      %dma_start3A_301 = tpu.memref_slice %arg9[%mul3A_286] : memref<10240xf32, #tpu.memory_space<vmem_shared>> -> memref<640xf32, #tpu.memory_space<vmem_shared>>
      tpu.enqueue_dma source(%arg7 : memref<640xf32, #tpu.memory_space<vmem>>) target(%dma_start3A_301 : memref<640xf32, #tpu.memory_space<vmem_shared>>) target_semaphore(%run_scoped3A_300 : memref<!tpu.dma_semaphore, #tpu.memory_space<semaphore_mem>>)
      %dma_wait3A = tpu.memref_slice %arg9[%mul3A_286] : memref<10240xf32, #tpu.memory_space<vmem_shared>> -> memref<640xf32, #tpu.memory_space<vmem_shared>>
      %dma_wait3A_302 = tpu.memref_slice %arg9[%mul3A_286] : memref<10240xf32, #tpu.memory_space<vmem_shared>> -> memref<640xf32, #tpu.memory_space<vmem_shared>>
      tpu.wait_dma2 semaphore(%run_scoped3A_300 : memref<!tpu.dma_semaphore, #tpu.memory_space<semaphore_mem>>) src(%arg7 : memref<640xf32, #tpu.memory_space<vmem>>) dst(%dma_wait3A_302 : memref<640xf32, #tpu.memory_space<vmem_shared>>)
      tpu.yield
    }) : () -> ()
    %barrier3A = arith.constant 0 : index
    tpu.barrier barrier_id(%barrier3A)
    "tpu.region"() ({
      %run_scoped3A_300 = tpu.sem_alloc : memref<!tpu.dma_semaphore, #tpu.memory_space<semaphore_mem>>
      %dma_start3A = arith.constant 0 : i32
      %dma_start3A_301 = arith.constant 0 : i32
      %dma_start3A_302 = tpu.memref_slice %arg2[%arg0, %arg1, %dma_start3A, %dma_start3A_301] : memref<2x16x79x128xi32, #tpu.memory_space<hbm>> -> memref<1x1x79x128xi32, #tpu.memory_space<hbm>>
      %dma_start3A_303 = tpu.memref_squeeze %dma_start3A_302 : memref<1x1x79x128xi32, #tpu.memory_space<hbm>> -> memref<79x128xi32, #tpu.memory_space<hbm>>
      %dma_start3A_304 = arith.constant 0 : i32
      %dma_start3A_305 = arith.constant 0 : i32
      %dma_start3A_306 = tpu.memref_slice %arg2[%arg0, %arg1, %dma_start3A_304, %dma_start3A_305] : memref<2x16x79x128xi32, #tpu.memory_space<hbm>> -> memref<1x1x79x128xi32, #tpu.memory_space<hbm>>
      %dma_start3A_307 = tpu.memref_squeeze %dma_start3A_306 : memref<1x1x79x128xi32, #tpu.memory_space<hbm>> -> memref<79x128xi32, #tpu.memory_space<hbm>>
      tpu.enqueue_dma source(%dma_start3A_307 : memref<79x128xi32, #tpu.memory_space<hbm>>) target(%arg5 : memref<79x128xi32, #tpu.memory_space<vmem>>) target_semaphore(%run_scoped3A_300 : memref<!tpu.dma_semaphore, #tpu.memory_space<semaphore_mem>>)
      %dma_wait3A = arith.constant 0 : i32
      %dma_wait3A_308 = arith.constant 0 : i32
      %dma_wait3A_309 = tpu.memref_slice %arg2[%arg0, %arg1, %dma_wait3A, %dma_wait3A_308] : memref<2x16x79x128xi32, #tpu.memory_space<hbm>> -> memref<1x1x79x128xi32, #tpu.memory_space<hbm>>
      %dma_wait3A_310 = tpu.memref_squeeze %dma_wait3A_309 : memref<1x1x79x128xi32, #tpu.memory_space<hbm>> -> memref<79x128xi32, #tpu.memory_space<hbm>>
      %dma_wait3A_311 = arith.constant 0 : i32
      %dma_wait3A_312 = arith.constant 0 : i32
      %dma_wait3A_313 = tpu.memref_slice %arg2[%arg0, %arg1, %dma_wait3A_311, %dma_wait3A_312] : memref<2x16x79x128xi32, #tpu.memory_space<hbm>> -> memref<1x1x79x128xi32, #tpu.memory_space<hbm>>
      %dma_wait3A_314 = tpu.memref_squeeze %dma_wait3A_313 : memref<1x1x79x128xi32, #tpu.memory_space<hbm>> -> memref<79x128xi32, #tpu.memory_space<hbm>>
      tpu.wait_dma2 semaphore(%run_scoped3A_300 : memref<!tpu.dma_semaphore, #tpu.memory_space<semaphore_mem>>) src(%dma_wait3A_314 : memref<79x128xi32, #tpu.memory_space<hbm>>) dst(%arg5 : memref<79x128xi32, #tpu.memory_space<vmem>>)
      tpu.yield
    }) : () -> ()
    %scan3A = arith.constant 0 : i32
    %scan3A_287 = arith.constant 0 : i32
    %scan3A_288 = arith.constant 79 : i32
    %scan3A_289 = arith.addi %scan3A_287, %scan3A_288 : i32
    %scan3A_290 = arith.constant 1 : i32
    scf.for %scan3A_300 = %scan3A_287 to %scan3A_289 step %scan3A_290  : i32 {
      "tpu.region"() ({
        %run_scoped3A_301 = tpu.sem_alloc : memref<!tpu.dma_semaphore, #tpu.memory_space<semaphore_mem>>
        %dma_start3A = arith.constant 0 : i32
        %dma_start3A_302 = tpu.memref_slice %arg5[%scan3A_300, %dma_start3A] : memref<79x128xi32, #tpu.memory_space<vmem>> -> memref<1x128xi32, #tpu.memory_space<vmem>>
        %dma_start3A_303 = tpu.memref_squeeze %dma_start3A_302 : memref<1x128xi32, #tpu.memory_space<vmem>> -> memref<128xi32, #tpu.memory_space<vmem>>
        %dma_start3A_304 = arith.constant 0 : i32
        %dma_start3A_305 = tpu.memref_slice %arg8[%dma_start3A_304] : memref<10240xf32, #tpu.memory_space<vmem_shared>> -> memref<10240xf32, #tpu.memory_space<vmem_shared>>
        tpu.enqueue_indirect_dma source(%arg6 : memref<128xf32, #tpu.memory_space<vmem>>) target(%dma_start3A_305 : memref<10240xf32, #tpu.memory_space<vmem_shared>>) offsets(%dma_start3A_303 : memref<128xi32, #tpu.memory_space<vmem>>) semaphore(%run_scoped3A_301 : memref<!tpu.dma_semaphore, #tpu.memory_space<semaphore_mem>>) {add = true}
        %dma_wait3A = arith.constant 0 : i32
        %dma_wait3A_306 = tpu.memref_slice %arg5[%scan3A_300, %dma_wait3A] : memref<79x128xi32, #tpu.memory_space<vmem>> -> memref<1x128xi32, #tpu.memory_space<vmem>>
        %dma_wait3A_307 = tpu.memref_squeeze %dma_wait3A_306 : memref<1x128xi32, #tpu.memory_space<vmem>> -> memref<128xi32, #tpu.memory_space<vmem>>
        %dma_wait3A_308 = arith.constant 0 : i32
        %dma_wait3A_309 = tpu.memref_slice %arg8[%dma_wait3A_308] : memref<10240xf32, #tpu.memory_space<vmem_shared>> -> memref<10240xf32, #tpu.memory_space<vmem_shared>>
        tpu.wait_indirect_dma semaphore(%run_scoped3A_301 : memref<!tpu.dma_semaphore, #tpu.memory_space<semaphore_mem>>) src(%arg6 : memref<128xf32, #tpu.memory_space<vmem>>) dst(%dma_wait3A_309 : memref<10240xf32, #tpu.memory_space<vmem_shared>>)
        tpu.yield
      }) : () -> ()
    }
    %scan3A_291 = arith.constant 79 : i32
    "tpu.region"() ({
      %run_scoped3A_300 = tpu.sem_alloc : memref<!tpu.dma_semaphore, #tpu.memory_space<semaphore_mem>>
      %dma_start3A = arith.constant 0 : i32
      %dma_start3A_301 = arith.constant 0 : i32
      %dma_start3A_302 = tpu.memref_slice %arg3[%arg0, %arg1, %dma_start3A, %dma_start3A_301] : memref<2x16x79x128xi32, #tpu.memory_space<hbm>> -> memref<1x1x79x128xi32, #tpu.memory_space<hbm>>
      %dma_start3A_303 = tpu.memref_squeeze %dma_start3A_302 : memref<1x1x79x128xi32, #tpu.memory_space<hbm>> -> memref<79x128xi32, #tpu.memory_space<hbm>>
      %dma_start3A_304 = arith.constant 0 : i32
      %dma_start3A_305 = arith.constant 0 : i32
      %dma_start3A_306 = tpu.memref_slice %arg3[%arg0, %arg1, %dma_start3A_304, %dma_start3A_305] : memref<2x16x79x128xi32, #tpu.memory_space<hbm>> -> memref<1x1x79x128xi32, #tpu.memory_space<hbm>>
      %dma_start3A_307 = tpu.memref_squeeze %dma_start3A_306 : memref<1x1x79x128xi32, #tpu.memory_space<hbm>> -> memref<79x128xi32, #tpu.memory_space<hbm>>
      tpu.enqueue_dma source(%dma_start3A_307 : memref<79x128xi32, #tpu.memory_space<hbm>>) target(%arg5 : memref<79x128xi32, #tpu.memory_space<vmem>>) target_semaphore(%run_scoped3A_300 : memref<!tpu.dma_semaphore, #tpu.memory_space<semaphore_mem>>)
      %dma_wait3A = arith.constant 0 : i32
      %dma_wait3A_308 = arith.constant 0 : i32
      %dma_wait3A_309 = tpu.memref_slice %arg3[%arg0, %arg1, %dma_wait3A, %dma_wait3A_308] : memref<2x16x79x128xi32, #tpu.memory_space<hbm>> -> memref<1x1x79x128xi32, #tpu.memory_space<hbm>>
      %dma_wait3A_310 = tpu.memref_squeeze %dma_wait3A_309 : memref<1x1x79x128xi32, #tpu.memory_space<hbm>> -> memref<79x128xi32, #tpu.memory_space<hbm>>
      %dma_wait3A_311 = arith.constant 0 : i32
      %dma_wait3A_312 = arith.constant 0 : i32
      %dma_wait3A_313 = tpu.memref_slice %arg3[%arg0, %arg1, %dma_wait3A_311, %dma_wait3A_312] : memref<2x16x79x128xi32, #tpu.memory_space<hbm>> -> memref<1x1x79x128xi32, #tpu.memory_space<hbm>>
      %dma_wait3A_314 = tpu.memref_squeeze %dma_wait3A_313 : memref<1x1x79x128xi32, #tpu.memory_space<hbm>> -> memref<79x128xi32, #tpu.memory_space<hbm>>
      tpu.wait_dma2 semaphore(%run_scoped3A_300 : memref<!tpu.dma_semaphore, #tpu.memory_space<semaphore_mem>>) src(%dma_wait3A_314 : memref<79x128xi32, #tpu.memory_space<hbm>>) dst(%arg5 : memref<79x128xi32, #tpu.memory_space<vmem>>)
      tpu.yield
    }) : () -> ()
    %scan3A_292 = arith.constant 0 : i32
    %scan3A_293 = arith.constant 0 : i32
    %scan3A_294 = arith.constant 79 : i32
    %scan3A_295 = arith.addi %scan3A_293, %scan3A_294 : i32
    %scan3A_296 = arith.constant 1 : i32
    scf.for %scan3A_300 = %scan3A_293 to %scan3A_295 step %scan3A_296  : i32 {
      "tpu.region"() ({
        %run_scoped3A_301 = tpu.sem_alloc : memref<!tpu.dma_semaphore, #tpu.memory_space<semaphore_mem>>
        %dma_start3A = arith.constant 0 : i32
        %dma_start3A_302 = tpu.memref_slice %arg5[%scan3A_300, %dma_start3A] : memref<79x128xi32, #tpu.memory_space<vmem>> -> memref<1x128xi32, #tpu.memory_space<vmem>>
        %dma_start3A_303 = tpu.memref_squeeze %dma_start3A_302 : memref<1x128xi32, #tpu.memory_space<vmem>> -> memref<128xi32, #tpu.memory_space<vmem>>
        %dma_start3A_304 = arith.constant 0 : i32
        %dma_start3A_305 = tpu.memref_slice %arg9[%dma_start3A_304] : memref<10240xf32, #tpu.memory_space<vmem_shared>> -> memref<10240xf32, #tpu.memory_space<vmem_shared>>
        tpu.enqueue_indirect_dma source(%arg6 : memref<128xf32, #tpu.memory_space<vmem>>) target(%dma_start3A_305 : memref<10240xf32, #tpu.memory_space<vmem_shared>>) offsets(%dma_start3A_303 : memref<128xi32, #tpu.memory_space<vmem>>) semaphore(%run_scoped3A_301 : memref<!tpu.dma_semaphore, #tpu.memory_space<semaphore_mem>>) {add = true}
        %dma_wait3A = arith.constant 0 : i32
        %dma_wait3A_306 = tpu.memref_slice %arg5[%scan3A_300, %dma_wait3A] : memref<79x128xi32, #tpu.memory_space<vmem>> -> memref<1x128xi32, #tpu.memory_space<vmem>>
        %dma_wait3A_307 = tpu.memref_squeeze %dma_wait3A_306 : memref<1x128xi32, #tpu.memory_space<vmem>> -> memref<128xi32, #tpu.memory_space<vmem>>
        %dma_wait3A_308 = arith.constant 0 : i32
        %dma_wait3A_309 = tpu.memref_slice %arg9[%dma_wait3A_308] : memref<10240xf32, #tpu.memory_space<vmem_shared>> -> memref<10240xf32, #tpu.memory_space<vmem_shared>>
        tpu.wait_indirect_dma semaphore(%run_scoped3A_301 : memref<!tpu.dma_semaphore, #tpu.memory_space<semaphore_mem>>) src(%arg6 : memref<128xf32, #tpu.memory_space<vmem>>) dst(%dma_wait3A_309 : memref<10240xf32, #tpu.memory_space<vmem_shared>>)
        tpu.yield
      }) : () -> ()
    }
    %scan3A_297 = arith.constant 79 : i32
    %barrier3A_298 = arith.constant 0 : index
    tpu.barrier barrier_id(%barrier3A_298)
    %run_scoped3A = arith.constant 0 : i32
    "tpu.region"() ({
      %run_scoped3A_300 = tpu.sem_alloc : memref<!tpu.dma_semaphore, #tpu.memory_space<semaphore_mem>>
      %dma_start3A = tpu.memref_slice %arg4[%run_scoped3A, %arg0, %mul3A_286] : memref<2x2x10240xf32, #tpu.memory_space<hbm>> -> memref<1x1x640xf32, #tpu.memory_space<hbm>>
      %dma_start3A_301 = tpu.memref_squeeze %dma_start3A : memref<1x1x640xf32, #tpu.memory_space<hbm>> -> memref<640xf32, #tpu.memory_space<hbm>>
      %dma_start3A_302 = tpu.memref_slice %arg8[%mul3A_286] : memref<10240xf32, #tpu.memory_space<vmem_shared>> -> memref<640xf32, #tpu.memory_space<vmem_shared>>
      tpu.enqueue_dma source(%dma_start3A_302 : memref<640xf32, #tpu.memory_space<vmem_shared>>) target(%dma_start3A_301 : memref<640xf32, #tpu.memory_space<hbm>>) target_semaphore(%run_scoped3A_300 : memref<!tpu.dma_semaphore, #tpu.memory_space<semaphore_mem>>)
      %dma_wait3A = tpu.memref_slice %arg4[%run_scoped3A, %arg0, %mul3A_286] : memref<2x2x10240xf32, #tpu.memory_space<hbm>> -> memref<1x1x640xf32, #tpu.memory_space<hbm>>
      %dma_wait3A_303 = tpu.memref_squeeze %dma_wait3A : memref<1x1x640xf32, #tpu.memory_space<hbm>> -> memref<640xf32, #tpu.memory_space<hbm>>
      %dma_wait3A_304 = tpu.memref_slice %arg8[%mul3A_286] : memref<10240xf32, #tpu.memory_space<vmem_shared>> -> memref<640xf32, #tpu.memory_space<vmem_shared>>
      tpu.wait_dma2 semaphore(%run_scoped3A_300 : memref<!tpu.dma_semaphore, #tpu.memory_space<semaphore_mem>>) src(%dma_wait3A_304 : memref<640xf32, #tpu.memory_space<vmem_shared>>) dst(%dma_wait3A_303 : memref<640xf32, #tpu.memory_space<hbm>>)
      tpu.yield
    }) : () -> ()
    %run_scoped3A_299 = arith.constant 1 : i32
    "tpu.region"() ({
      %run_scoped3A_300 = tpu.sem_alloc : memref<!tpu.dma_semaphore, #tpu.memory_space<semaphore_mem>>
      %dma_start3A = tpu.memref_slice %arg4[%run_scoped3A_299, %arg0, %mul3A_286] : memref<2x2x10240xf32, #tpu.memory_space<hbm>> -> memref<1x1x640xf32, #tpu.memory_space<hbm>>
      %dma_start3A_301 = tpu.memref_squeeze %dma_start3A : memref<1x1x640xf32, #tpu.memory_space<hbm>> -> memref<640xf32, #tpu.memory_space<hbm>>
      %dma_start3A_302 = tpu.memref_slice %arg9[%mul3A_286] : memref<10240xf32, #tpu.memory_space<vmem_shared>> -> memref<640xf32, #tpu.memory_space<vmem_shared>>
      tpu.enqueue_dma source(%dma_start3A_302 : memref<640xf32, #tpu.memory_space<vmem_shared>>) target(%dma_start3A_301 : memref<640xf32, #tpu.memory_space<hbm>>) target_semaphore(%run_scoped3A_300 : memref<!tpu.dma_semaphore, #tpu.memory_space<semaphore_mem>>)
      %dma_wait3A = tpu.memref_slice %arg4[%run_scoped3A_299, %arg0, %mul3A_286] : memref<2x2x10240xf32, #tpu.memory_space<hbm>> -> memref<1x1x640xf32, #tpu.memory_space<hbm>>
      %dma_wait3A_303 = tpu.memref_squeeze %dma_wait3A : memref<1x1x640xf32, #tpu.memory_space<hbm>> -> memref<640xf32, #tpu.memory_space<hbm>>
      %dma_wait3A_304 = tpu.memref_slice %arg9[%mul3A_286] : memref<10240xf32, #tpu.memory_space<vmem_shared>> -> memref<640xf32, #tpu.memory_space<vmem_shared>>
      tpu.wait_dma2 semaphore(%run_scoped3A_300 : memref<!tpu.dma_semaphore, #tpu.memory_space<semaphore_mem>>) src(%dma_wait3A_304 : memref<640xf32, #tpu.memory_space<vmem_shared>>) dst(%dma_wait3A_303 : memref<640xf32, #tpu.memory_space<hbm>>)
      tpu.yield
    }) : () -> ()
    return
  }
}

#map = affine_map<(d0, d1) -> (0, 0)>
#map1 = affine_map<(d0, d1) -> (0, 0, 0, 0)>
module attributes {stable_mosaic.version = 14 : i64} {
  func.func @_sc_msg_body(%arg0: i32, %arg1: i32, %arg2: memref<10240x128xf32, #tpu.memory_space<hbm>>, %arg3: memref<2x16x79x128xi32, #tpu.memory_space<hbm>>, %arg4: memref<2x16x79x128xi32, #tpu.memory_space<hbm>>, %arg5: memref<2x16x79x128xi32, #tpu.memory_space<hbm>>, %arg6: memref<2x16x79x128xi32, #tpu.memory_space<hbm>>, %arg7: memref<2x2x10240x128xf32, #tpu.memory_space<hbm>>, %arg8: memref<79x128xi32, #tpu.memory_space<vmem>>, %arg9: memref<79x128xi32, #tpu.memory_space<vmem>>, %arg10: memref<128x128xf32, #tpu.memory_space<vmem>>, %arg11: memref<10240x128xf32, #tpu.memory_space<vmem_shared>>, %arg12: memref<!tpu.dma_semaphore, #tpu.memory_space<semaphore_mem>>) attributes {dimension_semantics = [#tpu.dimension_semantics<core_parallel>, #tpu.dimension_semantics<subcore_parallel>], iteration_bounds = array<i64: 2, 16>, scalar_prefetch = 0 : i64, scratch_operands = 5 : i64, tpu.core_type = #tpu.core_type<sc_vector_subcore>, window_params = [{transform_indices = #map}, {transform_indices = #map1}, {transform_indices = #map1}, {transform_indices = #map1}, {transform_indices = #map1}, {transform_indices = #map1}]} {
    %broadcast_in_dim3A = arith.constant 0.000000e+00 : f32
    %broadcast_in_dim3A_0 = vector.broadcast %broadcast_in_dim3A : f32 to vector<16xf32>
    %scan3A = arith.constant 0 : i32
    %scan3A_1 = arith.constant 0 : i32
    %scan3A_2 = arith.constant 128 : i32
    %scan3A_3 = arith.addi %scan3A_1, %scan3A_2 : i32
    %scan3A_4 = arith.constant 1 : i32
    scf.for %scan3A_43 = %scan3A_1 to %scan3A_3 step %scan3A_4  : i32 {
      %swap3A = arith.index_cast %scan3A_43 : i32 to index
      %swap3A_44 = arith.constant 0 : index
      %swap3A_45 = tpu.vector_load %arg10[%swap3A, %swap3A_44] {strides = array<i32>} : memref<128x128xf32, #tpu.memory_space<vmem>>, vector<1x16xf32>,
      %swap3A_46 = vector.shape_cast %swap3A_45 : vector<1x16xf32> to vector<16xf32>
      %swap3A_47 = vector.shape_cast %broadcast_in_dim3A_0 : vector<16xf32> to vector<1x16xf32>
      tpu.vector_store %arg10[%swap3A, %swap3A_44], %swap3A_47 {strides = array<i32>} : memref<128x128xf32, #tpu.memory_space<vmem>>, vector<1x16xf32>,
      %swap3A_48 = arith.index_cast %scan3A_43 : i32 to index
      %swap3A_49 = arith.constant 16 : index
      %swap3A_50 = tpu.vector_load %arg10[%swap3A_48, %swap3A_49] {strides = array<i32>} : memref<128x128xf32, #tpu.memory_space<vmem>>, vector<1x16xf32>,
      %swap3A_51 = vector.shape_cast %swap3A_50 : vector<1x16xf32> to vector<16xf32>
      %swap3A_52 = vector.shape_cast %broadcast_in_dim3A_0 : vector<16xf32> to vector<1x16xf32>
      tpu.vector_store %arg10[%swap3A_48, %swap3A_49], %swap3A_52 {strides = array<i32>} : memref<128x128xf32, #tpu.memory_space<vmem>>, vector<1x16xf32>,
      %swap3A_53 = arith.index_cast %scan3A_43 : i32 to index
      %swap3A_54 = arith.constant 32 : index
      %swap3A_55 = tpu.vector_load %arg10[%swap3A_53, %swap3A_54] {strides = array<i32>} : memref<128x128xf32, #tpu.memory_space<vmem>>, vector<1x16xf32>,
      %swap3A_56 = vector.shape_cast %swap3A_55 : vector<1x16xf32> to vector<16xf32>
      %swap3A_57 = vector.shape_cast %broadcast_in_dim3A_0 : vector<16xf32> to vector<1x16xf32>
      tpu.vector_store %arg10[%swap3A_53, %swap3A_54], %swap3A_57 {strides = array<i32>} : memref<128x128xf32, #tpu.memory_space<vmem>>, vector<1x16xf32>,
      %swap3A_58 = arith.index_cast %scan3A_43 : i32 to index
      %swap3A_59 = arith.constant 48 : index
      %swap3A_60 = tpu.vector_load %arg10[%swap3A_58, %swap3A_59] {strides = array<i32>} : memref<128x128xf32, #tpu.memory_space<vmem>>, vector<1x16xf32>,
      %swap3A_61 = vector.shape_cast %swap3A_60 : vector<1x16xf32> to vector<16xf32>
      %swap3A_62 = vector.shape_cast %broadcast_in_dim3A_0 : vector<16xf32> to vector<1x16xf32>
      tpu.vector_store %arg10[%swap3A_58, %swap3A_59], %swap3A_62 {strides = array<i32>} : memref<128x128xf32, #tpu.memory_space<vmem>>, vector<1x16xf32>,
      %swap3A_63 = arith.index_cast %scan3A_43 : i32 to index
      %swap3A_64 = arith.constant 64 : index
      %swap3A_65 = tpu.vector_load %arg10[%swap3A_63, %swap3A_64] {strides = array<i32>} : memref<128x128xf32, #tpu.memory_space<vmem>>, vector<1x16xf32>,
      %swap3A_66 = vector.shape_cast %swap3A_65 : vector<1x16xf32> to vector<16xf32>
      %swap3A_67 = vector.shape_cast %broadcast_in_dim3A_0 : vector<16xf32> to vector<1x16xf32>
      tpu.vector_store %arg10[%swap3A_63, %swap3A_64], %swap3A_67 {strides = array<i32>} : memref<128x128xf32, #tpu.memory_space<vmem>>, vector<1x16xf32>,
      %swap3A_68 = arith.index_cast %scan3A_43 : i32 to index
      %swap3A_69 = arith.constant 80 : index
      %swap3A_70 = tpu.vector_load %arg10[%swap3A_68, %swap3A_69] {strides = array<i32>} : memref<128x128xf32, #tpu.memory_space<vmem>>, vector<1x16xf32>,
      %swap3A_71 = vector.shape_cast %swap3A_70 : vector<1x16xf32> to vector<16xf32>
      %swap3A_72 = vector.shape_cast %broadcast_in_dim3A_0 : vector<16xf32> to vector<1x16xf32>
      tpu.vector_store %arg10[%swap3A_68, %swap3A_69], %swap3A_72 {strides = array<i32>} : memref<128x128xf32, #tpu.memory_space<vmem>>, vector<1x16xf32>,
      %swap3A_73 = arith.index_cast %scan3A_43 : i32 to index
      %swap3A_74 = arith.constant 96 : index
      %swap3A_75 = tpu.vector_load %arg10[%swap3A_73, %swap3A_74] {strides = array<i32>} : memref<128x128xf32, #tpu.memory_space<vmem>>, vector<1x16xf32>,
      %swap3A_76 = vector.shape_cast %swap3A_75 : vector<1x16xf32> to vector<16xf32>
      %swap3A_77 = vector.shape_cast %broadcast_in_dim3A_0 : vector<16xf32> to vector<1x16xf32>
      tpu.vector_store %arg10[%swap3A_73, %swap3A_74], %swap3A_77 {strides = array<i32>} : memref<128x128xf32, #tpu.memory_space<vmem>>, vector<1x16xf32>,
      %swap3A_78 = arith.index_cast %scan3A_43 : i32 to index
      %swap3A_79 = arith.constant 112 : index
      %swap3A_80 = tpu.vector_load %arg10[%swap3A_78, %swap3A_79] {strides = array<i32>} : memref<128x128xf32, #tpu.memory_space<vmem>>, vector<1x16xf32>,
      %swap3A_81 = vector.shape_cast %swap3A_80 : vector<1x16xf32> to vector<16xf32>
      %swap3A_82 = vector.shape_cast %broadcast_in_dim3A_0 : vector<16xf32> to vector<1x16xf32>
      tpu.vector_store %arg10[%swap3A_78, %swap3A_79], %swap3A_82 {strides = array<i32>} : memref<128x128xf32, #tpu.memory_space<vmem>>, vector<1x16xf32>,
    }
    %scan3A_5 = arith.constant 128 : i32
    %mul3A = arith.constant 640 : i32
    %mul3A_6 = arith.muli %arg1, %mul3A : i32
    %add3A = arith.constant 0 : i32
    %add3A_7 = arith.addi %mul3A_6, %add3A : i32
    "tpu.region"() ({
      %run_scoped3A_43 = tpu.sem_alloc : memref<!tpu.dma_semaphore, #tpu.memory_space<semaphore_mem>>
      %dma_start3A = arith.constant 0 : i32
      %dma_start3A_44 = tpu.memref_slice %arg11[%add3A_7, %dma_start3A] : memref<10240x128xf32, #tpu.memory_space<vmem_shared>> -> memref<128x128xf32, #tpu.memory_space<vmem_shared>>
      %dma_start3A_45 = arith.constant 0 : i32
      %dma_start3A_46 = tpu.memref_slice %arg11[%add3A_7, %dma_start3A_45] : memref<10240x128xf32, #tpu.memory_space<vmem_shared>> -> memref<128x128xf32, #tpu.memory_space<vmem_shared>>
      tpu.enqueue_dma source(%arg10 : memref<128x128xf32, #tpu.memory_space<vmem>>) target(%dma_start3A_46 : memref<128x128xf32, #tpu.memory_space<vmem_shared>>) target_semaphore(%run_scoped3A_43 : memref<!tpu.dma_semaphore, #tpu.memory_space<semaphore_mem>>)
      %dma_wait3A = arith.constant 0 : i32
      %dma_wait3A_47 = tpu.memref_slice %arg11[%add3A_7, %dma_wait3A] : memref<10240x128xf32, #tpu.memory_space<vmem_shared>> -> memref<128x128xf32, #tpu.memory_space<vmem_shared>>
      %dma_wait3A_48 = arith.constant 0 : i32
      %dma_wait3A_49 = tpu.memref_slice %arg11[%add3A_7, %dma_wait3A_48] : memref<10240x128xf32, #tpu.memory_space<vmem_shared>> -> memref<128x128xf32, #tpu.memory_space<vmem_shared>>
      tpu.wait_dma2 semaphore(%run_scoped3A_43 : memref<!tpu.dma_semaphore, #tpu.memory_space<semaphore_mem>>) src(%arg10 : memref<128x128xf32, #tpu.memory_space<vmem>>) dst(%dma_wait3A_49 : memref<128x128xf32, #tpu.memory_space<vmem_shared>>)
      tpu.yield
    }) : () -> ()
    %mul3A_8 = arith.constant 640 : i32
    %mul3A_9 = arith.muli %arg1, %mul3A_8 : i32
    %add3A_10 = arith.constant 128 : i32
    %add3A_11 = arith.addi %mul3A_9, %add3A_10 : i32
    "tpu.region"() ({
      %run_scoped3A_43 = tpu.sem_alloc : memref<!tpu.dma_semaphore, #tpu.memory_space<semaphore_mem>>
      %dma_start3A = arith.constant 0 : i32
      %dma_start3A_44 = tpu.memref_slice %arg11[%add3A_11, %dma_start3A] : memref<10240x128xf32, #tpu.memory_space<vmem_shared>> -> memref<128x128xf32, #tpu.memory_space<vmem_shared>>
      %dma_start3A_45 = arith.constant 0 : i32
      %dma_start3A_46 = tpu.memref_slice %arg11[%add3A_11, %dma_start3A_45] : memref<10240x128xf32, #tpu.memory_space<vmem_shared>> -> memref<128x128xf32, #tpu.memory_space<vmem_shared>>
      tpu.enqueue_dma source(%arg10 : memref<128x128xf32, #tpu.memory_space<vmem>>) target(%dma_start3A_46 : memref<128x128xf32, #tpu.memory_space<vmem_shared>>) target_semaphore(%run_scoped3A_43 : memref<!tpu.dma_semaphore, #tpu.memory_space<semaphore_mem>>)
      %dma_wait3A = arith.constant 0 : i32
      %dma_wait3A_47 = tpu.memref_slice %arg11[%add3A_11, %dma_wait3A] : memref<10240x128xf32, #tpu.memory_space<vmem_shared>> -> memref<128x128xf32, #tpu.memory_space<vmem_shared>>
      %dma_wait3A_48 = arith.constant 0 : i32
      %dma_wait3A_49 = tpu.memref_slice %arg11[%add3A_11, %dma_wait3A_48] : memref<10240x128xf32, #tpu.memory_space<vmem_shared>> -> memref<128x128xf32, #tpu.memory_space<vmem_shared>>
      tpu.wait_dma2 semaphore(%run_scoped3A_43 : memref<!tpu.dma_semaphore, #tpu.memory_space<semaphore_mem>>) src(%arg10 : memref<128x128xf32, #tpu.memory_space<vmem>>) dst(%dma_wait3A_49 : memref<128x128xf32, #tpu.memory_space<vmem_shared>>)
      tpu.yield
    }) : () -> ()
    %mul3A_12 = arith.constant 640 : i32
    %mul3A_13 = arith.muli %arg1, %mul3A_12 : i32
    %add3A_14 = arith.constant 256 : i32
    %add3A_15 = arith.addi %mul3A_13, %add3A_14 : i32
    "tpu.region"() ({
      %run_scoped3A_43 = tpu.sem_alloc : memref<!tpu.dma_semaphore, #tpu.memory_space<semaphore_mem>>
      %dma_start3A = arith.constant 0 : i32
      %dma_start3A_44 = tpu.memref_slice %arg11[%add3A_15, %dma_start3A] : memref<10240x128xf32, #tpu.memory_space<vmem_shared>> -> memref<128x128xf32, #tpu.memory_space<vmem_shared>>
      %dma_start3A_45 = arith.constant 0 : i32
      %dma_start3A_46 = tpu.memref_slice %arg11[%add3A_15, %dma_start3A_45] : memref<10240x128xf32, #tpu.memory_space<vmem_shared>> -> memref<128x128xf32, #tpu.memory_space<vmem_shared>>
      tpu.enqueue_dma source(%arg10 : memref<128x128xf32, #tpu.memory_space<vmem>>) target(%dma_start3A_46 : memref<128x128xf32, #tpu.memory_space<vmem_shared>>) target_semaphore(%run_scoped3A_43 : memref<!tpu.dma_semaphore, #tpu.memory_space<semaphore_mem>>)
      %dma_wait3A = arith.constant 0 : i32
      %dma_wait3A_47 = tpu.memref_slice %arg11[%add3A_15, %dma_wait3A] : memref<10240x128xf32, #tpu.memory_space<vmem_shared>> -> memref<128x128xf32, #tpu.memory_space<vmem_shared>>
      %dma_wait3A_48 = arith.constant 0 : i32
      %dma_wait3A_49 = tpu.memref_slice %arg11[%add3A_15, %dma_wait3A_48] : memref<10240x128xf32, #tpu.memory_space<vmem_shared>> -> memref<128x128xf32, #tpu.memory_space<vmem_shared>>
      tpu.wait_dma2 semaphore(%run_scoped3A_43 : memref<!tpu.dma_semaphore, #tpu.memory_space<semaphore_mem>>) src(%arg10 : memref<128x128xf32, #tpu.memory_space<vmem>>) dst(%dma_wait3A_49 : memref<128x128xf32, #tpu.memory_space<vmem_shared>>)
      tpu.yield
    }) : () -> ()
    %mul3A_16 = arith.constant 640 : i32
    %mul3A_17 = arith.muli %arg1, %mul3A_16 : i32
    %add3A_18 = arith.constant 384 : i32
    %add3A_19 = arith.addi %mul3A_17, %add3A_18 : i32
    "tpu.region"() ({
      %run_scoped3A_43 = tpu.sem_alloc : memref<!tpu.dma_semaphore, #tpu.memory_space<semaphore_mem>>
      %dma_start3A = arith.constant 0 : i32
      %dma_start3A_44 = tpu.memref_slice %arg11[%add3A_19, %dma_start3A] : memref<10240x128xf32, #tpu.memory_space<vmem_shared>> -> memref<128x128xf32, #tpu.memory_space<vmem_shared>>
      %dma_start3A_45 = arith.constant 0 : i32
      %dma_start3A_46 = tpu.memref_slice %arg11[%add3A_19, %dma_start3A_45] : memref<10240x128xf32, #tpu.memory_space<vmem_shared>> -> memref<128x128xf32, #tpu.memory_space<vmem_shared>>
      tpu.enqueue_dma source(%arg10 : memref<128x128xf32, #tpu.memory_space<vmem>>) target(%dma_start3A_46 : memref<128x128xf32, #tpu.memory_space<vmem_shared>>) target_semaphore(%run_scoped3A_43 : memref<!tpu.dma_semaphore, #tpu.memory_space<semaphore_mem>>)
      %dma_wait3A = arith.constant 0 : i32
      %dma_wait3A_47 = tpu.memref_slice %arg11[%add3A_19, %dma_wait3A] : memref<10240x128xf32, #tpu.memory_space<vmem_shared>> -> memref<128x128xf32, #tpu.memory_space<vmem_shared>>
      %dma_wait3A_48 = arith.constant 0 : i32
      %dma_wait3A_49 = tpu.memref_slice %arg11[%add3A_19, %dma_wait3A_48] : memref<10240x128xf32, #tpu.memory_space<vmem_shared>> -> memref<128x128xf32, #tpu.memory_space<vmem_shared>>
      tpu.wait_dma2 semaphore(%run_scoped3A_43 : memref<!tpu.dma_semaphore, #tpu.memory_space<semaphore_mem>>) src(%arg10 : memref<128x128xf32, #tpu.memory_space<vmem>>) dst(%dma_wait3A_49 : memref<128x128xf32, #tpu.memory_space<vmem_shared>>)
      tpu.yield
    }) : () -> ()
    %mul3A_20 = arith.constant 640 : i32
    %mul3A_21 = arith.muli %arg1, %mul3A_20 : i32
    %add3A_22 = arith.constant 512 : i32
    %add3A_23 = arith.addi %mul3A_21, %add3A_22 : i32
    "tpu.region"() ({
      %run_scoped3A_43 = tpu.sem_alloc : memref<!tpu.dma_semaphore, #tpu.memory_space<semaphore_mem>>
      %dma_start3A = arith.constant 0 : i32
      %dma_start3A_44 = tpu.memref_slice %arg11[%add3A_23, %dma_start3A] : memref<10240x128xf32, #tpu.memory_space<vmem_shared>> -> memref<128x128xf32, #tpu.memory_space<vmem_shared>>
      %dma_start3A_45 = arith.constant 0 : i32
      %dma_start3A_46 = tpu.memref_slice %arg11[%add3A_23, %dma_start3A_45] : memref<10240x128xf32, #tpu.memory_space<vmem_shared>> -> memref<128x128xf32, #tpu.memory_space<vmem_shared>>
      tpu.enqueue_dma source(%arg10 : memref<128x128xf32, #tpu.memory_space<vmem>>) target(%dma_start3A_46 : memref<128x128xf32, #tpu.memory_space<vmem_shared>>) target_semaphore(%run_scoped3A_43 : memref<!tpu.dma_semaphore, #tpu.memory_space<semaphore_mem>>)
      %dma_wait3A = arith.constant 0 : i32
      %dma_wait3A_47 = tpu.memref_slice %arg11[%add3A_23, %dma_wait3A] : memref<10240x128xf32, #tpu.memory_space<vmem_shared>> -> memref<128x128xf32, #tpu.memory_space<vmem_shared>>
      %dma_wait3A_48 = arith.constant 0 : i32
      %dma_wait3A_49 = tpu.memref_slice %arg11[%add3A_23, %dma_wait3A_48] : memref<10240x128xf32, #tpu.memory_space<vmem_shared>> -> memref<128x128xf32, #tpu.memory_space<vmem_shared>>
      tpu.wait_dma2 semaphore(%run_scoped3A_43 : memref<!tpu.dma_semaphore, #tpu.memory_space<semaphore_mem>>) src(%arg10 : memref<128x128xf32, #tpu.memory_space<vmem>>) dst(%dma_wait3A_49 : memref<128x128xf32, #tpu.memory_space<vmem_shared>>)
      tpu.yield
    }) : () -> ()
    %barrier3A = arith.constant 0 : index
    tpu.barrier barrier_id(%barrier3A)
    %mul3A_24 = arith.constant 640 : i32
    %mul3A_25 = arith.muli %arg1, %mul3A_24 : i32
    "tpu.region"() ({
      %run_scoped3A_43 = tpu.sem_alloc : memref<!tpu.dma_semaphore, #tpu.memory_space<semaphore_mem>>
      %dma_start3A = arith.constant 0 : i32
      %dma_start3A_44 = arith.constant 0 : i32
      %dma_start3A_45 = tpu.memref_slice %arg3[%arg0, %arg1, %dma_start3A, %dma_start3A_44] : memref<2x16x79x128xi32, #tpu.memory_space<hbm>> -> memref<1x1x79x128xi32, #tpu.memory_space<hbm>>
      %dma_start3A_46 = tpu.memref_squeeze %dma_start3A_45 : memref<1x1x79x128xi32, #tpu.memory_space<hbm>> -> memref<79x128xi32, #tpu.memory_space<hbm>>
      %dma_start3A_47 = arith.constant 0 : i32
      %dma_start3A_48 = arith.constant 0 : i32
      %dma_start3A_49 = tpu.memref_slice %arg3[%arg0, %arg1, %dma_start3A_47, %dma_start3A_48] : memref<2x16x79x128xi32, #tpu.memory_space<hbm>> -> memref<1x1x79x128xi32, #tpu.memory_space<hbm>>
      %dma_start3A_50 = tpu.memref_squeeze %dma_start3A_49 : memref<1x1x79x128xi32, #tpu.memory_space<hbm>> -> memref<79x128xi32, #tpu.memory_space<hbm>>
      tpu.enqueue_dma source(%dma_start3A_50 : memref<79x128xi32, #tpu.memory_space<hbm>>) target(%arg8 : memref<79x128xi32, #tpu.memory_space<vmem>>) target_semaphore(%run_scoped3A_43 : memref<!tpu.dma_semaphore, #tpu.memory_space<semaphore_mem>>)
      %dma_wait3A = arith.constant 0 : i32
      %dma_wait3A_51 = arith.constant 0 : i32
      %dma_wait3A_52 = tpu.memref_slice %arg3[%arg0, %arg1, %dma_wait3A, %dma_wait3A_51] : memref<2x16x79x128xi32, #tpu.memory_space<hbm>> -> memref<1x1x79x128xi32, #tpu.memory_space<hbm>>
      %dma_wait3A_53 = tpu.memref_squeeze %dma_wait3A_52 : memref<1x1x79x128xi32, #tpu.memory_space<hbm>> -> memref<79x128xi32, #tpu.memory_space<hbm>>
      %dma_wait3A_54 = arith.constant 0 : i32
      %dma_wait3A_55 = arith.constant 0 : i32
      %dma_wait3A_56 = tpu.memref_slice %arg3[%arg0, %arg1, %dma_wait3A_54, %dma_wait3A_55] : memref<2x16x79x128xi32, #tpu.memory_space<hbm>> -> memref<1x1x79x128xi32, #tpu.memory_space<hbm>>
      %dma_wait3A_57 = tpu.memref_squeeze %dma_wait3A_56 : memref<1x1x79x128xi32, #tpu.memory_space<hbm>> -> memref<79x128xi32, #tpu.memory_space<hbm>>
      tpu.wait_dma2 semaphore(%run_scoped3A_43 : memref<!tpu.dma_semaphore, #tpu.memory_space<semaphore_mem>>) src(%dma_wait3A_57 : memref<79x128xi32, #tpu.memory_space<hbm>>) dst(%arg8 : memref<79x128xi32, #tpu.memory_space<vmem>>)
      tpu.yield
    }) : () -> ()
    "tpu.region"() ({
      %run_scoped3A_43 = tpu.sem_alloc : memref<!tpu.dma_semaphore, #tpu.memory_space<semaphore_mem>>
      %dma_start3A = arith.constant 0 : i32
      %dma_start3A_44 = arith.constant 0 : i32
      %dma_start3A_45 = tpu.memref_slice %arg4[%arg0, %arg1, %dma_start3A, %dma_start3A_44] : memref<2x16x79x128xi32, #tpu.memory_space<hbm>> -> memref<1x1x79x128xi32, #tpu.memory_space<hbm>>
      %dma_start3A_46 = tpu.memref_squeeze %dma_start3A_45 : memref<1x1x79x128xi32, #tpu.memory_space<hbm>> -> memref<79x128xi32, #tpu.memory_space<hbm>>
      %dma_start3A_47 = arith.constant 0 : i32
      %dma_start3A_48 = arith.constant 0 : i32
      %dma_start3A_49 = tpu.memref_slice %arg4[%arg0, %arg1, %dma_start3A_47, %dma_start3A_48] : memref<2x16x79x128xi32, #tpu.memory_space<hbm>> -> memref<1x1x79x128xi32, #tpu.memory_space<hbm>>
      %dma_start3A_50 = tpu.memref_squeeze %dma_start3A_49 : memref<1x1x79x128xi32, #tpu.memory_space<hbm>> -> memref<79x128xi32, #tpu.memory_space<hbm>>
      tpu.enqueue_dma source(%dma_start3A_50 : memref<79x128xi32, #tpu.memory_space<hbm>>) target(%arg9 : memref<79x128xi32, #tpu.memory_space<vmem>>) target_semaphore(%run_scoped3A_43 : memref<!tpu.dma_semaphore, #tpu.memory_space<semaphore_mem>>)
      %dma_wait3A = arith.constant 0 : i32
      %dma_wait3A_51 = arith.constant 0 : i32
      %dma_wait3A_52 = tpu.memref_slice %arg4[%arg0, %arg1, %dma_wait3A, %dma_wait3A_51] : memref<2x16x79x128xi32, #tpu.memory_space<hbm>> -> memref<1x1x79x128xi32, #tpu.memory_space<hbm>>
      %dma_wait3A_53 = tpu.memref_squeeze %dma_wait3A_52 : memref<1x1x79x128xi32, #tpu.memory_space<hbm>> -> memref<79x128xi32, #tpu.memory_space<hbm>>
      %dma_wait3A_54 = arith.constant 0 : i32
      %dma_wait3A_55 = arith.constant 0 : i32
      %dma_wait3A_56 = tpu.memref_slice %arg4[%arg0, %arg1, %dma_wait3A_54, %dma_wait3A_55] : memref<2x16x79x128xi32, #tpu.memory_space<hbm>> -> memref<1x1x79x128xi32, #tpu.memory_space<hbm>>
      %dma_wait3A_57 = tpu.memref_squeeze %dma_wait3A_56 : memref<1x1x79x128xi32, #tpu.memory_space<hbm>> -> memref<79x128xi32, #tpu.memory_space<hbm>>
      tpu.wait_dma2 semaphore(%run_scoped3A_43 : memref<!tpu.dma_semaphore, #tpu.memory_space<semaphore_mem>>) src(%dma_wait3A_57 : memref<79x128xi32, #tpu.memory_space<hbm>>) dst(%arg9 : memref<79x128xi32, #tpu.memory_space<vmem>>)
      tpu.yield
    }) : () -> ()
    %scan3A_26 = arith.constant 0 : i32
    %scan3A_27 = arith.constant 0 : i32
    %scan3A_28 = arith.constant 79 : i32
    %scan3A_29 = arith.addi %scan3A_27, %scan3A_28 : i32
    %scan3A_30 = arith.constant 1 : i32
    scf.for %scan3A_43 = %scan3A_27 to %scan3A_29 step %scan3A_30  : i32 {
      %dma_start3A = arith.constant 0 : i32
      %dma_start3A_44 = tpu.memref_slice %arg8[%scan3A_43, %dma_start3A] : memref<79x128xi32, #tpu.memory_space<vmem>> -> memref<1x128xi32, #tpu.memory_space<vmem>>
      %dma_start3A_45 = tpu.memref_squeeze %dma_start3A_44 : memref<1x128xi32, #tpu.memory_space<vmem>> -> memref<128xi32, #tpu.memory_space<vmem>>
      %dma_start3A_46 = arith.constant 0 : i32
      %dma_start3A_47 = arith.constant 0 : i32
      %dma_start3A_48 = tpu.memref_slice %arg2[%dma_start3A_46, %dma_start3A_47] : memref<10240x128xf32, #tpu.memory_space<hbm>> -> memref<10240x128xf32, #tpu.memory_space<hbm>>
      tpu.enqueue_indirect_dma source(%dma_start3A_48 : memref<10240x128xf32, #tpu.memory_space<hbm>>) target(%arg10 : memref<128x128xf32, #tpu.memory_space<vmem>>) offsets(%dma_start3A_45 : memref<128xi32, #tpu.memory_space<vmem>>) semaphore(%arg12 : memref<!tpu.dma_semaphore, #tpu.memory_space<semaphore_mem>>)
      %dma_wait3A = arith.constant 0 : i32
      %dma_wait3A_49 = tpu.memref_slice %arg8[%scan3A_43, %dma_wait3A] : memref<79x128xi32, #tpu.memory_space<vmem>> -> memref<1x128xi32, #tpu.memory_space<vmem>>
      %dma_wait3A_50 = tpu.memref_squeeze %dma_wait3A_49 : memref<1x128xi32, #tpu.memory_space<vmem>> -> memref<128xi32, #tpu.memory_space<vmem>>
      %dma_wait3A_51 = arith.constant 0 : i32
      %dma_wait3A_52 = arith.constant 0 : i32
      %dma_wait3A_53 = tpu.memref_slice %arg2[%dma_wait3A_51, %dma_wait3A_52] : memref<10240x128xf32, #tpu.memory_space<hbm>> -> memref<10240x128xf32, #tpu.memory_space<hbm>>
      tpu.wait_indirect_dma semaphore(%arg12 : memref<!tpu.dma_semaphore, #tpu.memory_space<semaphore_mem>>) src(%dma_wait3A_53 : memref<10240x128xf32, #tpu.memory_space<hbm>>) dst(%arg10 : memref<128x128xf32, #tpu.memory_space<vmem>>)
      "tpu.region"() ({
        %run_scoped3A_54 = tpu.sem_alloc : memref<!tpu.dma_semaphore, #tpu.memory_space<semaphore_mem>>
        %dma_start3A_55 = arith.constant 0 : i32
        %dma_start3A_56 = tpu.memref_slice %arg9[%scan3A_43, %dma_start3A_55] : memref<79x128xi32, #tpu.memory_space<vmem>> -> memref<1x128xi32, #tpu.memory_space<vmem>>
        %dma_start3A_57 = tpu.memref_squeeze %dma_start3A_56 : memref<1x128xi32, #tpu.memory_space<vmem>> -> memref<128xi32, #tpu.memory_space<vmem>>
        %dma_start3A_58 = arith.constant 0 : i32
        %dma_start3A_59 = arith.constant 0 : i32
        %dma_start3A_60 = tpu.memref_slice %arg11[%dma_start3A_58, %dma_start3A_59] : memref<10240x128xf32, #tpu.memory_space<vmem_shared>> -> memref<10240x128xf32, #tpu.memory_space<vmem_shared>>
        tpu.enqueue_indirect_dma source(%arg10 : memref<128x128xf32, #tpu.memory_space<vmem>>) target(%dma_start3A_60 : memref<10240x128xf32, #tpu.memory_space<vmem_shared>>) offsets(%dma_start3A_57 : memref<128xi32, #tpu.memory_space<vmem>>) semaphore(%run_scoped3A_54 : memref<!tpu.dma_semaphore, #tpu.memory_space<semaphore_mem>>) {add = true}
        %dma_wait3A_61 = arith.constant 0 : i32
        %dma_wait3A_62 = tpu.memref_slice %arg9[%scan3A_43, %dma_wait3A_61] : memref<79x128xi32, #tpu.memory_space<vmem>> -> memref<1x128xi32, #tpu.memory_space<vmem>>
        %dma_wait3A_63 = tpu.memref_squeeze %dma_wait3A_62 : memref<1x128xi32, #tpu.memory_space<vmem>> -> memref<128xi32, #tpu.memory_space<vmem>>
        %dma_wait3A_64 = arith.constant 0 : i32
        %dma_wait3A_65 = arith.constant 0 : i32
        %dma_wait3A_66 = tpu.memref_slice %arg11[%dma_wait3A_64, %dma_wait3A_65] : memref<10240x128xf32, #tpu.memory_space<vmem_shared>> -> memref<10240x128xf32, #tpu.memory_space<vmem_shared>>
        tpu.wait_indirect_dma semaphore(%run_scoped3A_54 : memref<!tpu.dma_semaphore, #tpu.memory_space<semaphore_mem>>) src(%arg10 : memref<128x128xf32, #tpu.memory_space<vmem>>) dst(%dma_wait3A_66 : memref<10240x128xf32, #tpu.memory_space<vmem_shared>>)
        tpu.yield
      }) : () -> ()
    }
    %scan3A_31 = arith.constant 79 : i32
    %barrier3A_32 = arith.constant 0 : index
    tpu.barrier barrier_id(%barrier3A_32)
    %run_scoped3A = arith.constant 0 : i32
    "tpu.region"() ({
      %run_scoped3A_43 = tpu.sem_alloc : memref<!tpu.dma_semaphore, #tpu.memory_space<semaphore_mem>>
      %dma_start3A = arith.constant 0 : i32
      %dma_start3A_44 = tpu.memref_slice %arg7[%run_scoped3A, %arg0, %mul3A_25, %dma_start3A] : memref<2x2x10240x128xf32, #tpu.memory_space<hbm>> -> memref<1x1x640x128xf32, #tpu.memory_space<hbm>>
      %dma_start3A_45 = tpu.memref_squeeze %dma_start3A_44 : memref<1x1x640x128xf32, #tpu.memory_space<hbm>> -> memref<640x128xf32, #tpu.memory_space<hbm>>
      %dma_start3A_46 = arith.constant 0 : i32
      %dma_start3A_47 = tpu.memref_slice %arg11[%mul3A_25, %dma_start3A_46] : memref<10240x128xf32, #tpu.memory_space<vmem_shared>> -> memref<640x128xf32, #tpu.memory_space<vmem_shared>>
      tpu.enqueue_dma source(%dma_start3A_47 : memref<640x128xf32, #tpu.memory_space<vmem_shared>>) target(%dma_start3A_45 : memref<640x128xf32, #tpu.memory_space<hbm>>) target_semaphore(%run_scoped3A_43 : memref<!tpu.dma_semaphore, #tpu.memory_space<semaphore_mem>>)
      %dma_wait3A = arith.constant 0 : i32
      %dma_wait3A_48 = tpu.memref_slice %arg7[%run_scoped3A, %arg0, %mul3A_25, %dma_wait3A] : memref<2x2x10240x128xf32, #tpu.memory_space<hbm>> -> memref<1x1x640x128xf32, #tpu.memory_space<hbm>>
      %dma_wait3A_49 = tpu.memref_squeeze %dma_wait3A_48 : memref<1x1x640x128xf32, #tpu.memory_space<hbm>> -> memref<640x128xf32, #tpu.memory_space<hbm>>
      %dma_wait3A_50 = arith.constant 0 : i32
      %dma_wait3A_51 = tpu.memref_slice %arg11[%mul3A_25, %dma_wait3A_50] : memref<10240x128xf32, #tpu.memory_space<vmem_shared>> -> memref<640x128xf32, #tpu.memory_space<vmem_shared>>
      tpu.wait_dma2 semaphore(%run_scoped3A_43 : memref<!tpu.dma_semaphore, #tpu.memory_space<semaphore_mem>>) src(%dma_wait3A_51 : memref<640x128xf32, #tpu.memory_space<vmem_shared>>) dst(%dma_wait3A_49 : memref<640x128xf32, #tpu.memory_space<hbm>>)
      tpu.yield
    }) : () -> ()
    %barrier3A_33 = arith.constant 0 : index
    tpu.barrier barrier_id(%barrier3A_33)
    "tpu.region"() ({
      %run_scoped3A_43 = tpu.sem_alloc : memref<!tpu.dma_semaphore, #tpu.memory_space<semaphore_mem>>
      %dma_start3A = arith.constant 0 : i32
      %dma_start3A_44 = arith.constant 0 : i32
      %dma_start3A_45 = tpu.memref_slice %arg5[%arg0, %arg1, %dma_start3A, %dma_start3A_44] : memref<2x16x79x128xi32, #tpu.memory_space<hbm>> -> memref<1x1x79x128xi32, #tpu.memory_space<hbm>>
      %dma_start3A_46 = tpu.memref_squeeze %dma_start3A_45 : memref<1x1x79x128xi32, #tpu.memory_space<hbm>> -> memref<79x128xi32, #tpu.memory_space<hbm>>
      %dma_start3A_47 = arith.constant 0 : i32
      %dma_start3A_48 = arith.constant 0 : i32
      %dma_start3A_49 = tpu.memref_slice %arg5[%arg0, %arg1, %dma_start3A_47, %dma_start3A_48] : memref<2x16x79x128xi32, #tpu.memory_space<hbm>> -> memref<1x1x79x128xi32, #tpu.memory_space<hbm>>
      %dma_start3A_50 = tpu.memref_squeeze %dma_start3A_49 : memref<1x1x79x128xi32, #tpu.memory_space<hbm>> -> memref<79x128xi32, #tpu.memory_space<hbm>>
      tpu.enqueue_dma source(%dma_start3A_50 : memref<79x128xi32, #tpu.memory_space<hbm>>) target(%arg8 : memref<79x128xi32, #tpu.memory_space<vmem>>) target_semaphore(%run_scoped3A_43 : memref<!tpu.dma_semaphore, #tpu.memory_space<semaphore_mem>>)
      %dma_wait3A = arith.constant 0 : i32
      %dma_wait3A_51 = arith.constant 0 : i32
      %dma_wait3A_52 = tpu.memref_slice %arg5[%arg0, %arg1, %dma_wait3A, %dma_wait3A_51] : memref<2x16x79x128xi32, #tpu.memory_space<hbm>> -> memref<1x1x79x128xi32, #tpu.memory_space<hbm>>
      %dma_wait3A_53 = tpu.memref_squeeze %dma_wait3A_52 : memref<1x1x79x128xi32, #tpu.memory_space<hbm>> -> memref<79x128xi32, #tpu.memory_space<hbm>>
      %dma_wait3A_54 = arith.constant 0 : i32
      %dma_wait3A_55 = arith.constant 0 : i32
      %dma_wait3A_56 = tpu.memref_slice %arg5[%arg0, %arg1, %dma_wait3A_54, %dma_wait3A_55] : memref<2x16x79x128xi32, #tpu.memory_space<hbm>> -> memref<1x1x79x128xi32, #tpu.memory_space<hbm>>
      %dma_wait3A_57 = tpu.memref_squeeze %dma_wait3A_56 : memref<1x1x79x128xi32, #tpu.memory_space<hbm>> -> memref<79x128xi32, #tpu.memory_space<hbm>>
      tpu.wait_dma2 semaphore(%run_scoped3A_43 : memref<!tpu.dma_semaphore, #tpu.memory_space<semaphore_mem>>) src(%dma_wait3A_57 : memref<79x128xi32, #tpu.memory_space<hbm>>) dst(%arg8 : memref<79x128xi32, #tpu.memory_space<vmem>>)
      tpu.yield
    }) : () -> ()
    "tpu.region"() ({
      %run_scoped3A_43 = tpu.sem_alloc : memref<!tpu.dma_semaphore, #tpu.memory_space<semaphore_mem>>
      %dma_start3A = arith.constant 0 : i32
      %dma_start3A_44 = arith.constant 0 : i32
      %dma_start3A_45 = tpu.memref_slice %arg6[%arg0, %arg1, %dma_start3A, %dma_start3A_44] : memref<2x16x79x128xi32, #tpu.memory_space<hbm>> -> memref<1x1x79x128xi32, #tpu.memory_space<hbm>>
      %dma_start3A_46 = tpu.memref_squeeze %dma_start3A_45 : memref<1x1x79x128xi32, #tpu.memory_space<hbm>> -> memref<79x128xi32, #tpu.memory_space<hbm>>
      %dma_start3A_47 = arith.constant 0 : i32
      %dma_start3A_48 = arith.constant 0 : i32
      %dma_start3A_49 = tpu.memref_slice %arg6[%arg0, %arg1, %dma_start3A_47, %dma_start3A_48] : memref<2x16x79x128xi32, #tpu.memory_space<hbm>> -> memref<1x1x79x128xi32, #tpu.memory_space<hbm>>
      %dma_start3A_50 = tpu.memref_squeeze %dma_start3A_49 : memref<1x1x79x128xi32, #tpu.memory_space<hbm>> -> memref<79x128xi32, #tpu.memory_space<hbm>>
      tpu.enqueue_dma source(%dma_start3A_50 : memref<79x128xi32, #tpu.memory_space<hbm>>) target(%arg9 : memref<79x128xi32, #tpu.memory_space<vmem>>) target_semaphore(%run_scoped3A_43 : memref<!tpu.dma_semaphore, #tpu.memory_space<semaphore_mem>>)
      %dma_wait3A = arith.constant 0 : i32
      %dma_wait3A_51 = arith.constant 0 : i32
      %dma_wait3A_52 = tpu.memref_slice %arg6[%arg0, %arg1, %dma_wait3A, %dma_wait3A_51] : memref<2x16x79x128xi32, #tpu.memory_space<hbm>> -> memref<1x1x79x128xi32, #tpu.memory_space<hbm>>
      %dma_wait3A_53 = tpu.memref_squeeze %dma_wait3A_52 : memref<1x1x79x128xi32, #tpu.memory_space<hbm>> -> memref<79x128xi32, #tpu.memory_space<hbm>>
      %dma_wait3A_54 = arith.constant 0 : i32
      %dma_wait3A_55 = arith.constant 0 : i32
      %dma_wait3A_56 = tpu.memref_slice %arg6[%arg0, %arg1, %dma_wait3A_54, %dma_wait3A_55] : memref<2x16x79x128xi32, #tpu.memory_space<hbm>> -> memref<1x1x79x128xi32, #tpu.memory_space<hbm>>
      %dma_wait3A_57 = tpu.memref_squeeze %dma_wait3A_56 : memref<1x1x79x128xi32, #tpu.memory_space<hbm>> -> memref<79x128xi32, #tpu.memory_space<hbm>>
      tpu.wait_dma2 semaphore(%run_scoped3A_43 : memref<!tpu.dma_semaphore, #tpu.memory_space<semaphore_mem>>) src(%dma_wait3A_57 : memref<79x128xi32, #tpu.memory_space<hbm>>) dst(%arg9 : memref<79x128xi32, #tpu.memory_space<vmem>>)
      tpu.yield
    }) : () -> ()
    %scan3A_34 = arith.constant 0 : i32
    %scan3A_35 = arith.constant 0 : i32
    %scan3A_36 = arith.constant 79 : i32
    %scan3A_37 = arith.addi %scan3A_35, %scan3A_36 : i32
    %scan3A_38 = arith.constant 1 : i32
    scf.for %scan3A_43 = %scan3A_35 to %scan3A_37 step %scan3A_38  : i32 {
      %dma_start3A = arith.constant 0 : i32
      %dma_start3A_44 = tpu.memref_slice %arg8[%scan3A_43, %dma_start3A] : memref<79x128xi32, #tpu.memory_space<vmem>> -> memref<1x128xi32, #tpu.memory_space<vmem>>
      %dma_start3A_45 = tpu.memref_squeeze %dma_start3A_44 : memref<1x128xi32, #tpu.memory_space<vmem>> -> memref<128xi32, #tpu.memory_space<vmem>>
      %dma_start3A_46 = arith.constant 0 : i32
      %dma_start3A_47 = arith.constant 0 : i32
      %dma_start3A_48 = tpu.memref_slice %arg2[%dma_start3A_46, %dma_start3A_47] : memref<10240x128xf32, #tpu.memory_space<hbm>> -> memref<10240x128xf32, #tpu.memory_space<hbm>>
      tpu.enqueue_indirect_dma source(%dma_start3A_48 : memref<10240x128xf32, #tpu.memory_space<hbm>>) target(%arg10 : memref<128x128xf32, #tpu.memory_space<vmem>>) offsets(%dma_start3A_45 : memref<128xi32, #tpu.memory_space<vmem>>) semaphore(%arg12 : memref<!tpu.dma_semaphore, #tpu.memory_space<semaphore_mem>>)
      %dma_wait3A = arith.constant 0 : i32
      %dma_wait3A_49 = tpu.memref_slice %arg8[%scan3A_43, %dma_wait3A] : memref<79x128xi32, #tpu.memory_space<vmem>> -> memref<1x128xi32, #tpu.memory_space<vmem>>
      %dma_wait3A_50 = tpu.memref_squeeze %dma_wait3A_49 : memref<1x128xi32, #tpu.memory_space<vmem>> -> memref<128xi32, #tpu.memory_space<vmem>>
      %dma_wait3A_51 = arith.constant 0 : i32
      %dma_wait3A_52 = arith.constant 0 : i32
      %dma_wait3A_53 = tpu.memref_slice %arg2[%dma_wait3A_51, %dma_wait3A_52] : memref<10240x128xf32, #tpu.memory_space<hbm>> -> memref<10240x128xf32, #tpu.memory_space<hbm>>
      tpu.wait_indirect_dma semaphore(%arg12 : memref<!tpu.dma_semaphore, #tpu.memory_space<semaphore_mem>>) src(%dma_wait3A_53 : memref<10240x128xf32, #tpu.memory_space<hbm>>) dst(%arg10 : memref<128x128xf32, #tpu.memory_space<vmem>>)
      "tpu.region"() ({
        %run_scoped3A_54 = tpu.sem_alloc : memref<!tpu.dma_semaphore, #tpu.memory_space<semaphore_mem>>
        %dma_start3A_55 = arith.constant 0 : i32
        %dma_start3A_56 = tpu.memref_slice %arg9[%scan3A_43, %dma_start3A_55] : memref<79x128xi32, #tpu.memory_space<vmem>> -> memref<1x128xi32, #tpu.memory_space<vmem>>
        %dma_start3A_57 = tpu.memref_squeeze %dma_start3A_56 : memref<1x128xi32, #tpu.memory_space<vmem>> -> memref<128xi32, #tpu.memory_space<vmem>>
        %dma_start3A_58 = arith.constant 0 : i32
        %dma_start3A_59 = arith.constant 0 : i32
        %dma_start3A_60 = tpu.memref_slice %arg11[%dma_start3A_58, %dma_start3A_59] : memref<10240x128xf32, #tpu.memory_space<vmem_shared>> -> memref<10240x128xf32, #tpu.memory_space<vmem_shared>>
        tpu.enqueue_indirect_dma source(%arg10 : memref<128x128xf32, #tpu.memory_space<vmem>>) target(%dma_start3A_60 : memref<10240x128xf32, #tpu.memory_space<vmem_shared>>) offsets(%dma_start3A_57 : memref<128xi32, #tpu.memory_space<vmem>>) semaphore(%run_scoped3A_54 : memref<!tpu.dma_semaphore, #tpu.memory_space<semaphore_mem>>) {add = true}
        %dma_wait3A_61 = arith.constant 0 : i32
        %dma_wait3A_62 = tpu.memref_slice %arg9[%scan3A_43, %dma_wait3A_61] : memref<79x128xi32, #tpu.memory_space<vmem>> -> memref<1x128xi32, #tpu.memory_space<vmem>>
        %dma_wait3A_63 = tpu.memref_squeeze %dma_wait3A_62 : memref<1x128xi32, #tpu.memory_space<vmem>> -> memref<128xi32, #tpu.memory_space<vmem>>
        %dma_wait3A_64 = arith.constant 0 : i32
        %dma_wait3A_65 = arith.constant 0 : i32
        %dma_wait3A_66 = tpu.memref_slice %arg11[%dma_wait3A_64, %dma_wait3A_65] : memref<10240x128xf32, #tpu.memory_space<vmem_shared>> -> memref<10240x128xf32, #tpu.memory_space<vmem_shared>>
        tpu.wait_indirect_dma semaphore(%run_scoped3A_54 : memref<!tpu.dma_semaphore, #tpu.memory_space<semaphore_mem>>) src(%arg10 : memref<128x128xf32, #tpu.memory_space<vmem>>) dst(%dma_wait3A_66 : memref<10240x128xf32, #tpu.memory_space<vmem_shared>>)
        tpu.yield
      }) : () -> ()
    }
    %scan3A_39 = arith.constant 79 : i32
    %barrier3A_40 = arith.constant 0 : index
    tpu.barrier barrier_id(%barrier3A_40)
    %run_scoped3A_41 = arith.constant 1 : i32
    "tpu.region"() ({
      %run_scoped3A_43 = tpu.sem_alloc : memref<!tpu.dma_semaphore, #tpu.memory_space<semaphore_mem>>
      %dma_start3A = arith.constant 0 : i32
      %dma_start3A_44 = tpu.memref_slice %arg7[%run_scoped3A_41, %arg0, %mul3A_25, %dma_start3A] : memref<2x2x10240x128xf32, #tpu.memory_space<hbm>> -> memref<1x1x640x128xf32, #tpu.memory_space<hbm>>
      %dma_start3A_45 = tpu.memref_squeeze %dma_start3A_44 : memref<1x1x640x128xf32, #tpu.memory_space<hbm>> -> memref<640x128xf32, #tpu.memory_space<hbm>>
      %dma_start3A_46 = arith.constant 0 : i32
      %dma_start3A_47 = tpu.memref_slice %arg11[%mul3A_25, %dma_start3A_46] : memref<10240x128xf32, #tpu.memory_space<vmem_shared>> -> memref<640x128xf32, #tpu.memory_space<vmem_shared>>
      tpu.enqueue_dma source(%dma_start3A_47 : memref<640x128xf32, #tpu.memory_space<vmem_shared>>) target(%dma_start3A_45 : memref<640x128xf32, #tpu.memory_space<hbm>>) target_semaphore(%run_scoped3A_43 : memref<!tpu.dma_semaphore, #tpu.memory_space<semaphore_mem>>)
      %dma_wait3A = arith.constant 0 : i32
      %dma_wait3A_48 = tpu.memref_slice %arg7[%run_scoped3A_41, %arg0, %mul3A_25, %dma_wait3A] : memref<2x2x10240x128xf32, #tpu.memory_space<hbm>> -> memref<1x1x640x128xf32, #tpu.memory_space<hbm>>
      %dma_wait3A_49 = tpu.memref_squeeze %dma_wait3A_48 : memref<1x1x640x128xf32, #tpu.memory_space<hbm>> -> memref<640x128xf32, #tpu.memory_space<hbm>>
      %dma_wait3A_50 = arith.constant 0 : i32
      %dma_wait3A_51 = tpu.memref_slice %arg11[%mul3A_25, %dma_wait3A_50] : memref<10240x128xf32, #tpu.memory_space<vmem_shared>> -> memref<640x128xf32, #tpu.memory_space<vmem_shared>>
      tpu.wait_dma2 semaphore(%run_scoped3A_43 : memref<!tpu.dma_semaphore, #tpu.memory_space<semaphore_mem>>) src(%dma_wait3A_51 : memref<640x128xf32, #tpu.memory_space<vmem_shared>>) dst(%dma_wait3A_49 : memref<640x128xf32, #tpu.memory_space<hbm>>)
      tpu.yield
    }) : () -> ()
    %barrier3A_42 = arith.constant 0 : index
    tpu.barrier barrier_id(%barrier3A_42)
    return
  }
}

#map = affine_map<(d0, d1) -> (0, 0)>
#map1 = affine_map<(d0, d1) -> (0, 0, 0, 0)>
module attributes {stable_mosaic.version = 14 : i64} {
  func.func @_sc_msg_body(%arg0: i32, %arg1: i32, %arg2: memref<10240x128xf32, #tpu.memory_space<hbm>>, %arg3: memref<2x16x79x128xi32, #tpu.memory_space<hbm>>, %arg4: memref<2x16x79x128xi32, #tpu.memory_space<hbm>>, %arg5: memref<2x16x79x128xi32, #tpu.memory_space<hbm>>, %arg6: memref<2x16x79x128xi32, #tpu.memory_space<hbm>>, %arg7: memref<2x2x10240x128xf32, #tpu.memory_space<hbm>>, %arg8: memref<79x128xi32, #tpu.memory_space<vmem>>, %arg9: memref<79x128xi32, #tpu.memory_space<vmem>>, %arg10: memref<128x128xf32, #tpu.memory_space<vmem>>, %arg11: memref<10240x128xf32, #tpu.memory_space<vmem_shared>>, %arg12: memref<!tpu.dma_semaphore, #tpu.memory_space<semaphore_mem>>) attributes {dimension_semantics = [#tpu.dimension_semantics<core_parallel>, #tpu.dimension_semantics<subcore_parallel>], iteration_bounds = array<i64: 2, 16>, scalar_prefetch = 0 : i64, scratch_operands = 5 : i64, tpu.core_type = #tpu.core_type<sc_vector_subcore>, window_params = [{transform_indices = #map}, {transform_indices = #map1}, {transform_indices = #map1}, {transform_indices = #map1}, {transform_indices = #map1}, {transform_indices = #map1}]} {
    %broadcast_in_dim3A = arith.constant 0.000000e+00 : f32
    %broadcast_in_dim3A_0 = vector.broadcast %broadcast_in_dim3A : f32 to vector<16xf32>
    %scan3A = arith.constant 0 : i32
    %scan3A_1 = arith.constant 0 : i32
    %scan3A_2 = arith.constant 128 : i32
    %scan3A_3 = arith.addi %scan3A_1, %scan3A_2 : i32
    %scan3A_4 = arith.constant 1 : i32
    scf.for %scan3A_43 = %scan3A_1 to %scan3A_3 step %scan3A_4  : i32 {
      %swap3A = arith.index_cast %scan3A_43 : i32 to index
      %swap3A_44 = arith.constant 0 : index
      %swap3A_45 = tpu.vector_load %arg10[%swap3A, %swap3A_44] {strides = array<i32>} : memref<128x128xf32, #tpu.memory_space<vmem>>, vector<1x16xf32>,
      %swap3A_46 = vector.shape_cast %swap3A_45 : vector<1x16xf32> to vector<16xf32>
      %swap3A_47 = vector.shape_cast %broadcast_in_dim3A_0 : vector<16xf32> to vector<1x16xf32>
      tpu.vector_store %arg10[%swap3A, %swap3A_44], %swap3A_47 {strides = array<i32>} : memref<128x128xf32, #tpu.memory_space<vmem>>, vector<1x16xf32>,
      %swap3A_48 = arith.index_cast %scan3A_43 : i32 to index
      %swap3A_49 = arith.constant 16 : index
      %swap3A_50 = tpu.vector_load %arg10[%swap3A_48, %swap3A_49] {strides = array<i32>} : memref<128x128xf32, #tpu.memory_space<vmem>>, vector<1x16xf32>,
      %swap3A_51 = vector.shape_cast %swap3A_50 : vector<1x16xf32> to vector<16xf32>
      %swap3A_52 = vector.shape_cast %broadcast_in_dim3A_0 : vector<16xf32> to vector<1x16xf32>
      tpu.vector_store %arg10[%swap3A_48, %swap3A_49], %swap3A_52 {strides = array<i32>} : memref<128x128xf32, #tpu.memory_space<vmem>>, vector<1x16xf32>,
      %swap3A_53 = arith.index_cast %scan3A_43 : i32 to index
      %swap3A_54 = arith.constant 32 : index
      %swap3A_55 = tpu.vector_load %arg10[%swap3A_53, %swap3A_54] {strides = array<i32>} : memref<128x128xf32, #tpu.memory_space<vmem>>, vector<1x16xf32>,
      %swap3A_56 = vector.shape_cast %swap3A_55 : vector<1x16xf32> to vector<16xf32>
      %swap3A_57 = vector.shape_cast %broadcast_in_dim3A_0 : vector<16xf32> to vector<1x16xf32>
      tpu.vector_store %arg10[%swap3A_53, %swap3A_54], %swap3A_57 {strides = array<i32>} : memref<128x128xf32, #tpu.memory_space<vmem>>, vector<1x16xf32>,
      %swap3A_58 = arith.index_cast %scan3A_43 : i32 to index
      %swap3A_59 = arith.constant 48 : index
      %swap3A_60 = tpu.vector_load %arg10[%swap3A_58, %swap3A_59] {strides = array<i32>} : memref<128x128xf32, #tpu.memory_space<vmem>>, vector<1x16xf32>,
      %swap3A_61 = vector.shape_cast %swap3A_60 : vector<1x16xf32> to vector<16xf32>
      %swap3A_62 = vector.shape_cast %broadcast_in_dim3A_0 : vector<16xf32> to vector<1x16xf32>
      tpu.vector_store %arg10[%swap3A_58, %swap3A_59], %swap3A_62 {strides = array<i32>} : memref<128x128xf32, #tpu.memory_space<vmem>>, vector<1x16xf32>,
      %swap3A_63 = arith.index_cast %scan3A_43 : i32 to index
      %swap3A_64 = arith.constant 64 : index
      %swap3A_65 = tpu.vector_load %arg10[%swap3A_63, %swap3A_64] {strides = array<i32>} : memref<128x128xf32, #tpu.memory_space<vmem>>, vector<1x16xf32>,
      %swap3A_66 = vector.shape_cast %swap3A_65 : vector<1x16xf32> to vector<16xf32>
      %swap3A_67 = vector.shape_cast %broadcast_in_dim3A_0 : vector<16xf32> to vector<1x16xf32>
      tpu.vector_store %arg10[%swap3A_63, %swap3A_64], %swap3A_67 {strides = array<i32>} : memref<128x128xf32, #tpu.memory_space<vmem>>, vector<1x16xf32>,
      %swap3A_68 = arith.index_cast %scan3A_43 : i32 to index
      %swap3A_69 = arith.constant 80 : index
      %swap3A_70 = tpu.vector_load %arg10[%swap3A_68, %swap3A_69] {strides = array<i32>} : memref<128x128xf32, #tpu.memory_space<vmem>>, vector<1x16xf32>,
      %swap3A_71 = vector.shape_cast %swap3A_70 : vector<1x16xf32> to vector<16xf32>
      %swap3A_72 = vector.shape_cast %broadcast_in_dim3A_0 : vector<16xf32> to vector<1x16xf32>
      tpu.vector_store %arg10[%swap3A_68, %swap3A_69], %swap3A_72 {strides = array<i32>} : memref<128x128xf32, #tpu.memory_space<vmem>>, vector<1x16xf32>,
      %swap3A_73 = arith.index_cast %scan3A_43 : i32 to index
      %swap3A_74 = arith.constant 96 : index
      %swap3A_75 = tpu.vector_load %arg10[%swap3A_73, %swap3A_74] {strides = array<i32>} : memref<128x128xf32, #tpu.memory_space<vmem>>, vector<1x16xf32>,
      %swap3A_76 = vector.shape_cast %swap3A_75 : vector<1x16xf32> to vector<16xf32>
      %swap3A_77 = vector.shape_cast %broadcast_in_dim3A_0 : vector<16xf32> to vector<1x16xf32>
      tpu.vector_store %arg10[%swap3A_73, %swap3A_74], %swap3A_77 {strides = array<i32>} : memref<128x128xf32, #tpu.memory_space<vmem>>, vector<1x16xf32>,
      %swap3A_78 = arith.index_cast %scan3A_43 : i32 to index
      %swap3A_79 = arith.constant 112 : index
      %swap3A_80 = tpu.vector_load %arg10[%swap3A_78, %swap3A_79] {strides = array<i32>} : memref<128x128xf32, #tpu.memory_space<vmem>>, vector<1x16xf32>,
      %swap3A_81 = vector.shape_cast %swap3A_80 : vector<1x16xf32> to vector<16xf32>
      %swap3A_82 = vector.shape_cast %broadcast_in_dim3A_0 : vector<16xf32> to vector<1x16xf32>
      tpu.vector_store %arg10[%swap3A_78, %swap3A_79], %swap3A_82 {strides = array<i32>} : memref<128x128xf32, #tpu.memory_space<vmem>>, vector<1x16xf32>,
    }
    %scan3A_5 = arith.constant 128 : i32
    %mul3A = arith.constant 640 : i32
    %mul3A_6 = arith.muli %arg1, %mul3A : i32
    %add3A = arith.constant 0 : i32
    %add3A_7 = arith.addi %mul3A_6, %add3A : i32
    "tpu.region"() ({
      %run_scoped3A_43 = tpu.sem_alloc : memref<!tpu.dma_semaphore, #tpu.memory_space<semaphore_mem>>
      %dma_start3A = arith.constant 0 : i32
      %dma_start3A_44 = tpu.memref_slice %arg11[%add3A_7, %dma_start3A] : memref<10240x128xf32, #tpu.memory_space<vmem_shared>> -> memref<128x128xf32, #tpu.memory_space<vmem_shared>>
      %dma_start3A_45 = arith.constant 0 : i32
      %dma_start3A_46 = tpu.memref_slice %arg11[%add3A_7, %dma_start3A_45] : memref<10240x128xf32, #tpu.memory_space<vmem_shared>> -> memref<128x128xf32, #tpu.memory_space<vmem_shared>>
      tpu.enqueue_dma source(%arg10 : memref<128x128xf32, #tpu.memory_space<vmem>>) target(%dma_start3A_46 : memref<128x128xf32, #tpu.memory_space<vmem_shared>>) target_semaphore(%run_scoped3A_43 : memref<!tpu.dma_semaphore, #tpu.memory_space<semaphore_mem>>)
      %dma_wait3A = arith.constant 0 : i32
      %dma_wait3A_47 = tpu.memref_slice %arg11[%add3A_7, %dma_wait3A] : memref<10240x128xf32, #tpu.memory_space<vmem_shared>> -> memref<128x128xf32, #tpu.memory_space<vmem_shared>>
      %dma_wait3A_48 = arith.constant 0 : i32
      %dma_wait3A_49 = tpu.memref_slice %arg11[%add3A_7, %dma_wait3A_48] : memref<10240x128xf32, #tpu.memory_space<vmem_shared>> -> memref<128x128xf32, #tpu.memory_space<vmem_shared>>
      tpu.wait_dma2 semaphore(%run_scoped3A_43 : memref<!tpu.dma_semaphore, #tpu.memory_space<semaphore_mem>>) src(%arg10 : memref<128x128xf32, #tpu.memory_space<vmem>>) dst(%dma_wait3A_49 : memref<128x128xf32, #tpu.memory_space<vmem_shared>>)
      tpu.yield
    }) : () -> ()
    %mul3A_8 = arith.constant 640 : i32
    %mul3A_9 = arith.muli %arg1, %mul3A_8 : i32
    %add3A_10 = arith.constant 128 : i32
    %add3A_11 = arith.addi %mul3A_9, %add3A_10 : i32
    "tpu.region"() ({
      %run_scoped3A_43 = tpu.sem_alloc : memref<!tpu.dma_semaphore, #tpu.memory_space<semaphore_mem>>
      %dma_start3A = arith.constant 0 : i32
      %dma_start3A_44 = tpu.memref_slice %arg11[%add3A_11, %dma_start3A] : memref<10240x128xf32, #tpu.memory_space<vmem_shared>> -> memref<128x128xf32, #tpu.memory_space<vmem_shared>>
      %dma_start3A_45 = arith.constant 0 : i32
      %dma_start3A_46 = tpu.memref_slice %arg11[%add3A_11, %dma_start3A_45] : memref<10240x128xf32, #tpu.memory_space<vmem_shared>> -> memref<128x128xf32, #tpu.memory_space<vmem_shared>>
      tpu.enqueue_dma source(%arg10 : memref<128x128xf32, #tpu.memory_space<vmem>>) target(%dma_start3A_46 : memref<128x128xf32, #tpu.memory_space<vmem_shared>>) target_semaphore(%run_scoped3A_43 : memref<!tpu.dma_semaphore, #tpu.memory_space<semaphore_mem>>)
      %dma_wait3A = arith.constant 0 : i32
      %dma_wait3A_47 = tpu.memref_slice %arg11[%add3A_11, %dma_wait3A] : memref<10240x128xf32, #tpu.memory_space<vmem_shared>> -> memref<128x128xf32, #tpu.memory_space<vmem_shared>>
      %dma_wait3A_48 = arith.constant 0 : i32
      %dma_wait3A_49 = tpu.memref_slice %arg11[%add3A_11, %dma_wait3A_48] : memref<10240x128xf32, #tpu.memory_space<vmem_shared>> -> memref<128x128xf32, #tpu.memory_space<vmem_shared>>
      tpu.wait_dma2 semaphore(%run_scoped3A_43 : memref<!tpu.dma_semaphore, #tpu.memory_space<semaphore_mem>>) src(%arg10 : memref<128x128xf32, #tpu.memory_space<vmem>>) dst(%dma_wait3A_49 : memref<128x128xf32, #tpu.memory_space<vmem_shared>>)
      tpu.yield
    }) : () -> ()
    %mul3A_12 = arith.constant 640 : i32
    %mul3A_13 = arith.muli %arg1, %mul3A_12 : i32
    %add3A_14 = arith.constant 256 : i32
    %add3A_15 = arith.addi %mul3A_13, %add3A_14 : i32
    "tpu.region"() ({
      %run_scoped3A_43 = tpu.sem_alloc : memref<!tpu.dma_semaphore, #tpu.memory_space<semaphore_mem>>
      %dma_start3A = arith.constant 0 : i32
      %dma_start3A_44 = tpu.memref_slice %arg11[%add3A_15, %dma_start3A] : memref<10240x128xf32, #tpu.memory_space<vmem_shared>> -> memref<128x128xf32, #tpu.memory_space<vmem_shared>>
      %dma_start3A_45 = arith.constant 0 : i32
      %dma_start3A_46 = tpu.memref_slice %arg11[%add3A_15, %dma_start3A_45] : memref<10240x128xf32, #tpu.memory_space<vmem_shared>> -> memref<128x128xf32, #tpu.memory_space<vmem_shared>>
      tpu.enqueue_dma source(%arg10 : memref<128x128xf32, #tpu.memory_space<vmem>>) target(%dma_start3A_46 : memref<128x128xf32, #tpu.memory_space<vmem_shared>>) target_semaphore(%run_scoped3A_43 : memref<!tpu.dma_semaphore, #tpu.memory_space<semaphore_mem>>)
      %dma_wait3A = arith.constant 0 : i32
      %dma_wait3A_47 = tpu.memref_slice %arg11[%add3A_15, %dma_wait3A] : memref<10240x128xf32, #tpu.memory_space<vmem_shared>> -> memref<128x128xf32, #tpu.memory_space<vmem_shared>>
      %dma_wait3A_48 = arith.constant 0 : i32
      %dma_wait3A_49 = tpu.memref_slice %arg11[%add3A_15, %dma_wait3A_48] : memref<10240x128xf32, #tpu.memory_space<vmem_shared>> -> memref<128x128xf32, #tpu.memory_space<vmem_shared>>
      tpu.wait_dma2 semaphore(%run_scoped3A_43 : memref<!tpu.dma_semaphore, #tpu.memory_space<semaphore_mem>>) src(%arg10 : memref<128x128xf32, #tpu.memory_space<vmem>>) dst(%dma_wait3A_49 : memref<128x128xf32, #tpu.memory_space<vmem_shared>>)
      tpu.yield
    }) : () -> ()
    %mul3A_16 = arith.constant 640 : i32
    %mul3A_17 = arith.muli %arg1, %mul3A_16 : i32
    %add3A_18 = arith.constant 384 : i32
    %add3A_19 = arith.addi %mul3A_17, %add3A_18 : i32
    "tpu.region"() ({
      %run_scoped3A_43 = tpu.sem_alloc : memref<!tpu.dma_semaphore, #tpu.memory_space<semaphore_mem>>
      %dma_start3A = arith.constant 0 : i32
      %dma_start3A_44 = tpu.memref_slice %arg11[%add3A_19, %dma_start3A] : memref<10240x128xf32, #tpu.memory_space<vmem_shared>> -> memref<128x128xf32, #tpu.memory_space<vmem_shared>>
      %dma_start3A_45 = arith.constant 0 : i32
      %dma_start3A_46 = tpu.memref_slice %arg11[%add3A_19, %dma_start3A_45] : memref<10240x128xf32, #tpu.memory_space<vmem_shared>> -> memref<128x128xf32, #tpu.memory_space<vmem_shared>>
      tpu.enqueue_dma source(%arg10 : memref<128x128xf32, #tpu.memory_space<vmem>>) target(%dma_start3A_46 : memref<128x128xf32, #tpu.memory_space<vmem_shared>>) target_semaphore(%run_scoped3A_43 : memref<!tpu.dma_semaphore, #tpu.memory_space<semaphore_mem>>)
      %dma_wait3A = arith.constant 0 : i32
      %dma_wait3A_47 = tpu.memref_slice %arg11[%add3A_19, %dma_wait3A] : memref<10240x128xf32, #tpu.memory_space<vmem_shared>> -> memref<128x128xf32, #tpu.memory_space<vmem_shared>>
      %dma_wait3A_48 = arith.constant 0 : i32
      %dma_wait3A_49 = tpu.memref_slice %arg11[%add3A_19, %dma_wait3A_48] : memref<10240x128xf32, #tpu.memory_space<vmem_shared>> -> memref<128x128xf32, #tpu.memory_space<vmem_shared>>
      tpu.wait_dma2 semaphore(%run_scoped3A_43 : memref<!tpu.dma_semaphore, #tpu.memory_space<semaphore_mem>>) src(%arg10 : memref<128x128xf32, #tpu.memory_space<vmem>>) dst(%dma_wait3A_49 : memref<128x128xf32, #tpu.memory_space<vmem_shared>>)
      tpu.yield
    }) : () -> ()
    %mul3A_20 = arith.constant 640 : i32
    %mul3A_21 = arith.muli %arg1, %mul3A_20 : i32
    %add3A_22 = arith.constant 512 : i32
    %add3A_23 = arith.addi %mul3A_21, %add3A_22 : i32
    "tpu.region"() ({
      %run_scoped3A_43 = tpu.sem_alloc : memref<!tpu.dma_semaphore, #tpu.memory_space<semaphore_mem>>
      %dma_start3A = arith.constant 0 : i32
      %dma_start3A_44 = tpu.memref_slice %arg11[%add3A_23, %dma_start3A] : memref<10240x128xf32, #tpu.memory_space<vmem_shared>> -> memref<128x128xf32, #tpu.memory_space<vmem_shared>>
      %dma_start3A_45 = arith.constant 0 : i32
      %dma_start3A_46 = tpu.memref_slice %arg11[%add3A_23, %dma_start3A_45] : memref<10240x128xf32, #tpu.memory_space<vmem_shared>> -> memref<128x128xf32, #tpu.memory_space<vmem_shared>>
      tpu.enqueue_dma source(%arg10 : memref<128x128xf32, #tpu.memory_space<vmem>>) target(%dma_start3A_46 : memref<128x128xf32, #tpu.memory_space<vmem_shared>>) target_semaphore(%run_scoped3A_43 : memref<!tpu.dma_semaphore, #tpu.memory_space<semaphore_mem>>)
      %dma_wait3A = arith.constant 0 : i32
      %dma_wait3A_47 = tpu.memref_slice %arg11[%add3A_23, %dma_wait3A] : memref<10240x128xf32, #tpu.memory_space<vmem_shared>> -> memref<128x128xf32, #tpu.memory_space<vmem_shared>>
      %dma_wait3A_48 = arith.constant 0 : i32
      %dma_wait3A_49 = tpu.memref_slice %arg11[%add3A_23, %dma_wait3A_48] : memref<10240x128xf32, #tpu.memory_space<vmem_shared>> -> memref<128x128xf32, #tpu.memory_space<vmem_shared>>
      tpu.wait_dma2 semaphore(%run_scoped3A_43 : memref<!tpu.dma_semaphore, #tpu.memory_space<semaphore_mem>>) src(%arg10 : memref<128x128xf32, #tpu.memory_space<vmem>>) dst(%dma_wait3A_49 : memref<128x128xf32, #tpu.memory_space<vmem_shared>>)
      tpu.yield
    }) : () -> ()
    %barrier3A = arith.constant 0 : index
    tpu.barrier barrier_id(%barrier3A)
    %mul3A_24 = arith.constant 640 : i32
    %mul3A_25 = arith.muli %arg1, %mul3A_24 : i32
    "tpu.region"() ({
      %run_scoped3A_43 = tpu.sem_alloc : memref<!tpu.dma_semaphore, #tpu.memory_space<semaphore_mem>>
      %dma_start3A = arith.constant 0 : i32
      %dma_start3A_44 = arith.constant 0 : i32
      %dma_start3A_45 = tpu.memref_slice %arg3[%arg0, %arg1, %dma_start3A, %dma_start3A_44] : memref<2x16x79x128xi32, #tpu.memory_space<hbm>> -> memref<1x1x79x128xi32, #tpu.memory_space<hbm>>
      %dma_start3A_46 = tpu.memref_squeeze %dma_start3A_45 : memref<1x1x79x128xi32, #tpu.memory_space<hbm>> -> memref<79x128xi32, #tpu.memory_space<hbm>>
      %dma_start3A_47 = arith.constant 0 : i32
      %dma_start3A_48 = arith.constant 0 : i32
      %dma_start3A_49 = tpu.memref_slice %arg3[%arg0, %arg1, %dma_start3A_47, %dma_start3A_48] : memref<2x16x79x128xi32, #tpu.memory_space<hbm>> -> memref<1x1x79x128xi32, #tpu.memory_space<hbm>>
      %dma_start3A_50 = tpu.memref_squeeze %dma_start3A_49 : memref<1x1x79x128xi32, #tpu.memory_space<hbm>> -> memref<79x128xi32, #tpu.memory_space<hbm>>
      tpu.enqueue_dma source(%dma_start3A_50 : memref<79x128xi32, #tpu.memory_space<hbm>>) target(%arg8 : memref<79x128xi32, #tpu.memory_space<vmem>>) target_semaphore(%run_scoped3A_43 : memref<!tpu.dma_semaphore, #tpu.memory_space<semaphore_mem>>)
      %dma_wait3A = arith.constant 0 : i32
      %dma_wait3A_51 = arith.constant 0 : i32
      %dma_wait3A_52 = tpu.memref_slice %arg3[%arg0, %arg1, %dma_wait3A, %dma_wait3A_51] : memref<2x16x79x128xi32, #tpu.memory_space<hbm>> -> memref<1x1x79x128xi32, #tpu.memory_space<hbm>>
      %dma_wait3A_53 = tpu.memref_squeeze %dma_wait3A_52 : memref<1x1x79x128xi32, #tpu.memory_space<hbm>> -> memref<79x128xi32, #tpu.memory_space<hbm>>
      %dma_wait3A_54 = arith.constant 0 : i32
      %dma_wait3A_55 = arith.constant 0 : i32
      %dma_wait3A_56 = tpu.memref_slice %arg3[%arg0, %arg1, %dma_wait3A_54, %dma_wait3A_55] : memref<2x16x79x128xi32, #tpu.memory_space<hbm>> -> memref<1x1x79x128xi32, #tpu.memory_space<hbm>>
      %dma_wait3A_57 = tpu.memref_squeeze %dma_wait3A_56 : memref<1x1x79x128xi32, #tpu.memory_space<hbm>> -> memref<79x128xi32, #tpu.memory_space<hbm>>
      tpu.wait_dma2 semaphore(%run_scoped3A_43 : memref<!tpu.dma_semaphore, #tpu.memory_space<semaphore_mem>>) src(%dma_wait3A_57 : memref<79x128xi32, #tpu.memory_space<hbm>>) dst(%arg8 : memref<79x128xi32, #tpu.memory_space<vmem>>)
      tpu.yield
    }) : () -> ()
    "tpu.region"() ({
      %run_scoped3A_43 = tpu.sem_alloc : memref<!tpu.dma_semaphore, #tpu.memory_space<semaphore_mem>>
      %dma_start3A = arith.constant 0 : i32
      %dma_start3A_44 = arith.constant 0 : i32
      %dma_start3A_45 = tpu.memref_slice %arg4[%arg0, %arg1, %dma_start3A, %dma_start3A_44] : memref<2x16x79x128xi32, #tpu.memory_space<hbm>> -> memref<1x1x79x128xi32, #tpu.memory_space<hbm>>
      %dma_start3A_46 = tpu.memref_squeeze %dma_start3A_45 : memref<1x1x79x128xi32, #tpu.memory_space<hbm>> -> memref<79x128xi32, #tpu.memory_space<hbm>>
      %dma_start3A_47 = arith.constant 0 : i32
      %dma_start3A_48 = arith.constant 0 : i32
      %dma_start3A_49 = tpu.memref_slice %arg4[%arg0, %arg1, %dma_start3A_47, %dma_start3A_48] : memref<2x16x79x128xi32, #tpu.memory_space<hbm>> -> memref<1x1x79x128xi32, #tpu.memory_space<hbm>>
      %dma_start3A_50 = tpu.memref_squeeze %dma_start3A_49 : memref<1x1x79x128xi32, #tpu.memory_space<hbm>> -> memref<79x128xi32, #tpu.memory_space<hbm>>
      tpu.enqueue_dma source(%dma_start3A_50 : memref<79x128xi32, #tpu.memory_space<hbm>>) target(%arg9 : memref<79x128xi32, #tpu.memory_space<vmem>>) target_semaphore(%run_scoped3A_43 : memref<!tpu.dma_semaphore, #tpu.memory_space<semaphore_mem>>)
      %dma_wait3A = arith.constant 0 : i32
      %dma_wait3A_51 = arith.constant 0 : i32
      %dma_wait3A_52 = tpu.memref_slice %arg4[%arg0, %arg1, %dma_wait3A, %dma_wait3A_51] : memref<2x16x79x128xi32, #tpu.memory_space<hbm>> -> memref<1x1x79x128xi32, #tpu.memory_space<hbm>>
      %dma_wait3A_53 = tpu.memref_squeeze %dma_wait3A_52 : memref<1x1x79x128xi32, #tpu.memory_space<hbm>> -> memref<79x128xi32, #tpu.memory_space<hbm>>
      %dma_wait3A_54 = arith.constant 0 : i32
      %dma_wait3A_55 = arith.constant 0 : i32
      %dma_wait3A_56 = tpu.memref_slice %arg4[%arg0, %arg1, %dma_wait3A_54, %dma_wait3A_55] : memref<2x16x79x128xi32, #tpu.memory_space<hbm>> -> memref<1x1x79x128xi32, #tpu.memory_space<hbm>>
      %dma_wait3A_57 = tpu.memref_squeeze %dma_wait3A_56 : memref<1x1x79x128xi32, #tpu.memory_space<hbm>> -> memref<79x128xi32, #tpu.memory_space<hbm>>
      tpu.wait_dma2 semaphore(%run_scoped3A_43 : memref<!tpu.dma_semaphore, #tpu.memory_space<semaphore_mem>>) src(%dma_wait3A_57 : memref<79x128xi32, #tpu.memory_space<hbm>>) dst(%arg9 : memref<79x128xi32, #tpu.memory_space<vmem>>)
      tpu.yield
    }) : () -> ()
    %scan3A_26 = arith.constant 0 : i32
    %scan3A_27 = arith.constant 0 : i32
    %scan3A_28 = arith.constant 79 : i32
    %scan3A_29 = arith.addi %scan3A_27, %scan3A_28 : i32
    %scan3A_30 = arith.constant 1 : i32
    scf.for %scan3A_43 = %scan3A_27 to %scan3A_29 step %scan3A_30  : i32 {
      %dma_start3A = arith.constant 0 : i32
      %dma_start3A_44 = tpu.memref_slice %arg8[%scan3A_43, %dma_start3A] : memref<79x128xi32, #tpu.memory_space<vmem>> -> memref<1x128xi32, #tpu.memory_space<vmem>>
      %dma_start3A_45 = tpu.memref_squeeze %dma_start3A_44 : memref<1x128xi32, #tpu.memory_space<vmem>> -> memref<128xi32, #tpu.memory_space<vmem>>
      %dma_start3A_46 = arith.constant 0 : i32
      %dma_start3A_47 = arith.constant 0 : i32
      %dma_start3A_48 = tpu.memref_slice %arg2[%dma_start3A_46, %dma_start3A_47] : memref<10240x128xf32, #tpu.memory_space<hbm>> -> memref<10240x128xf32, #tpu.memory_space<hbm>>
      tpu.enqueue_indirect_dma source(%dma_start3A_48 : memref<10240x128xf32, #tpu.memory_space<hbm>>) target(%arg10 : memref<128x128xf32, #tpu.memory_space<vmem>>) offsets(%dma_start3A_45 : memref<128xi32, #tpu.memory_space<vmem>>) semaphore(%arg12 : memref<!tpu.dma_semaphore, #tpu.memory_space<semaphore_mem>>)
      %dma_wait3A = arith.constant 0 : i32
      %dma_wait3A_49 = tpu.memref_slice %arg8[%scan3A_43, %dma_wait3A] : memref<79x128xi32, #tpu.memory_space<vmem>> -> memref<1x128xi32, #tpu.memory_space<vmem>>
      %dma_wait3A_50 = tpu.memref_squeeze %dma_wait3A_49 : memref<1x128xi32, #tpu.memory_space<vmem>> -> memref<128xi32, #tpu.memory_space<vmem>>
      %dma_wait3A_51 = arith.constant 0 : i32
      %dma_wait3A_52 = arith.constant 0 : i32
      %dma_wait3A_53 = tpu.memref_slice %arg2[%dma_wait3A_51, %dma_wait3A_52] : memref<10240x128xf32, #tpu.memory_space<hbm>> -> memref<10240x128xf32, #tpu.memory_space<hbm>>
      tpu.wait_indirect_dma semaphore(%arg12 : memref<!tpu.dma_semaphore, #tpu.memory_space<semaphore_mem>>) src(%dma_wait3A_53 : memref<10240x128xf32, #tpu.memory_space<hbm>>) dst(%arg10 : memref<128x128xf32, #tpu.memory_space<vmem>>)
      "tpu.region"() ({
        %run_scoped3A_54 = tpu.sem_alloc : memref<!tpu.dma_semaphore, #tpu.memory_space<semaphore_mem>>
        %dma_start3A_55 = arith.constant 0 : i32
        %dma_start3A_56 = tpu.memref_slice %arg9[%scan3A_43, %dma_start3A_55] : memref<79x128xi32, #tpu.memory_space<vmem>> -> memref<1x128xi32, #tpu.memory_space<vmem>>
        %dma_start3A_57 = tpu.memref_squeeze %dma_start3A_56 : memref<1x128xi32, #tpu.memory_space<vmem>> -> memref<128xi32, #tpu.memory_space<vmem>>
        %dma_start3A_58 = arith.constant 0 : i32
        %dma_start3A_59 = arith.constant 0 : i32
        %dma_start3A_60 = tpu.memref_slice %arg11[%dma_start3A_58, %dma_start3A_59] : memref<10240x128xf32, #tpu.memory_space<vmem_shared>> -> memref<10240x128xf32, #tpu.memory_space<vmem_shared>>
        tpu.enqueue_indirect_dma source(%arg10 : memref<128x128xf32, #tpu.memory_space<vmem>>) target(%dma_start3A_60 : memref<10240x128xf32, #tpu.memory_space<vmem_shared>>) offsets(%dma_start3A_57 : memref<128xi32, #tpu.memory_space<vmem>>) semaphore(%run_scoped3A_54 : memref<!tpu.dma_semaphore, #tpu.memory_space<semaphore_mem>>) {add = true}
        %dma_wait3A_61 = arith.constant 0 : i32
        %dma_wait3A_62 = tpu.memref_slice %arg9[%scan3A_43, %dma_wait3A_61] : memref<79x128xi32, #tpu.memory_space<vmem>> -> memref<1x128xi32, #tpu.memory_space<vmem>>
        %dma_wait3A_63 = tpu.memref_squeeze %dma_wait3A_62 : memref<1x128xi32, #tpu.memory_space<vmem>> -> memref<128xi32, #tpu.memory_space<vmem>>
        %dma_wait3A_64 = arith.constant 0 : i32
        %dma_wait3A_65 = arith.constant 0 : i32
        %dma_wait3A_66 = tpu.memref_slice %arg11[%dma_wait3A_64, %dma_wait3A_65] : memref<10240x128xf32, #tpu.memory_space<vmem_shared>> -> memref<10240x128xf32, #tpu.memory_space<vmem_shared>>
        tpu.wait_indirect_dma semaphore(%run_scoped3A_54 : memref<!tpu.dma_semaphore, #tpu.memory_space<semaphore_mem>>) src(%arg10 : memref<128x128xf32, #tpu.memory_space<vmem>>) dst(%dma_wait3A_66 : memref<10240x128xf32, #tpu.memory_space<vmem_shared>>)
        tpu.yield
      }) : () -> ()
    }
    %scan3A_31 = arith.constant 79 : i32
    %barrier3A_32 = arith.constant 0 : index
    tpu.barrier barrier_id(%barrier3A_32)
    %run_scoped3A = arith.constant 0 : i32
    "tpu.region"() ({
      %run_scoped3A_43 = tpu.sem_alloc : memref<!tpu.dma_semaphore, #tpu.memory_space<semaphore_mem>>
      %dma_start3A = arith.constant 0 : i32
      %dma_start3A_44 = tpu.memref_slice %arg7[%run_scoped3A, %arg0, %mul3A_25, %dma_start3A] : memref<2x2x10240x128xf32, #tpu.memory_space<hbm>> -> memref<1x1x640x128xf32, #tpu.memory_space<hbm>>
      %dma_start3A_45 = tpu.memref_squeeze %dma_start3A_44 : memref<1x1x640x128xf32, #tpu.memory_space<hbm>> -> memref<640x128xf32, #tpu.memory_space<hbm>>
      %dma_start3A_46 = arith.constant 0 : i32
      %dma_start3A_47 = tpu.memref_slice %arg11[%mul3A_25, %dma_start3A_46] : memref<10240x128xf32, #tpu.memory_space<vmem_shared>> -> memref<640x128xf32, #tpu.memory_space<vmem_shared>>
      tpu.enqueue_dma source(%dma_start3A_47 : memref<640x128xf32, #tpu.memory_space<vmem_shared>>) target(%dma_start3A_45 : memref<640x128xf32, #tpu.memory_space<hbm>>) target_semaphore(%run_scoped3A_43 : memref<!tpu.dma_semaphore, #tpu.memory_space<semaphore_mem>>)
      %dma_wait3A = arith.constant 0 : i32
      %dma_wait3A_48 = tpu.memref_slice %arg7[%run_scoped3A, %arg0, %mul3A_25, %dma_wait3A] : memref<2x2x10240x128xf32, #tpu.memory_space<hbm>> -> memref<1x1x640x128xf32, #tpu.memory_space<hbm>>
      %dma_wait3A_49 = tpu.memref_squeeze %dma_wait3A_48 : memref<1x1x640x128xf32, #tpu.memory_space<hbm>> -> memref<640x128xf32, #tpu.memory_space<hbm>>
      %dma_wait3A_50 = arith.constant 0 : i32
      %dma_wait3A_51 = tpu.memref_slice %arg11[%mul3A_25, %dma_wait3A_50] : memref<10240x128xf32, #tpu.memory_space<vmem_shared>> -> memref<640x128xf32, #tpu.memory_space<vmem_shared>>
      tpu.wait_dma2 semaphore(%run_scoped3A_43 : memref<!tpu.dma_semaphore, #tpu.memory_space<semaphore_mem>>) src(%dma_wait3A_51 : memref<640x128xf32, #tpu.memory_space<vmem_shared>>) dst(%dma_wait3A_49 : memref<640x128xf32, #tpu.memory_space<hbm>>)
      tpu.yield
    }) : () -> ()
    %barrier3A_33 = arith.constant 0 : index
    tpu.barrier barrier_id(%barrier3A_33)
    "tpu.region"() ({
      %run_scoped3A_43 = tpu.sem_alloc : memref<!tpu.dma_semaphore, #tpu.memory_space<semaphore_mem>>
      %dma_start3A = arith.constant 0 : i32
      %dma_start3A_44 = arith.constant 0 : i32
      %dma_start3A_45 = tpu.memref_slice %arg5[%arg0, %arg1, %dma_start3A, %dma_start3A_44] : memref<2x16x79x128xi32, #tpu.memory_space<hbm>> -> memref<1x1x79x128xi32, #tpu.memory_space<hbm>>
      %dma_start3A_46 = tpu.memref_squeeze %dma_start3A_45 : memref<1x1x79x128xi32, #tpu.memory_space<hbm>> -> memref<79x128xi32, #tpu.memory_space<hbm>>
      %dma_start3A_47 = arith.constant 0 : i32
      %dma_start3A_48 = arith.constant 0 : i32
      %dma_start3A_49 = tpu.memref_slice %arg5[%arg0, %arg1, %dma_start3A_47, %dma_start3A_48] : memref<2x16x79x128xi32, #tpu.memory_space<hbm>> -> memref<1x1x79x128xi32, #tpu.memory_space<hbm>>
      %dma_start3A_50 = tpu.memref_squeeze %dma_start3A_49 : memref<1x1x79x128xi32, #tpu.memory_space<hbm>> -> memref<79x128xi32, #tpu.memory_space<hbm>>
      tpu.enqueue_dma source(%dma_start3A_50 : memref<79x128xi32, #tpu.memory_space<hbm>>) target(%arg8 : memref<79x128xi32, #tpu.memory_space<vmem>>) target_semaphore(%run_scoped3A_43 : memref<!tpu.dma_semaphore, #tpu.memory_space<semaphore_mem>>)
      %dma_wait3A = arith.constant 0 : i32
      %dma_wait3A_51 = arith.constant 0 : i32
      %dma_wait3A_52 = tpu.memref_slice %arg5[%arg0, %arg1, %dma_wait3A, %dma_wait3A_51] : memref<2x16x79x128xi32, #tpu.memory_space<hbm>> -> memref<1x1x79x128xi32, #tpu.memory_space<hbm>>
      %dma_wait3A_53 = tpu.memref_squeeze %dma_wait3A_52 : memref<1x1x79x128xi32, #tpu.memory_space<hbm>> -> memref<79x128xi32, #tpu.memory_space<hbm>>
      %dma_wait3A_54 = arith.constant 0 : i32
      %dma_wait3A_55 = arith.constant 0 : i32
      %dma_wait3A_56 = tpu.memref_slice %arg5[%arg0, %arg1, %dma_wait3A_54, %dma_wait3A_55] : memref<2x16x79x128xi32, #tpu.memory_space<hbm>> -> memref<1x1x79x128xi32, #tpu.memory_space<hbm>>
      %dma_wait3A_57 = tpu.memref_squeeze %dma_wait3A_56 : memref<1x1x79x128xi32, #tpu.memory_space<hbm>> -> memref<79x128xi32, #tpu.memory_space<hbm>>
      tpu.wait_dma2 semaphore(%run_scoped3A_43 : memref<!tpu.dma_semaphore, #tpu.memory_space<semaphore_mem>>) src(%dma_wait3A_57 : memref<79x128xi32, #tpu.memory_space<hbm>>) dst(%arg8 : memref<79x128xi32, #tpu.memory_space<vmem>>)
      tpu.yield
    }) : () -> ()
    "tpu.region"() ({
      %run_scoped3A_43 = tpu.sem_alloc : memref<!tpu.dma_semaphore, #tpu.memory_space<semaphore_mem>>
      %dma_start3A = arith.constant 0 : i32
      %dma_start3A_44 = arith.constant 0 : i32
      %dma_start3A_45 = tpu.memref_slice %arg6[%arg0, %arg1, %dma_start3A, %dma_start3A_44] : memref<2x16x79x128xi32, #tpu.memory_space<hbm>> -> memref<1x1x79x128xi32, #tpu.memory_space<hbm>>
      %dma_start3A_46 = tpu.memref_squeeze %dma_start3A_45 : memref<1x1x79x128xi32, #tpu.memory_space<hbm>> -> memref<79x128xi32, #tpu.memory_space<hbm>>
      %dma_start3A_47 = arith.constant 0 : i32
      %dma_start3A_48 = arith.constant 0 : i32
      %dma_start3A_49 = tpu.memref_slice %arg6[%arg0, %arg1, %dma_start3A_47, %dma_start3A_48] : memref<2x16x79x128xi32, #tpu.memory_space<hbm>> -> memref<1x1x79x128xi32, #tpu.memory_space<hbm>>
      %dma_start3A_50 = tpu.memref_squeeze %dma_start3A_49 : memref<1x1x79x128xi32, #tpu.memory_space<hbm>> -> memref<79x128xi32, #tpu.memory_space<hbm>>
      tpu.enqueue_dma source(%dma_start3A_50 : memref<79x128xi32, #tpu.memory_space<hbm>>) target(%arg9 : memref<79x128xi32, #tpu.memory_space<vmem>>) target_semaphore(%run_scoped3A_43 : memref<!tpu.dma_semaphore, #tpu.memory_space<semaphore_mem>>)
      %dma_wait3A = arith.constant 0 : i32
      %dma_wait3A_51 = arith.constant 0 : i32
      %dma_wait3A_52 = tpu.memref_slice %arg6[%arg0, %arg1, %dma_wait3A, %dma_wait3A_51] : memref<2x16x79x128xi32, #tpu.memory_space<hbm>> -> memref<1x1x79x128xi32, #tpu.memory_space<hbm>>
      %dma_wait3A_53 = tpu.memref_squeeze %dma_wait3A_52 : memref<1x1x79x128xi32, #tpu.memory_space<hbm>> -> memref<79x128xi32, #tpu.memory_space<hbm>>
      %dma_wait3A_54 = arith.constant 0 : i32
      %dma_wait3A_55 = arith.constant 0 : i32
      %dma_wait3A_56 = tpu.memref_slice %arg6[%arg0, %arg1, %dma_wait3A_54, %dma_wait3A_55] : memref<2x16x79x128xi32, #tpu.memory_space<hbm>> -> memref<1x1x79x128xi32, #tpu.memory_space<hbm>>
      %dma_wait3A_57 = tpu.memref_squeeze %dma_wait3A_56 : memref<1x1x79x128xi32, #tpu.memory_space<hbm>> -> memref<79x128xi32, #tpu.memory_space<hbm>>
      tpu.wait_dma2 semaphore(%run_scoped3A_43 : memref<!tpu.dma_semaphore, #tpu.memory_space<semaphore_mem>>) src(%dma_wait3A_57 : memref<79x128xi32, #tpu.memory_space<hbm>>) dst(%arg9 : memref<79x128xi32, #tpu.memory_space<vmem>>)
      tpu.yield
    }) : () -> ()
    %scan3A_34 = arith.constant 0 : i32
    %scan3A_35 = arith.constant 0 : i32
    %scan3A_36 = arith.constant 79 : i32
    %scan3A_37 = arith.addi %scan3A_35, %scan3A_36 : i32
    %scan3A_38 = arith.constant 1 : i32
    scf.for %scan3A_43 = %scan3A_35 to %scan3A_37 step %scan3A_38  : i32 {
      %dma_start3A = arith.constant 0 : i32
      %dma_start3A_44 = tpu.memref_slice %arg8[%scan3A_43, %dma_start3A] : memref<79x128xi32, #tpu.memory_space<vmem>> -> memref<1x128xi32, #tpu.memory_space<vmem>>
      %dma_start3A_45 = tpu.memref_squeeze %dma_start3A_44 : memref<1x128xi32, #tpu.memory_space<vmem>> -> memref<128xi32, #tpu.memory_space<vmem>>
      %dma_start3A_46 = arith.constant 0 : i32
      %dma_start3A_47 = arith.constant 0 : i32
      %dma_start3A_48 = tpu.memref_slice %arg2[%dma_start3A_46, %dma_start3A_47] : memref<10240x128xf32, #tpu.memory_space<hbm>> -> memref<10240x128xf32, #tpu.memory_space<hbm>>
      tpu.enqueue_indirect_dma source(%dma_start3A_48 : memref<10240x128xf32, #tpu.memory_space<hbm>>) target(%arg10 : memref<128x128xf32, #tpu.memory_space<vmem>>) offsets(%dma_start3A_45 : memref<128xi32, #tpu.memory_space<vmem>>) semaphore(%arg12 : memref<!tpu.dma_semaphore, #tpu.memory_space<semaphore_mem>>)
      %dma_wait3A = arith.constant 0 : i32
      %dma_wait3A_49 = tpu.memref_slice %arg8[%scan3A_43, %dma_wait3A] : memref<79x128xi32, #tpu.memory_space<vmem>> -> memref<1x128xi32, #tpu.memory_space<vmem>>
      %dma_wait3A_50 = tpu.memref_squeeze %dma_wait3A_49 : memref<1x128xi32, #tpu.memory_space<vmem>> -> memref<128xi32, #tpu.memory_space<vmem>>
      %dma_wait3A_51 = arith.constant 0 : i32
      %dma_wait3A_52 = arith.constant 0 : i32
      %dma_wait3A_53 = tpu.memref_slice %arg2[%dma_wait3A_51, %dma_wait3A_52] : memref<10240x128xf32, #tpu.memory_space<hbm>> -> memref<10240x128xf32, #tpu.memory_space<hbm>>
      tpu.wait_indirect_dma semaphore(%arg12 : memref<!tpu.dma_semaphore, #tpu.memory_space<semaphore_mem>>) src(%dma_wait3A_53 : memref<10240x128xf32, #tpu.memory_space<hbm>>) dst(%arg10 : memref<128x128xf32, #tpu.memory_space<vmem>>)
      "tpu.region"() ({
        %run_scoped3A_54 = tpu.sem_alloc : memref<!tpu.dma_semaphore, #tpu.memory_space<semaphore_mem>>
        %dma_start3A_55 = arith.constant 0 : i32
        %dma_start3A_56 = tpu.memref_slice %arg9[%scan3A_43, %dma_start3A_55] : memref<79x128xi32, #tpu.memory_space<vmem>> -> memref<1x128xi32, #tpu.memory_space<vmem>>
        %dma_start3A_57 = tpu.memref_squeeze %dma_start3A_56 : memref<1x128xi32, #tpu.memory_space<vmem>> -> memref<128xi32, #tpu.memory_space<vmem>>
        %dma_start3A_58 = arith.constant 0 : i32
        %dma_start3A_59 = arith.constant 0 : i32
        %dma_start3A_60 = tpu.memref_slice %arg11[%dma_start3A_58, %dma_start3A_59] : memref<10240x128xf32, #tpu.memory_space<vmem_shared>> -> memref<10240x128xf32, #tpu.memory_space<vmem_shared>>
        tpu.enqueue_indirect_dma source(%arg10 : memref<128x128xf32, #tpu.memory_space<vmem>>) target(%dma_start3A_60 : memref<10240x128xf32, #tpu.memory_space<vmem_shared>>) offsets(%dma_start3A_57 : memref<128xi32, #tpu.memory_space<vmem>>) semaphore(%run_scoped3A_54 : memref<!tpu.dma_semaphore, #tpu.memory_space<semaphore_mem>>) {add = true}
        %dma_wait3A_61 = arith.constant 0 : i32
        %dma_wait3A_62 = tpu.memref_slice %arg9[%scan3A_43, %dma_wait3A_61] : memref<79x128xi32, #tpu.memory_space<vmem>> -> memref<1x128xi32, #tpu.memory_space<vmem>>
        %dma_wait3A_63 = tpu.memref_squeeze %dma_wait3A_62 : memref<1x128xi32, #tpu.memory_space<vmem>> -> memref<128xi32, #tpu.memory_space<vmem>>
        %dma_wait3A_64 = arith.constant 0 : i32
        %dma_wait3A_65 = arith.constant 0 : i32
        %dma_wait3A_66 = tpu.memref_slice %arg11[%dma_wait3A_64, %dma_wait3A_65] : memref<10240x128xf32, #tpu.memory_space<vmem_shared>> -> memref<10240x128xf32, #tpu.memory_space<vmem_shared>>
        tpu.wait_indirect_dma semaphore(%run_scoped3A_54 : memref<!tpu.dma_semaphore, #tpu.memory_space<semaphore_mem>>) src(%arg10 : memref<128x128xf32, #tpu.memory_space<vmem>>) dst(%dma_wait3A_66 : memref<10240x128xf32, #tpu.memory_space<vmem_shared>>)
        tpu.yield
      }) : () -> ()
    }
    %scan3A_39 = arith.constant 79 : i32
    %barrier3A_40 = arith.constant 0 : index
    tpu.barrier barrier_id(%barrier3A_40)
    %run_scoped3A_41 = arith.constant 1 : i32
    "tpu.region"() ({
      %run_scoped3A_43 = tpu.sem_alloc : memref<!tpu.dma_semaphore, #tpu.memory_space<semaphore_mem>>
      %dma_start3A = arith.constant 0 : i32
      %dma_start3A_44 = tpu.memref_slice %arg7[%run_scoped3A_41, %arg0, %mul3A_25, %dma_start3A] : memref<2x2x10240x128xf32, #tpu.memory_space<hbm>> -> memref<1x1x640x128xf32, #tpu.memory_space<hbm>>
      %dma_start3A_45 = tpu.memref_squeeze %dma_start3A_44 : memref<1x1x640x128xf32, #tpu.memory_space<hbm>> -> memref<640x128xf32, #tpu.memory_space<hbm>>
      %dma_start3A_46 = arith.constant 0 : i32
      %dma_start3A_47 = tpu.memref_slice %arg11[%mul3A_25, %dma_start3A_46] : memref<10240x128xf32, #tpu.memory_space<vmem_shared>> -> memref<640x128xf32, #tpu.memory_space<vmem_shared>>
      tpu.enqueue_dma source(%dma_start3A_47 : memref<640x128xf32, #tpu.memory_space<vmem_shared>>) target(%dma_start3A_45 : memref<640x128xf32, #tpu.memory_space<hbm>>) target_semaphore(%run_scoped3A_43 : memref<!tpu.dma_semaphore, #tpu.memory_space<semaphore_mem>>)
      %dma_wait3A = arith.constant 0 : i32
      %dma_wait3A_48 = tpu.memref_slice %arg7[%run_scoped3A_41, %arg0, %mul3A_25, %dma_wait3A] : memref<2x2x10240x128xf32, #tpu.memory_space<hbm>> -> memref<1x1x640x128xf32, #tpu.memory_space<hbm>>
      %dma_wait3A_49 = tpu.memref_squeeze %dma_wait3A_48 : memref<1x1x640x128xf32, #tpu.memory_space<hbm>> -> memref<640x128xf32, #tpu.memory_space<hbm>>
      %dma_wait3A_50 = arith.constant 0 : i32
      %dma_wait3A_51 = tpu.memref_slice %arg11[%mul3A_25, %dma_wait3A_50] : memref<10240x128xf32, #tpu.memory_space<vmem_shared>> -> memref<640x128xf32, #tpu.memory_space<vmem_shared>>
      tpu.wait_dma2 semaphore(%run_scoped3A_43 : memref<!tpu.dma_semaphore, #tpu.memory_space<semaphore_mem>>) src(%dma_wait3A_51 : memref<640x128xf32, #tpu.memory_space<vmem_shared>>) dst(%dma_wait3A_49 : memref<640x128xf32, #tpu.memory_space<hbm>>)
      tpu.yield
    }) : () -> ()
    %barrier3A_42 = arith.constant 0 : index
    tpu.barrier barrier_id(%barrier3A_42)
    return
  }
}

module attributes {stable_mosaic.version = 14 : i64} {
  func.func @_tc_prep_body(%arg0: i32, %arg1: memref<2x2x2048x1xf32, #tpu.memory_space<vmem>>, %arg2: memref<2048x128xf32, #tpu.memory_space<vmem>>, %arg3: memref<128x64xf32, #tpu.memory_space<vmem>>, %arg4: memref<2048x128xf32, #tpu.memory_space<vmem>>, %arg5: memref<2048x64xf32, #tpu.memory_space<vmem>>, %arg6: memref<2048x2xf32, #tpu.memory_space<vmem>>) attributes {dimension_semantics = [#tpu.dimension_semantics<arbitrary>], iteration_bounds = array<i64: 5>, scalar_prefetch = 0 : i64, scratch_operands = 0 : i64, tpu.core_type = #tpu.core_type<tc>, window_params = [{transform_indices = @transform_0, window_bounds = array<i64: 2, 2, 2048, 1>}, {transform_indices = @transform_1, window_bounds = array<i64: 2048, 128>}, {pipeline_mode = #tpu.pipeline_mode<synchronous>, transform_indices = @transform_2, window_bounds = array<i64: 128, 64>}, {transform_indices = @transform_3, window_bounds = array<i64: 2048, 128>}, {transform_indices = @transform_4, window_bounds = array<i64: 2048, 64>}, {transform_indices = @transform_5, window_bounds = array<i64: 2048, 2>}]} {
    %get3A = arith.constant 0 : index
    %get3A_0 = arith.constant 0 : index
    %get3A_1 = arith.constant 0 : index
    %get3A_2 = arith.constant 0 : index
    %get3A_3 = vector.load %arg1[%get3A, %get3A_0, %get3A_1, %get3A_2] : memref<2x2x2048x1xf32, #tpu.memory_space<vmem>>, vector<1x1x2048x1xf32>
    %get3A_4 = vector.shape_cast %get3A_3 : vector<1x1x2048x1xf32> to vector<2048x1xf32>
    %get3A_5 = arith.constant 0 : index
    %get3A_6 = arith.constant 1 : index
    %get3A_7 = arith.constant 0 : index
    %get3A_8 = arith.constant 0 : index
    %get3A_9 = vector.load %arg1[%get3A_5, %get3A_6, %get3A_7, %get3A_8] : memref<2x2x2048x1xf32, #tpu.memory_space<vmem>>, vector<1x1x2048x1xf32>
    %get3A_10 = vector.shape_cast %get3A_9 : vector<1x1x2048x1xf32> to vector<2048x1xf32>
    %add3A = arith.addf %get3A_4, %get3A_10 : vector<2048x1xf32>
    %add3A_11 = arith.constant 1.000000e+00 : f32
    %add3A_12 = vector.broadcast %add3A_11 : f32 to vector<2048x1xf32>
    %add3A_13 = arith.addf %add3A, %add3A_12 : vector<2048x1xf32>
    %get3A_14 = arith.constant 1 : index
    %get3A_15 = arith.constant 0 : index
    %get3A_16 = arith.constant 0 : index
    %get3A_17 = arith.constant 0 : index
    %get3A_18 = vector.load %arg1[%get3A_14, %get3A_15, %get3A_16, %get3A_17] : memref<2x2x2048x1xf32, #tpu.memory_space<vmem>>, vector<1x1x2048x1xf32>
    %get3A_19 = vector.shape_cast %get3A_18 : vector<1x1x2048x1xf32> to vector<2048x1xf32>
    %get3A_20 = arith.constant 1 : index
    %get3A_21 = arith.constant 1 : index
    %get3A_22 = arith.constant 0 : index
    %get3A_23 = arith.constant 0 : index
    %get3A_24 = vector.load %arg1[%get3A_20, %get3A_21, %get3A_22, %get3A_23] : memref<2x2x2048x1xf32, #tpu.memory_space<vmem>>, vector<1x1x2048x1xf32>
    %get3A_25 = vector.shape_cast %get3A_24 : vector<1x1x2048x1xf32> to vector<2048x1xf32>
    %add3A_26 = arith.addf %get3A_19, %get3A_25 : vector<2048x1xf32>
    %add3A_27 = arith.constant 1.000000e+00 : f32
    %add3A_28 = vector.broadcast %add3A_27 : f32 to vector<2048x1xf32>
    %add3A_29 = arith.addf %add3A_26, %add3A_28 : vector<2048x1xf32>
    %sqrt3A = math.sqrt %add3A_13 : vector<2048x1xf32>
    %div3A = arith.constant 1.000000e+00 : f32
    %div3A_30 = vector.broadcast %div3A : f32 to vector<2048x1xf32>
    %div3A_31 = arith.divf %div3A_30, %sqrt3A : vector<2048x1xf32>
    %sqrt3A_32 = math.sqrt %add3A_29 : vector<2048x1xf32>
    %div3A_33 = arith.constant 1.000000e+00 : f32
    %div3A_34 = vector.broadcast %div3A_33 : f32 to vector<2048x1xf32>
    %div3A_35 = arith.divf %div3A_34, %sqrt3A_32 : vector<2048x1xf32>
    %get3A_36 = arith.constant 0 : index
    %get3A_37 = arith.constant 0 : index
    %get3A_38 = vector.load %arg2[%get3A_36, %get3A_37] : memref<2048x128xf32, #tpu.memory_space<vmem>>, vector<2048x128xf32>
    %get3A_39 = arith.constant 0 : index
    %get3A_40 = arith.constant 0 : index
    %get3A_41 = vector.load %arg3[%get3A_39, %get3A_40] : memref<128x64xf32, #tpu.memory_space<vmem>>, vector<128x64xf32>
    %dot_general3A = arith.constant dense<0.000000e+00> : vector<2048x64xf32>
    %dot_general3A_42 = tpu.matmul %get3A_38, %get3A_41, %dot_general3A {dimension_numbers = #tpu.dot_dimension_numbers<[1], [0], [0], [1], [0, 0, 1, 1], [], []>, transpose_lhs_hint = false} : vector<2048x128xf32>, vector<128x64xf32>, vector<2048x64xf32> -> vector<2048x64xf32>
    %slice3A = vector.extract_strided_slice %dot_general3A_42 {offsets = [0, 0], sizes = [2048, 32], strides = [1, 1]} : vector<2048x64xf32> to vector<2048x32xf32>
    %mul3A = vector.broadcast %div3A_31 : vector<2048x1xf32> to vector<2048x32xf32>
    %mul3A_43 = arith.mulf %mul3A, %slice3A : vector<2048x32xf32>
    %slice3A_44 = vector.extract_strided_slice %dot_general3A_42 {offsets = [0, 32], sizes = [2048, 32], strides = [1, 1]} : vector<2048x64xf32> to vector<2048x32xf32>
    %mul3A_45 = vector.broadcast %div3A_35 : vector<2048x1xf32> to vector<2048x32xf32>
    %mul3A_46 = arith.mulf %mul3A_45, %slice3A_44 : vector<2048x32xf32>
    %broadcast_in_dim3A = arith.constant 0.000000e+00 : f32
    %broadcast_in_dim3A_47 = vector.broadcast %broadcast_in_dim3A : f32 to vector<2048x64xf32>
    %concatenate3A = tpu.concatenate %mul3A_43, %mul3A_46, %broadcast_in_dim3A_47 in 1 : vector<2048x32xf32>, vector<2048x32xf32>, vector<2048x64xf32> -> vector<2048x128xf32>
    %swap3A = arith.constant 0 : index
    %swap3A_48 = arith.constant 0 : index
    %swap3A_49 = vector.load %arg4[%swap3A, %swap3A_48] : memref<2048x128xf32, #tpu.memory_space<vmem>>, vector<2048x128xf32>
    tpu.vector_store %arg4[%swap3A, %swap3A_48], %concatenate3A {strides = array<i32>} : memref<2048x128xf32, #tpu.memory_space<vmem>>, vector<2048x128xf32>,
    %swap3A_50 = arith.constant 0 : index
    %swap3A_51 = arith.constant 0 : index
    %swap3A_52 = vector.load %arg5[%swap3A_50, %swap3A_51] : memref<2048x64xf32, #tpu.memory_space<vmem>>, vector<2048x64xf32>
    tpu.vector_store %arg5[%swap3A_50, %swap3A_51], %dot_general3A_42 {strides = array<i32>} : memref<2048x64xf32, #tpu.memory_space<vmem>>, vector<2048x64xf32>,
    %concatenate3A_53 = tpu.concatenate %div3A_31, %div3A_35 in 1 : vector<2048x1xf32>, vector<2048x1xf32> -> vector<2048x2xf32>
    %swap3A_54 = arith.constant 0 : index
    %swap3A_55 = arith.constant 0 : index
    %swap3A_56 = vector.load %arg6[%swap3A_54, %swap3A_55] : memref<2048x2xf32, #tpu.memory_space<vmem>>, vector<2048x2xf32>
    tpu.vector_store %arg6[%swap3A_54, %swap3A_55], %concatenate3A_53 {strides = array<i32>} : memref<2048x2xf32, #tpu.memory_space<vmem>>, vector<2048x2xf32>,
    return
  }
  func.func @transform_0(%arg0: i32) -> (i32, i32, i32, i32) {
    %c0_i32 = arith.constant 0 : i32
    %c0_i32_0 = arith.constant 0 : i32
    %c0_i32_1 = arith.constant 0 : i32
    %c0_i32_2 = arith.constant 0 : i32
    return %c0_i32, %c0_i32_0, %arg0, %c0_i32_1 : i32, i32, i32, i32
  }
  func.func @transform_1(%arg0: i32) -> (i32, i32) {
    %c0_i32 = arith.constant 0 : i32
    %c0_i32_0 = arith.constant 0 : i32
    return %arg0, %c0_i32 : i32, i32
  }
  func.func @transform_2(%arg0: i32) -> (i32, i32) {
    %c0_i32 = arith.constant 0 : i32
    %c0_i32_0 = arith.constant 0 : i32
    %c0_i32_1 = arith.constant 0 : i32
    return %c0_i32, %c0_i32_0 : i32, i32
  }
  func.func @transform_3(%arg0: i32) -> (i32, i32) {
    %c0_i32 = arith.constant 0 : i32
    %c0_i32_0 = arith.constant 0 : i32
    return %arg0, %c0_i32 : i32, i32
  }
  func.func @transform_4(%arg0: i32) -> (i32, i32) {
    %c0_i32 = arith.constant 0 : i32
    %c0_i32_0 = arith.constant 0 : i32
    return %arg0, %c0_i32 : i32, i32
  }
  func.func @transform_5(%arg0: i32) -> (i32, i32) {
    %c0_i32 = arith.constant 0 : i32
    %c0_i32_0 = arith.constant 0 : i32
    return %arg0, %c0_i32 : i32, i32
  }
}

module attributes {stable_mosaic.version = 14 : i64} {
  func.func @_tc_layer_body(%arg0: i32, %arg1: memref<2x2x2048x128xf32, #tpu.memory_space<vmem>>, %arg2: memref<2048x64xf32, #tpu.memory_space<vmem>>, %arg3: memref<2048x2xf32, #tpu.memory_space<vmem>>, %arg4: memref<1x32xf32, #tpu.memory_space<vmem>>, %arg5: memref<1x32xf32, #tpu.memory_space<vmem>>, %arg6: memref<64x64xf32, #tpu.memory_space<vmem>>, %arg7: memref<2048x128xf32, #tpu.memory_space<vmem>>, %arg8: memref<2048x64xf32, #tpu.memory_space<vmem>>) attributes {dimension_semantics = [#tpu.dimension_semantics<arbitrary>], iteration_bounds = array<i64: 5>, scalar_prefetch = 0 : i64, scratch_operands = 0 : i64, tpu.core_type = #tpu.core_type<tc>, window_params = [{transform_indices = @transform_0, window_bounds = array<i64: 2, 2, 2048, 128>}, {transform_indices = @transform_1, window_bounds = array<i64: 2048, 64>}, {transform_indices = @transform_2, window_bounds = array<i64: 2048, 2>}, {pipeline_mode = #tpu.pipeline_mode<synchronous>, transform_indices = @transform_3, window_bounds = array<i64: 1, 32>}, {pipeline_mode = #tpu.pipeline_mode<synchronous>, transform_indices = @transform_4, window_bounds = array<i64: 1, 32>}, {pipeline_mode = #tpu.pipeline_mode<synchronous>, transform_indices = @transform_5, window_bounds = array<i64: 64, 64>}, {transform_indices = @transform_6, window_bounds = array<i64: 2048, 128>}, {transform_indices = @transform_7, window_bounds = array<i64: 2048, 64>}]} {
    %get3A = arith.constant 0 : index
    %get3A_0 = arith.constant 0 : index
    %get3A_1 = vector.load %arg3[%get3A, %get3A_0] : memref<2048x2xf32, #tpu.memory_space<vmem>>, vector<2048x1xf32>
    %get3A_2 = arith.constant 0 : index
    %get3A_3 = arith.constant 1 : index
    %get3A_4 = vector.load %arg3[%get3A_2, %get3A_3] : memref<2048x2xf32, #tpu.memory_space<vmem>>, vector<2048x1xf32>
    %get3A_5 = arith.constant 0 : index
    %get3A_6 = arith.constant 0 : index
    %get3A_7 = arith.constant 0 : index
    %get3A_8 = arith.constant 0 : index
    %get3A_9 = vector.load %arg1[%get3A_5, %get3A_6, %get3A_7, %get3A_8] : memref<2x2x2048x128xf32, #tpu.memory_space<vmem>>, vector<1x1x2048x128xf32>
    %get3A_10 = vector.shape_cast %get3A_9 : vector<1x1x2048x128xf32> to vector<2048x128xf32>
    %slice3A = vector.extract_strided_slice %get3A_10 {offsets = [0, 0], sizes = [2048, 32], strides = [1, 1]} : vector<2048x128xf32> to vector<2048x32xf32>
    %get3A_11 = arith.constant 0 : index
    %get3A_12 = arith.constant 1 : index
    %get3A_13 = arith.constant 0 : index
    %get3A_14 = arith.constant 0 : index
    %get3A_15 = vector.load %arg1[%get3A_11, %get3A_12, %get3A_13, %get3A_14] : memref<2x2x2048x128xf32, #tpu.memory_space<vmem>>, vector<1x1x2048x128xf32>
    %get3A_16 = vector.shape_cast %get3A_15 : vector<1x1x2048x128xf32> to vector<2048x128xf32>
    %slice3A_17 = vector.extract_strided_slice %get3A_16 {offsets = [0, 0], sizes = [2048, 32], strides = [1, 1]} : vector<2048x128xf32> to vector<2048x32xf32>
    %add3A = arith.addf %slice3A, %slice3A_17 : vector<2048x32xf32>
    %get3A_18 = arith.constant 1 : index
    %get3A_19 = arith.constant 0 : index
    %get3A_20 = arith.constant 0 : index
    %get3A_21 = arith.constant 0 : index
    %get3A_22 = vector.load %arg1[%get3A_18, %get3A_19, %get3A_20, %get3A_21] : memref<2x2x2048x128xf32, #tpu.memory_space<vmem>>, vector<1x1x2048x128xf32>
    %get3A_23 = vector.shape_cast %get3A_22 : vector<1x1x2048x128xf32> to vector<2048x128xf32>
    %slice3A_24 = vector.extract_strided_slice %get3A_23 {offsets = [0, 32], sizes = [2048, 32], strides = [1, 1]} : vector<2048x128xf32> to vector<2048x32xf32>
    %get3A_25 = arith.constant 1 : index
    %get3A_26 = arith.constant 1 : index
    %get3A_27 = arith.constant 0 : index
    %get3A_28 = arith.constant 0 : index
    %get3A_29 = vector.load %arg1[%get3A_25, %get3A_26, %get3A_27, %get3A_28] : memref<2x2x2048x128xf32, #tpu.memory_space<vmem>>, vector<1x1x2048x128xf32>
    %get3A_30 = vector.shape_cast %get3A_29 : vector<1x1x2048x128xf32> to vector<2048x128xf32>
    %slice3A_31 = vector.extract_strided_slice %get3A_30 {offsets = [0, 32], sizes = [2048, 32], strides = [1, 1]} : vector<2048x128xf32> to vector<2048x32xf32>
    %add3A_32 = arith.addf %slice3A_24, %slice3A_31 : vector<2048x32xf32>
    %get3A_33 = arith.constant 0 : index
    %get3A_34 = arith.constant 0 : index
    %get3A_35 = arith.constant 0 : index
    %get3A_36 = arith.constant 0 : index
    %get3A_37 = vector.load %arg1[%get3A_33, %get3A_34, %get3A_35, %get3A_36] : memref<2x2x2048x128xf32, #tpu.memory_space<vmem>>, vector<1x1x2048x128xf32>
    %get3A_38 = vector.shape_cast %get3A_37 : vector<1x1x2048x128xf32> to vector<2048x128xf32>
    %slice3A_39 = vector.extract_strided_slice %get3A_38 {offsets = [0, 32], sizes = [2048, 32], strides = [1, 1]} : vector<2048x128xf32> to vector<2048x32xf32>
    %sub3A = arith.subf %add3A_32, %slice3A_39 : vector<2048x32xf32>
    %get3A_40 = arith.constant 0 : index
    %get3A_41 = arith.constant 1 : index
    %get3A_42 = arith.constant 0 : index
    %get3A_43 = arith.constant 0 : index
    %get3A_44 = vector.load %arg1[%get3A_40, %get3A_41, %get3A_42, %get3A_43] : memref<2x2x2048x128xf32, #tpu.memory_space<vmem>>, vector<1x1x2048x128xf32>
    %get3A_45 = vector.shape_cast %get3A_44 : vector<1x1x2048x128xf32> to vector<2048x128xf32>
    %slice3A_46 = vector.extract_strided_slice %get3A_45 {offsets = [0, 32], sizes = [2048, 32], strides = [1, 1]} : vector<2048x128xf32> to vector<2048x32xf32>
    %sub3A_47 = arith.subf %sub3A, %slice3A_46 : vector<2048x32xf32>
    %mul3A = vector.broadcast %get3A_1 : vector<2048x1xf32> to vector<2048x32xf32>
    %mul3A_48 = arith.mulf %mul3A, %add3A : vector<2048x32xf32>
    %mul3A_49 = arith.mulf %get3A_1, %get3A_1 : vector<2048x1xf32>
    %get3A_50 = arith.constant 0 : index
    %get3A_51 = arith.constant 0 : index
    %get3A_52 = vector.load %arg2[%get3A_50, %get3A_51] : memref<2048x64xf32, #tpu.memory_space<vmem>>, vector<2048x32xf32>
    %mul3A_53 = vector.broadcast %mul3A_49 : vector<2048x1xf32> to vector<2048x32xf32>
    %mul3A_54 = arith.mulf %mul3A_53, %get3A_52 : vector<2048x32xf32>
    %add3A_55 = arith.addf %mul3A_48, %mul3A_54 : vector<2048x32xf32>
    %get3A_56 = arith.constant 0 : index
    %get3A_57 = arith.constant 0 : index
    %get3A_58 = vector.load %arg4[%get3A_56, %get3A_57] : memref<1x32xf32, #tpu.memory_space<vmem>>, vector<1x32xf32>
    %add3A_59 = vector.broadcast %get3A_58 : vector<1x32xf32> to vector<2048x32xf32>
    %add3A_60 = arith.addf %add3A_55, %add3A_59 : vector<2048x32xf32>
    %max3A = arith.constant 0.000000e+00 : f32
    %max3A_61 = vector.broadcast %max3A : f32 to vector<2048x32xf32>
    %max3A_62 = arith.maximumf %add3A_60, %max3A_61 : vector<2048x32xf32>
    %mul3A_63 = vector.broadcast %get3A_4 : vector<2048x1xf32> to vector<2048x32xf32>
    %mul3A_64 = arith.mulf %mul3A_63, %sub3A_47 : vector<2048x32xf32>
    %mul3A_65 = arith.mulf %get3A_4, %get3A_4 : vector<2048x1xf32>
    %get3A_66 = arith.constant 0 : index
    %get3A_67 = arith.constant 32 : index
    %get3A_68 = vector.load %arg2[%get3A_66, %get3A_67] : memref<2048x64xf32, #tpu.memory_space<vmem>>, vector<2048x32xf32>
    %mul3A_69 = vector.broadcast %mul3A_65 : vector<2048x1xf32> to vector<2048x32xf32>
    %mul3A_70 = arith.mulf %mul3A_69, %get3A_68 : vector<2048x32xf32>
    %add3A_71 = arith.addf %mul3A_64, %mul3A_70 : vector<2048x32xf32>
    %get3A_72 = arith.constant 0 : index
    %get3A_73 = arith.constant 0 : index
    %get3A_74 = vector.load %arg5[%get3A_72, %get3A_73] : memref<1x32xf32, #tpu.memory_space<vmem>>, vector<1x32xf32>
    %add3A_75 = vector.broadcast %get3A_74 : vector<1x32xf32> to vector<2048x32xf32>
    %add3A_76 = arith.addf %add3A_71, %add3A_75 : vector<2048x32xf32>
    %max3A_77 = arith.constant 0.000000e+00 : f32
    %max3A_78 = vector.broadcast %max3A_77 : f32 to vector<2048x32xf32>
    %max3A_79 = arith.maximumf %add3A_76, %max3A_78 : vector<2048x32xf32>
    %concatenate3A = tpu.concatenate %max3A_62, %max3A_79 in 1 : vector<2048x32xf32>, vector<2048x32xf32> -> vector<2048x64xf32>
    %get3A_80 = arith.constant 0 : index
    %get3A_81 = arith.constant 0 : index
    %get3A_82 = vector.load %arg6[%get3A_80, %get3A_81] : memref<64x64xf32, #tpu.memory_space<vmem>>, vector<64x64xf32>
    %dot_general3A = arith.constant dense<0.000000e+00> : vector<2048x64xf32>
    %dot_general3A_83 = tpu.matmul %concatenate3A, %get3A_82, %dot_general3A {dimension_numbers = #tpu.dot_dimension_numbers<[1], [0], [0], [1], [0, 0, 1, 1], [], []>, transpose_lhs_hint = false} : vector<2048x64xf32>, vector<64x64xf32>, vector<2048x64xf32> -> vector<2048x64xf32>
    %slice3A_84 = vector.extract_strided_slice %dot_general3A_83 {offsets = [0, 0], sizes = [2048, 32], strides = [1, 1]} : vector<2048x64xf32> to vector<2048x32xf32>
    %mul3A_85 = vector.broadcast %get3A_1 : vector<2048x1xf32> to vector<2048x32xf32>
    %mul3A_86 = arith.mulf %mul3A_85, %slice3A_84 : vector<2048x32xf32>
    %slice3A_87 = vector.extract_strided_slice %dot_general3A_83 {offsets = [0, 32], sizes = [2048, 32], strides = [1, 1]} : vector<2048x64xf32> to vector<2048x32xf32>
    %mul3A_88 = vector.broadcast %get3A_4 : vector<2048x1xf32> to vector<2048x32xf32>
    %mul3A_89 = arith.mulf %mul3A_88, %slice3A_87 : vector<2048x32xf32>
    %broadcast_in_dim3A = arith.constant 0.000000e+00 : f32
    %broadcast_in_dim3A_90 = vector.broadcast %broadcast_in_dim3A : f32 to vector<2048x64xf32>
    %concatenate3A_91 = tpu.concatenate %mul3A_86, %mul3A_89, %broadcast_in_dim3A_90 in 1 : vector<2048x32xf32>, vector<2048x32xf32>, vector<2048x64xf32> -> vector<2048x128xf32>
    %swap3A = arith.constant 0 : index
    %swap3A_92 = arith.constant 0 : index
    %swap3A_93 = vector.load %arg7[%swap3A, %swap3A_92] : memref<2048x128xf32, #tpu.memory_space<vmem>>, vector<2048x128xf32>
    tpu.vector_store %arg7[%swap3A, %swap3A_92], %concatenate3A_91 {strides = array<i32>} : memref<2048x128xf32, #tpu.memory_space<vmem>>, vector<2048x128xf32>,
    %swap3A_94 = arith.constant 0 : index
    %swap3A_95 = arith.constant 0 : index
    %swap3A_96 = vector.load %arg8[%swap3A_94, %swap3A_95] : memref<2048x64xf32, #tpu.memory_space<vmem>>, vector<2048x64xf32>
    tpu.vector_store %arg8[%swap3A_94, %swap3A_95], %dot_general3A_83 {strides = array<i32>} : memref<2048x64xf32, #tpu.memory_space<vmem>>, vector<2048x64xf32>,
    return
  }
  func.func @transform_0(%arg0: i32) -> (i32, i32, i32, i32) {
    %c0_i32 = arith.constant 0 : i32
    %c0_i32_0 = arith.constant 0 : i32
    %c0_i32_1 = arith.constant 0 : i32
    %c0_i32_2 = arith.constant 0 : i32
    return %c0_i32, %c0_i32_0, %arg0, %c0_i32_1 : i32, i32, i32, i32
  }
  func.func @transform_1(%arg0: i32) -> (i32, i32) {
    %c0_i32 = arith.constant 0 : i32
    %c0_i32_0 = arith.constant 0 : i32
    return %arg0, %c0_i32 : i32, i32
  }
  func.func @transform_2(%arg0: i32) -> (i32, i32) {
    %c0_i32 = arith.constant 0 : i32
    %c0_i32_0 = arith.constant 0 : i32
    return %arg0, %c0_i32 : i32, i32
  }
  func.func @transform_3(%arg0: i32) -> (i32, i32) {
    %c0_i32 = arith.constant 0 : i32
    %c0_i32_0 = arith.constant 0 : i32
    %c0_i32_1 = arith.constant 0 : i32
    return %c0_i32, %c0_i32_0 : i32, i32
  }
  func.func @transform_4(%arg0: i32) -> (i32, i32) {
    %c0_i32 = arith.constant 0 : i32
    %c0_i32_0 = arith.constant 0 : i32
    %c0_i32_1 = arith.constant 0 : i32
    return %c0_i32, %c0_i32_0 : i32, i32
  }
  func.func @transform_5(%arg0: i32) -> (i32, i32) {
    %c0_i32 = arith.constant 0 : i32
    %c0_i32_0 = arith.constant 0 : i32
    %c0_i32_1 = arith.constant 0 : i32
    return %c0_i32, %c0_i32_0 : i32, i32
  }
  func.func @transform_6(%arg0: i32) -> (i32, i32) {
    %c0_i32 = arith.constant 0 : i32
    %c0_i32_0 = arith.constant 0 : i32
    return %arg0, %c0_i32 : i32, i32
  }
  func.func @transform_7(%arg0: i32) -> (i32, i32) {
    %c0_i32 = arith.constant 0 : i32
    %c0_i32_0 = arith.constant 0 : i32
    return %arg0, %c0_i32 : i32, i32
  }
}

module attributes {stable_mosaic.version = 14 : i64} {
  func.func @_tc_pre_body(%arg0: i32, %arg1: memref<2x2x2048x128xf32, #tpu.memory_space<vmem>>, %arg2: memref<2048x64xf32, #tpu.memory_space<vmem>>, %arg3: memref<2048x2xf32, #tpu.memory_space<vmem>>, %arg4: memref<1x32xf32, #tpu.memory_space<vmem>>, %arg5: memref<1x32xf32, #tpu.memory_space<vmem>>, %arg6: memref<64x512xf32, #tpu.memory_space<vmem>>, %arg7: memref<1x512xf32, #tpu.memory_space<vmem>>, %arg8: memref<2048x512xf32, #tpu.memory_space<vmem>>) attributes {dimension_semantics = [#tpu.dimension_semantics<arbitrary>], iteration_bounds = array<i64: 5>, scalar_prefetch = 0 : i64, scratch_operands = 0 : i64, tpu.core_type = #tpu.core_type<tc>, window_params = [{transform_indices = @transform_0, window_bounds = array<i64: 2, 2, 2048, 128>}, {transform_indices = @transform_1, window_bounds = array<i64: 2048, 64>}, {transform_indices = @transform_2, window_bounds = array<i64: 2048, 2>}, {pipeline_mode = #tpu.pipeline_mode<synchronous>, transform_indices = @transform_3, window_bounds = array<i64: 1, 32>}, {pipeline_mode = #tpu.pipeline_mode<synchronous>, transform_indices = @transform_4, window_bounds = array<i64: 1, 32>}, {pipeline_mode = #tpu.pipeline_mode<synchronous>, transform_indices = @transform_5, window_bounds = array<i64: 64, 512>}, {pipeline_mode = #tpu.pipeline_mode<synchronous>, transform_indices = @transform_6, window_bounds = array<i64: 1, 512>}, {transform_indices = @transform_7, window_bounds = array<i64: 2048, 512>}]} {
    %get3A = arith.constant 0 : index
    %get3A_0 = arith.constant 0 : index
    %get3A_1 = vector.load %arg3[%get3A, %get3A_0] : memref<2048x2xf32, #tpu.memory_space<vmem>>, vector<2048x1xf32>
    %get3A_2 = arith.constant 0 : index
    %get3A_3 = arith.constant 1 : index
    %get3A_4 = vector.load %arg3[%get3A_2, %get3A_3] : memref<2048x2xf32, #tpu.memory_space<vmem>>, vector<2048x1xf32>
    %get3A_5 = arith.constant 0 : index
    %get3A_6 = arith.constant 0 : index
    %get3A_7 = arith.constant 0 : index
    %get3A_8 = arith.constant 0 : index
    %get3A_9 = vector.load %arg1[%get3A_5, %get3A_6, %get3A_7, %get3A_8] : memref<2x2x2048x128xf32, #tpu.memory_space<vmem>>, vector<1x1x2048x128xf32>
    %get3A_10 = vector.shape_cast %get3A_9 : vector<1x1x2048x128xf32> to vector<2048x128xf32>
    %slice3A = vector.extract_strided_slice %get3A_10 {offsets = [0, 0], sizes = [2048, 32], strides = [1, 1]} : vector<2048x128xf32> to vector<2048x32xf32>
    %get3A_11 = arith.constant 0 : index
    %get3A_12 = arith.constant 1 : index
    %get3A_13 = arith.constant 0 : index
    %get3A_14 = arith.constant 0 : index
    %get3A_15 = vector.load %arg1[%get3A_11, %get3A_12, %get3A_13, %get3A_14] : memref<2x2x2048x128xf32, #tpu.memory_space<vmem>>, vector<1x1x2048x128xf32>
    %get3A_16 = vector.shape_cast %get3A_15 : vector<1x1x2048x128xf32> to vector<2048x128xf32>
    %slice3A_17 = vector.extract_strided_slice %get3A_16 {offsets = [0, 0], sizes = [2048, 32], strides = [1, 1]} : vector<2048x128xf32> to vector<2048x32xf32>
    %add3A = arith.addf %slice3A, %slice3A_17 : vector<2048x32xf32>
    %get3A_18 = arith.constant 1 : index
    %get3A_19 = arith.constant 0 : index
    %get3A_20 = arith.constant 0 : index
    %get3A_21 = arith.constant 0 : index
    %get3A_22 = vector.load %arg1[%get3A_18, %get3A_19, %get3A_20, %get3A_21] : memref<2x2x2048x128xf32, #tpu.memory_space<vmem>>, vector<1x1x2048x128xf32>
    %get3A_23 = vector.shape_cast %get3A_22 : vector<1x1x2048x128xf32> to vector<2048x128xf32>
    %slice3A_24 = vector.extract_strided_slice %get3A_23 {offsets = [0, 32], sizes = [2048, 32], strides = [1, 1]} : vector<2048x128xf32> to vector<2048x32xf32>
    %get3A_25 = arith.constant 1 : index
    %get3A_26 = arith.constant 1 : index
    %get3A_27 = arith.constant 0 : index
    %get3A_28 = arith.constant 0 : index
    %get3A_29 = vector.load %arg1[%get3A_25, %get3A_26, %get3A_27, %get3A_28] : memref<2x2x2048x128xf32, #tpu.memory_space<vmem>>, vector<1x1x2048x128xf32>
    %get3A_30 = vector.shape_cast %get3A_29 : vector<1x1x2048x128xf32> to vector<2048x128xf32>
    %slice3A_31 = vector.extract_strided_slice %get3A_30 {offsets = [0, 32], sizes = [2048, 32], strides = [1, 1]} : vector<2048x128xf32> to vector<2048x32xf32>
    %add3A_32 = arith.addf %slice3A_24, %slice3A_31 : vector<2048x32xf32>
    %get3A_33 = arith.constant 0 : index
    %get3A_34 = arith.constant 0 : index
    %get3A_35 = arith.constant 0 : index
    %get3A_36 = arith.constant 0 : index
    %get3A_37 = vector.load %arg1[%get3A_33, %get3A_34, %get3A_35, %get3A_36] : memref<2x2x2048x128xf32, #tpu.memory_space<vmem>>, vector<1x1x2048x128xf32>
    %get3A_38 = vector.shape_cast %get3A_37 : vector<1x1x2048x128xf32> to vector<2048x128xf32>
    %slice3A_39 = vector.extract_strided_slice %get3A_38 {offsets = [0, 32], sizes = [2048, 32], strides = [1, 1]} : vector<2048x128xf32> to vector<2048x32xf32>
    %sub3A = arith.subf %add3A_32, %slice3A_39 : vector<2048x32xf32>
    %get3A_40 = arith.constant 0 : index
    %get3A_41 = arith.constant 1 : index
    %get3A_42 = arith.constant 0 : index
    %get3A_43 = arith.constant 0 : index
    %get3A_44 = vector.load %arg1[%get3A_40, %get3A_41, %get3A_42, %get3A_43] : memref<2x2x2048x128xf32, #tpu.memory_space<vmem>>, vector<1x1x2048x128xf32>
    %get3A_45 = vector.shape_cast %get3A_44 : vector<1x1x2048x128xf32> to vector<2048x128xf32>
    %slice3A_46 = vector.extract_strided_slice %get3A_45 {offsets = [0, 32], sizes = [2048, 32], strides = [1, 1]} : vector<2048x128xf32> to vector<2048x32xf32>
    %sub3A_47 = arith.subf %sub3A, %slice3A_46 : vector<2048x32xf32>
    %mul3A = vector.broadcast %get3A_1 : vector<2048x1xf32> to vector<2048x32xf32>
    %mul3A_48 = arith.mulf %mul3A, %add3A : vector<2048x32xf32>
    %mul3A_49 = arith.mulf %get3A_1, %get3A_1 : vector<2048x1xf32>
    %get3A_50 = arith.constant 0 : index
    %get3A_51 = arith.constant 0 : index
    %get3A_52 = vector.load %arg2[%get3A_50, %get3A_51] : memref<2048x64xf32, #tpu.memory_space<vmem>>, vector<2048x32xf32>
    %mul3A_53 = vector.broadcast %mul3A_49 : vector<2048x1xf32> to vector<2048x32xf32>
    %mul3A_54 = arith.mulf %mul3A_53, %get3A_52 : vector<2048x32xf32>
    %add3A_55 = arith.addf %mul3A_48, %mul3A_54 : vector<2048x32xf32>
    %get3A_56 = arith.constant 0 : index
    %get3A_57 = arith.constant 0 : index
    %get3A_58 = vector.load %arg4[%get3A_56, %get3A_57] : memref<1x32xf32, #tpu.memory_space<vmem>>, vector<1x32xf32>
    %add3A_59 = vector.broadcast %get3A_58 : vector<1x32xf32> to vector<2048x32xf32>
    %add3A_60 = arith.addf %add3A_55, %add3A_59 : vector<2048x32xf32>
    %max3A = arith.constant 0.000000e+00 : f32
    %max3A_61 = vector.broadcast %max3A : f32 to vector<2048x32xf32>
    %max3A_62 = arith.maximumf %add3A_60, %max3A_61 : vector<2048x32xf32>
    %mul3A_63 = vector.broadcast %get3A_4 : vector<2048x1xf32> to vector<2048x32xf32>
    %mul3A_64 = arith.mulf %mul3A_63, %sub3A_47 : vector<2048x32xf32>
    %mul3A_65 = arith.mulf %get3A_4, %get3A_4 : vector<2048x1xf32>
    %get3A_66 = arith.constant 0 : index
    %get3A_67 = arith.constant 32 : index
    %get3A_68 = vector.load %arg2[%get3A_66, %get3A_67] : memref<2048x64xf32, #tpu.memory_space<vmem>>, vector<2048x32xf32>
    %mul3A_69 = vector.broadcast %mul3A_65 : vector<2048x1xf32> to vector<2048x32xf32>
    %mul3A_70 = arith.mulf %mul3A_69, %get3A_68 : vector<2048x32xf32>
    %add3A_71 = arith.addf %mul3A_64, %mul3A_70 : vector<2048x32xf32>
    %get3A_72 = arith.constant 0 : index
    %get3A_73 = arith.constant 0 : index
    %get3A_74 = vector.load %arg5[%get3A_72, %get3A_73] : memref<1x32xf32, #tpu.memory_space<vmem>>, vector<1x32xf32>
    %add3A_75 = vector.broadcast %get3A_74 : vector<1x32xf32> to vector<2048x32xf32>
    %add3A_76 = arith.addf %add3A_71, %add3A_75 : vector<2048x32xf32>
    %max3A_77 = arith.constant 0.000000e+00 : f32
    %max3A_78 = vector.broadcast %max3A_77 : f32 to vector<2048x32xf32>
    %max3A_79 = arith.maximumf %add3A_76, %max3A_78 : vector<2048x32xf32>
    %concatenate3A = tpu.concatenate %max3A_62, %max3A_79 in 1 : vector<2048x32xf32>, vector<2048x32xf32> -> vector<2048x64xf32>
    %get3A_80 = arith.constant 0 : index
    %get3A_81 = arith.constant 0 : index
    %get3A_82 = vector.load %arg6[%get3A_80, %get3A_81] : memref<64x512xf32, #tpu.memory_space<vmem>>, vector<64x512xf32>
    %dot_general3A = arith.constant dense<0.000000e+00> : vector<2048x512xf32>
    %dot_general3A_83 = tpu.matmul %concatenate3A, %get3A_82, %dot_general3A {dimension_numbers = #tpu.dot_dimension_numbers<[1], [0], [0], [1], [0, 0, 1, 1], [], []>, transpose_lhs_hint = false} : vector<2048x64xf32>, vector<64x512xf32>, vector<2048x512xf32> -> vector<2048x512xf32>
    %get3A_84 = arith.constant 0 : index
    %get3A_85 = arith.constant 0 : index
    %get3A_86 = vector.load %arg7[%get3A_84, %get3A_85] : memref<1x512xf32, #tpu.memory_space<vmem>>, vector<1x512xf32>
    %add3A_87 = vector.broadcast %get3A_86 : vector<1x512xf32> to vector<2048x512xf32>
    %add3A_88 = arith.addf %dot_general3A_83, %add3A_87 : vector<2048x512xf32>
    %swap3A = arith.constant 0 : index
    %swap3A_89 = arith.constant 0 : index
    %swap3A_90 = vector.load %arg8[%swap3A, %swap3A_89] : memref<2048x512xf32, #tpu.memory_space<vmem>>, vector<2048x512xf32>
    tpu.vector_store %arg8[%swap3A, %swap3A_89], %add3A_88 {strides = array<i32>} : memref<2048x512xf32, #tpu.memory_space<vmem>>, vector<2048x512xf32>,
    return
  }
  func.func @transform_0(%arg0: i32) -> (i32, i32, i32, i32) {
    %c0_i32 = arith.constant 0 : i32
    %c0_i32_0 = arith.constant 0 : i32
    %c0_i32_1 = arith.constant 0 : i32
    %c0_i32_2 = arith.constant 0 : i32
    return %c0_i32, %c0_i32_0, %arg0, %c0_i32_1 : i32, i32, i32, i32
  }
  func.func @transform_1(%arg0: i32) -> (i32, i32) {
    %c0_i32 = arith.constant 0 : i32
    %c0_i32_0 = arith.constant 0 : i32
    return %arg0, %c0_i32 : i32, i32
  }
  func.func @transform_2(%arg0: i32) -> (i32, i32) {
    %c0_i32 = arith.constant 0 : i32
    %c0_i32_0 = arith.constant 0 : i32
    return %arg0, %c0_i32 : i32, i32
  }
  func.func @transform_3(%arg0: i32) -> (i32, i32) {
    %c0_i32 = arith.constant 0 : i32
    %c0_i32_0 = arith.constant 0 : i32
    %c0_i32_1 = arith.constant 0 : i32
    return %c0_i32, %c0_i32_0 : i32, i32
  }
  func.func @transform_4(%arg0: i32) -> (i32, i32) {
    %c0_i32 = arith.constant 0 : i32
    %c0_i32_0 = arith.constant 0 : i32
    %c0_i32_1 = arith.constant 0 : i32
    return %c0_i32, %c0_i32_0 : i32, i32
  }
  func.func @transform_5(%arg0: i32) -> (i32, i32) {
    %c0_i32 = arith.constant 0 : i32
    %c0_i32_0 = arith.constant 0 : i32
    %c0_i32_1 = arith.constant 0 : i32
    return %c0_i32, %c0_i32_0 : i32, i32
  }
  func.func @transform_6(%arg0: i32) -> (i32, i32) {
    %c0_i32 = arith.constant 0 : i32
    %c0_i32_0 = arith.constant 0 : i32
    %c0_i32_1 = arith.constant 0 : i32
    return %c0_i32, %c0_i32_0 : i32, i32
  }
  func.func @transform_7(%arg0: i32) -> (i32, i32) {
    %c0_i32 = arith.constant 0 : i32
    %c0_i32_0 = arith.constant 0 : i32
    return %arg0, %c0_i32 : i32, i32
  }
}

module attributes {stable_mosaic.version = 14 : i64} {
  func.func @_tc_lstm_body(%arg0: memref<10240x512xf32, #tpu.memory_space<vmem>>, %arg1: memref<32x512xf32, #tpu.memory_space<vmem>>, %arg2: memref<10000x32xf32, #tpu.memory_space<vmem>>, %arg3: memref<1x32xf32, #tpu.memory_space<vmem>>, %arg4: memref<1x32xf32, #tpu.memory_space<vmem>>) attributes {dimension_semantics = [], scalar_prefetch = 0 : i64, scratch_operands = 0 : i64, tpu.core_type = #tpu.core_type<tc>} {
    %get3A = arith.constant 0 : index
    %get3A_0 = arith.constant 0 : index
    %get3A_1 = vector.load %arg1[%get3A, %get3A_0] : memref<32x512xf32, #tpu.memory_space<vmem>>, vector<32x512xf32>
    %broadcast_in_dim3A = arith.constant 0.000000e+00 : f32
    %broadcast_in_dim3A_2 = vector.broadcast %broadcast_in_dim3A : f32 to vector<1x128xf32>
    %scan3A = arith.constant 0 : i32
    %scan3A_3 = arith.constant 625 : i32
    %scan3A_4 = arith.addi %scan3A, %scan3A_3 : i32
    %scan3A_5 = arith.constant 1 : i32
    %scan3A_6:2 = scf.for %scan3A_14 = %scan3A to %scan3A_4 step %scan3A_5 iter_args(%scan3A_15 = %broadcast_in_dim3A_2, %scan3A_16 = %broadcast_in_dim3A_2) -> (vector<1x128xf32>, vector<1x128xf32>)  : i32 {
      %mul3A = arith.constant 16 : i32
      %mul3A_17 = arith.muli %scan3A_14, %mul3A : i32
      %get3A_18 = arith.index_cast %mul3A_17 : i32 to index
      %get3A_19 = arith.constant 0 : index
      %get3A_20 = vector.load %arg0[%get3A_18, %get3A_19] : memref<10240x512xf32, #tpu.memory_space<vmem>>, vector<16x512xf32>
      %slice3A_21 = vector.extract_strided_slice %get3A_20 {offsets = [0, 0], sizes = [1, 512], strides = [1, 1]} : vector<16x512xf32> to vector<1x512xf32>
      %slice3A_22 = vector.extract_strided_slice %scan3A_15 {offsets = [0, 0], sizes = [1, 32], strides = [1, 1]} : vector<1x128xf32> to vector<1x32xf32>
      %dot_general3A = arith.constant dense<0.000000e+00> : vector<1x512xf32>
      %dot_general3A_23 = tpu.matmul %slice3A_22, %get3A_1, %dot_general3A {dimension_numbers = #tpu.dot_dimension_numbers<[1], [0], [0], [1], [0, 0, 1, 1], [], []>, transpose_lhs_hint = false} : vector<1x32xf32>, vector<32x512xf32>, vector<1x512xf32> -> vector<1x512xf32>
      %add3A = arith.addf %slice3A_21, %dot_general3A_23 : vector<1x512xf32>
      %slice3A_24 = vector.extract_strided_slice %add3A {offsets = [0, 0], sizes = [1, 128], strides = [1, 1]} : vector<1x512xf32> to vector<1x128xf32>
      %tanh3A = math.tanh %slice3A_24 : vector<1x128xf32>
      %mul3A_25 = arith.constant 5.000000e-01 : f32
      %mul3A_26 = vector.broadcast %mul3A_25 : f32 to vector<1x128xf32>
      %mul3A_27 = arith.mulf %mul3A_26, %tanh3A : vector<1x128xf32>
      %add3A_28 = arith.constant 5.000000e-01 : f32
      %add3A_29 = vector.broadcast %add3A_28 : f32 to vector<1x128xf32>
      %add3A_30 = arith.addf %add3A_29, %mul3A_27 : vector<1x128xf32>
      %slice3A_31 = vector.extract_strided_slice %add3A {offsets = [0, 128], sizes = [1, 128], strides = [1, 1]} : vector<1x512xf32> to vector<1x128xf32>
      %tanh3A_32 = math.tanh %slice3A_31 : vector<1x128xf32>
      %mul3A_33 = arith.constant 5.000000e-01 : f32
      %mul3A_34 = vector.broadcast %mul3A_33 : f32 to vector<1x128xf32>
      %mul3A_35 = arith.mulf %mul3A_34, %tanh3A_32 : vector<1x128xf32>
      %add3A_36 = arith.constant 5.000000e-01 : f32
      %add3A_37 = vector.broadcast %add3A_36 : f32 to vector<1x128xf32>
      %add3A_38 = arith.addf %add3A_37, %mul3A_35 : vector<1x128xf32>
      %slice3A_39 = vector.extract_strided_slice %add3A {offsets = [0, 256], sizes = [1, 128], strides = [1, 1]} : vector<1x512xf32> to vector<1x128xf32>
      %tanh3A_40 = math.tanh %slice3A_39 : vector<1x128xf32>
      %slice3A_41 = vector.extract_strided_slice %add3A {offsets = [0, 384], sizes = [1, 128], strides = [1, 1]} : vector<1x512xf32> to vector<1x128xf32>
      %tanh3A_42 = math.tanh %slice3A_41 : vector<1x128xf32>
      %mul3A_43 = arith.constant 5.000000e-01 : f32
      %mul3A_44 = vector.broadcast %mul3A_43 : f32 to vector<1x128xf32>
      %mul3A_45 = arith.mulf %mul3A_44, %tanh3A_42 : vector<1x128xf32>
      %add3A_46 = arith.constant 5.000000e-01 : f32
      %add3A_47 = vector.broadcast %add3A_46 : f32 to vector<1x128xf32>
      %add3A_48 = arith.addf %add3A_47, %mul3A_45 : vector<1x128xf32>
      %mul3A_49 = arith.mulf %add3A_38, %scan3A_16 : vector<1x128xf32>
      %mul3A_50 = arith.mulf %add3A_30, %tanh3A_40 : vector<1x128xf32>
      %add3A_51 = arith.addf %mul3A_49, %mul3A_50 : vector<1x128xf32>
      %tanh3A_52 = math.tanh %add3A_51 : vector<1x128xf32>
      %mul3A_53 = arith.mulf %add3A_48, %tanh3A_52 : vector<1x128xf32>
      %slice3A_54 = vector.extract_strided_slice %mul3A_53 {offsets = [0, 0], sizes = [1, 32], strides = [1, 1]} : vector<1x128xf32> to vector<1x32xf32>
      %slice3A_55 = vector.extract_strided_slice %get3A_20 {offsets = [1, 0], sizes = [1, 512], strides = [1, 1]} : vector<16x512xf32> to vector<1x512xf32>
      %slice3A_56 = vector.extract_strided_slice %mul3A_53 {offsets = [0, 0], sizes = [1, 32], strides = [1, 1]} : vector<1x128xf32> to vector<1x32xf32>
      %dot_general3A_57 = arith.constant dense<0.000000e+00> : vector<1x512xf32>
      %dot_general3A_58 = tpu.matmul %slice3A_56, %get3A_1, %dot_general3A_57 {dimension_numbers = #tpu.dot_dimension_numbers<[1], [0], [0], [1], [0, 0, 1, 1], [], []>, transpose_lhs_hint = false} : vector<1x32xf32>, vector<32x512xf32>, vector<1x512xf32> -> vector<1x512xf32>
      %add3A_59 = arith.addf %slice3A_55, %dot_general3A_58 : vector<1x512xf32>
      %slice3A_60 = vector.extract_strided_slice %add3A_59 {offsets = [0, 0], sizes = [1, 128], strides = [1, 1]} : vector<1x512xf32> to vector<1x128xf32>
      %tanh3A_61 = math.tanh %slice3A_60 : vector<1x128xf32>
      %mul3A_62 = arith.constant 5.000000e-01 : f32
      %mul3A_63 = vector.broadcast %mul3A_62 : f32 to vector<1x128xf32>
      %mul3A_64 = arith.mulf %mul3A_63, %tanh3A_61 : vector<1x128xf32>
      %add3A_65 = arith.constant 5.000000e-01 : f32
      %add3A_66 = vector.broadcast %add3A_65 : f32 to vector<1x128xf32>
      %add3A_67 = arith.addf %add3A_66, %mul3A_64 : vector<1x128xf32>
      %slice3A_68 = vector.extract_strided_slice %add3A_59 {offsets = [0, 128], sizes = [1, 128], strides = [1, 1]} : vector<1x512xf32> to vector<1x128xf32>
      %tanh3A_69 = math.tanh %slice3A_68 : vector<1x128xf32>
      %mul3A_70 = arith.constant 5.000000e-01 : f32
      %mul3A_71 = vector.broadcast %mul3A_70 : f32 to vector<1x128xf32>
      %mul3A_72 = arith.mulf %mul3A_71, %tanh3A_69 : vector<1x128xf32>
      %add3A_73 = arith.constant 5.000000e-01 : f32
      %add3A_74 = vector.broadcast %add3A_73 : f32 to vector<1x128xf32>
      %add3A_75 = arith.addf %add3A_74, %mul3A_72 : vector<1x128xf32>
      %slice3A_76 = vector.extract_strided_slice %add3A_59 {offsets = [0, 256], sizes = [1, 128], strides = [1, 1]} : vector<1x512xf32> to vector<1x128xf32>
      %tanh3A_77 = math.tanh %slice3A_76 : vector<1x128xf32>
      %slice3A_78 = vector.extract_strided_slice %add3A_59 {offsets = [0, 384], sizes = [1, 128], strides = [1, 1]} : vector<1x512xf32> to vector<1x128xf32>
      %tanh3A_79 = math.tanh %slice3A_78 : vector<1x128xf32>
      %mul3A_80 = arith.constant 5.000000e-01 : f32
      %mul3A_81 = vector.broadcast %mul3A_80 : f32 to vector<1x128xf32>
      %mul3A_82 = arith.mulf %mul3A_81, %tanh3A_79 : vector<1x128xf32>
      %add3A_83 = arith.constant 5.000000e-01 : f32
      %add3A_84 = vector.broadcast %add3A_83 : f32 to vector<1x128xf32>
      %add3A_85 = arith.addf %add3A_84, %mul3A_82 : vector<1x128xf32>
      %mul3A_86 = arith.mulf %add3A_75, %add3A_51 : vector<1x128xf32>
      %mul3A_87 = arith.mulf %add3A_67, %tanh3A_77 : vector<1x128xf32>
      %add3A_88 = arith.addf %mul3A_86, %mul3A_87 : vector<1x128xf32>
      %tanh3A_89 = math.tanh %add3A_88 : vector<1x128xf32>
      %mul3A_90 = arith.mulf %add3A_85, %tanh3A_89 : vector<1x128xf32>
      %slice3A_91 = vector.extract_strided_slice %mul3A_90 {offsets = [0, 0], sizes = [1, 32], strides = [1, 1]} : vector<1x128xf32> to vector<1x32xf32>
      %slice3A_92 = vector.extract_strided_slice %get3A_20 {offsets = [2, 0], sizes = [1, 512], strides = [1, 1]} : vector<16x512xf32> to vector<1x512xf32>
      %slice3A_93 = vector.extract_strided_slice %mul3A_90 {offsets = [0, 0], sizes = [1, 32], strides = [1, 1]} : vector<1x128xf32> to vector<1x32xf32>
      %dot_general3A_94 = arith.constant dense<0.000000e+00> : vector<1x512xf32>
      %dot_general3A_95 = tpu.matmul %slice3A_93, %get3A_1, %dot_general3A_94 {dimension_numbers = #tpu.dot_dimension_numbers<[1], [0], [0], [1], [0, 0, 1, 1], [], []>, transpose_lhs_hint = false} : vector<1x32xf32>, vector<32x512xf32>, vector<1x512xf32> -> vector<1x512xf32>
      %add3A_96 = arith.addf %slice3A_92, %dot_general3A_95 : vector<1x512xf32>
      %slice3A_97 = vector.extract_strided_slice %add3A_96 {offsets = [0, 0], sizes = [1, 128], strides = [1, 1]} : vector<1x512xf32> to vector<1x128xf32>
      %tanh3A_98 = math.tanh %slice3A_97 : vector<1x128xf32>
      %mul3A_99 = arith.constant 5.000000e-01 : f32
      %mul3A_100 = vector.broadcast %mul3A_99 : f32 to vector<1x128xf32>
      %mul3A_101 = arith.mulf %mul3A_100, %tanh3A_98 : vector<1x128xf32>
      %add3A_102 = arith.constant 5.000000e-01 : f32
      %add3A_103 = vector.broadcast %add3A_102 : f32 to vector<1x128xf32>
      %add3A_104 = arith.addf %add3A_103, %mul3A_101 : vector<1x128xf32>
      %slice3A_105 = vector.extract_strided_slice %add3A_96 {offsets = [0, 128], sizes = [1, 128], strides = [1, 1]} : vector<1x512xf32> to vector<1x128xf32>
      %tanh3A_106 = math.tanh %slice3A_105 : vector<1x128xf32>
      %mul3A_107 = arith.constant 5.000000e-01 : f32
      %mul3A_108 = vector.broadcast %mul3A_107 : f32 to vector<1x128xf32>
      %mul3A_109 = arith.mulf %mul3A_108, %tanh3A_106 : vector<1x128xf32>
      %add3A_110 = arith.constant 5.000000e-01 : f32
      %add3A_111 = vector.broadcast %add3A_110 : f32 to vector<1x128xf32>
      %add3A_112 = arith.addf %add3A_111, %mul3A_109 : vector<1x128xf32>
      %slice3A_113 = vector.extract_strided_slice %add3A_96 {offsets = [0, 256], sizes = [1, 128], strides = [1, 1]} : vector<1x512xf32> to vector<1x128xf32>
      %tanh3A_114 = math.tanh %slice3A_113 : vector<1x128xf32>
      %slice3A_115 = vector.extract_strided_slice %add3A_96 {offsets = [0, 384], sizes = [1, 128], strides = [1, 1]} : vector<1x512xf32> to vector<1x128xf32>
      %tanh3A_116 = math.tanh %slice3A_115 : vector<1x128xf32>
      %mul3A_117 = arith.constant 5.000000e-01 : f32
      %mul3A_118 = vector.broadcast %mul3A_117 : f32 to vector<1x128xf32>
      %mul3A_119 = arith.mulf %mul3A_118, %tanh3A_116 : vector<1x128xf32>
      %add3A_120 = arith.constant 5.000000e-01 : f32
      %add3A_121 = vector.broadcast %add3A_120 : f32 to vector<1x128xf32>
      %add3A_122 = arith.addf %add3A_121, %mul3A_119 : vector<1x128xf32>
      %mul3A_123 = arith.mulf %add3A_112, %add3A_88 : vector<1x128xf32>
      %mul3A_124 = arith.mulf %add3A_104, %tanh3A_114 : vector<1x128xf32>
      %add3A_125 = arith.addf %mul3A_123, %mul3A_124 : vector<1x128xf32>
      %tanh3A_126 = math.tanh %add3A_125 : vector<1x128xf32>
      %mul3A_127 = arith.mulf %add3A_122, %tanh3A_126 : vector<1x128xf32>
      %slice3A_128 = vector.extract_strided_slice %mul3A_127 {offsets = [0, 0], sizes = [1, 32], strides = [1, 1]} : vector<1x128xf32> to vector<1x32xf32>
      %slice3A_129 = vector.extract_strided_slice %get3A_20 {offsets = [3, 0], sizes = [1, 512], strides = [1, 1]} : vector<16x512xf32> to vector<1x512xf32>
      %slice3A_130 = vector.extract_strided_slice %mul3A_127 {offsets = [0, 0], sizes = [1, 32], strides = [1, 1]} : vector<1x128xf32> to vector<1x32xf32>
      %dot_general3A_131 = arith.constant dense<0.000000e+00> : vector<1x512xf32>
      %dot_general3A_132 = tpu.matmul %slice3A_130, %get3A_1, %dot_general3A_131 {dimension_numbers = #tpu.dot_dimension_numbers<[1], [0], [0], [1], [0, 0, 1, 1], [], []>, transpose_lhs_hint = false} : vector<1x32xf32>, vector<32x512xf32>, vector<1x512xf32> -> vector<1x512xf32>
      %add3A_133 = arith.addf %slice3A_129, %dot_general3A_132 : vector<1x512xf32>
      %slice3A_134 = vector.extract_strided_slice %add3A_133 {offsets = [0, 0], sizes = [1, 128], strides = [1, 1]} : vector<1x512xf32> to vector<1x128xf32>
      %tanh3A_135 = math.tanh %slice3A_134 : vector<1x128xf32>
      %mul3A_136 = arith.constant 5.000000e-01 : f32
      %mul3A_137 = vector.broadcast %mul3A_136 : f32 to vector<1x128xf32>
      %mul3A_138 = arith.mulf %mul3A_137, %tanh3A_135 : vector<1x128xf32>
      %add3A_139 = arith.constant 5.000000e-01 : f32
      %add3A_140 = vector.broadcast %add3A_139 : f32 to vector<1x128xf32>
      %add3A_141 = arith.addf %add3A_140, %mul3A_138 : vector<1x128xf32>
      %slice3A_142 = vector.extract_strided_slice %add3A_133 {offsets = [0, 128], sizes = [1, 128], strides = [1, 1]} : vector<1x512xf32> to vector<1x128xf32>
      %tanh3A_143 = math.tanh %slice3A_142 : vector<1x128xf32>
      %mul3A_144 = arith.constant 5.000000e-01 : f32
      %mul3A_145 = vector.broadcast %mul3A_144 : f32 to vector<1x128xf32>
      %mul3A_146 = arith.mulf %mul3A_145, %tanh3A_143 : vector<1x128xf32>
      %add3A_147 = arith.constant 5.000000e-01 : f32
      %add3A_148 = vector.broadcast %add3A_147 : f32 to vector<1x128xf32>
      %add3A_149 = arith.addf %add3A_148, %mul3A_146 : vector<1x128xf32>
      %slice3A_150 = vector.extract_strided_slice %add3A_133 {offsets = [0, 256], sizes = [1, 128], strides = [1, 1]} : vector<1x512xf32> to vector<1x128xf32>
      %tanh3A_151 = math.tanh %slice3A_150 : vector<1x128xf32>
      %slice3A_152 = vector.extract_strided_slice %add3A_133 {offsets = [0, 384], sizes = [1, 128], strides = [1, 1]} : vector<1x512xf32> to vector<1x128xf32>
      %tanh3A_153 = math.tanh %slice3A_152 : vector<1x128xf32>
      %mul3A_154 = arith.constant 5.000000e-01 : f32
      %mul3A_155 = vector.broadcast %mul3A_154 : f32 to vector<1x128xf32>
      %mul3A_156 = arith.mulf %mul3A_155, %tanh3A_153 : vector<1x128xf32>
      %add3A_157 = arith.constant 5.000000e-01 : f32
      %add3A_158 = vector.broadcast %add3A_157 : f32 to vector<1x128xf32>
      %add3A_159 = arith.addf %add3A_158, %mul3A_156 : vector<1x128xf32>
      %mul3A_160 = arith.mulf %add3A_149, %add3A_125 : vector<1x128xf32>
      %mul3A_161 = arith.mulf %add3A_141, %tanh3A_151 : vector<1x128xf32>
      %add3A_162 = arith.addf %mul3A_160, %mul3A_161 : vector<1x128xf32>
      %tanh3A_163 = math.tanh %add3A_162 : vector<1x128xf32>
      %mul3A_164 = arith.mulf %add3A_159, %tanh3A_163 : vector<1x128xf32>
      %slice3A_165 = vector.extract_strided_slice %mul3A_164 {offsets = [0, 0], sizes = [1, 32], strides = [1, 1]} : vector<1x128xf32> to vector<1x32xf32>
      %slice3A_166 = vector.extract_strided_slice %get3A_20 {offsets = [4, 0], sizes = [1, 512], strides = [1, 1]} : vector<16x512xf32> to vector<1x512xf32>
      %slice3A_167 = vector.extract_strided_slice %mul3A_164 {offsets = [0, 0], sizes = [1, 32], strides = [1, 1]} : vector<1x128xf32> to vector<1x32xf32>
      %dot_general3A_168 = arith.constant dense<0.000000e+00> : vector<1x512xf32>
      %dot_general3A_169 = tpu.matmul %slice3A_167, %get3A_1, %dot_general3A_168 {dimension_numbers = #tpu.dot_dimension_numbers<[1], [0], [0], [1], [0, 0, 1, 1], [], []>, transpose_lhs_hint = false} : vector<1x32xf32>, vector<32x512xf32>, vector<1x512xf32> -> vector<1x512xf32>
      %add3A_170 = arith.addf %slice3A_166, %dot_general3A_169 : vector<1x512xf32>
      %slice3A_171 = vector.extract_strided_slice %add3A_170 {offsets = [0, 0], sizes = [1, 128], strides = [1, 1]} : vector<1x512xf32> to vector<1x128xf32>
      %tanh3A_172 = math.tanh %slice3A_171 : vector<1x128xf32>
      %mul3A_173 = arith.constant 5.000000e-01 : f32
      %mul3A_174 = vector.broadcast %mul3A_173 : f32 to vector<1x128xf32>
      %mul3A_175 = arith.mulf %mul3A_174, %tanh3A_172 : vector<1x128xf32>
      %add3A_176 = arith.constant 5.000000e-01 : f32
      %add3A_177 = vector.broadcast %add3A_176 : f32 to vector<1x128xf32>
      %add3A_178 = arith.addf %add3A_177, %mul3A_175 : vector<1x128xf32>
      %slice3A_179 = vector.extract_strided_slice %add3A_170 {offsets = [0, 128], sizes = [1, 128], strides = [1, 1]} : vector<1x512xf32> to vector<1x128xf32>
      %tanh3A_180 = math.tanh %slice3A_179 : vector<1x128xf32>
      %mul3A_181 = arith.constant 5.000000e-01 : f32
      %mul3A_182 = vector.broadcast %mul3A_181 : f32 to vector<1x128xf32>
      %mul3A_183 = arith.mulf %mul3A_182, %tanh3A_180 : vector<1x128xf32>
      %add3A_184 = arith.constant 5.000000e-01 : f32
      %add3A_185 = vector.broadcast %add3A_184 : f32 to vector<1x128xf32>
      %add3A_186 = arith.addf %add3A_185, %mul3A_183 : vector<1x128xf32>
      %slice3A_187 = vector.extract_strided_slice %add3A_170 {offsets = [0, 256], sizes = [1, 128], strides = [1, 1]} : vector<1x512xf32> to vector<1x128xf32>
      %tanh3A_188 = math.tanh %slice3A_187 : vector<1x128xf32>
      %slice3A_189 = vector.extract_strided_slice %add3A_170 {offsets = [0, 384], sizes = [1, 128], strides = [1, 1]} : vector<1x512xf32> to vector<1x128xf32>
      %tanh3A_190 = math.tanh %slice3A_189 : vector<1x128xf32>
      %mul3A_191 = arith.constant 5.000000e-01 : f32
      %mul3A_192 = vector.broadcast %mul3A_191 : f32 to vector<1x128xf32>
      %mul3A_193 = arith.mulf %mul3A_192, %tanh3A_190 : vector<1x128xf32>
      %add3A_194 = arith.constant 5.000000e-01 : f32
      %add3A_195 = vector.broadcast %add3A_194 : f32 to vector<1x128xf32>
      %add3A_196 = arith.addf %add3A_195, %mul3A_193 : vector<1x128xf32>
      %mul3A_197 = arith.mulf %add3A_186, %add3A_162 : vector<1x128xf32>
      %mul3A_198 = arith.mulf %add3A_178, %tanh3A_188 : vector<1x128xf32>
      %add3A_199 = arith.addf %mul3A_197, %mul3A_198 : vector<1x128xf32>
      %tanh3A_200 = math.tanh %add3A_199 : vector<1x128xf32>
      %mul3A_201 = arith.mulf %add3A_196, %tanh3A_200 : vector<1x128xf32>
      %slice3A_202 = vector.extract_strided_slice %mul3A_201 {offsets = [0, 0], sizes = [1, 32], strides = [1, 1]} : vector<1x128xf32> to vector<1x32xf32>
      %slice3A_203 = vector.extract_strided_slice %get3A_20 {offsets = [5, 0], sizes = [1, 512], strides = [1, 1]} : vector<16x512xf32> to vector<1x512xf32>
      %slice3A_204 = vector.extract_strided_slice %mul3A_201 {offsets = [0, 0], sizes = [1, 32], strides = [1, 1]} : vector<1x128xf32> to vector<1x32xf32>
      %dot_general3A_205 = arith.constant dense<0.000000e+00> : vector<1x512xf32>
      %dot_general3A_206 = tpu.matmul %slice3A_204, %get3A_1, %dot_general3A_205 {dimension_numbers = #tpu.dot_dimension_numbers<[1], [0], [0], [1], [0, 0, 1, 1], [], []>, transpose_lhs_hint = false} : vector<1x32xf32>, vector<32x512xf32>, vector<1x512xf32> -> vector<1x512xf32>
      %add3A_207 = arith.addf %slice3A_203, %dot_general3A_206 : vector<1x512xf32>
      %slice3A_208 = vector.extract_strided_slice %add3A_207 {offsets = [0, 0], sizes = [1, 128], strides = [1, 1]} : vector<1x512xf32> to vector<1x128xf32>
      %tanh3A_209 = math.tanh %slice3A_208 : vector<1x128xf32>
      %mul3A_210 = arith.constant 5.000000e-01 : f32
      %mul3A_211 = vector.broadcast %mul3A_210 : f32 to vector<1x128xf32>
      %mul3A_212 = arith.mulf %mul3A_211, %tanh3A_209 : vector<1x128xf32>
      %add3A_213 = arith.constant 5.000000e-01 : f32
      %add3A_214 = vector.broadcast %add3A_213 : f32 to vector<1x128xf32>
      %add3A_215 = arith.addf %add3A_214, %mul3A_212 : vector<1x128xf32>
      %slice3A_216 = vector.extract_strided_slice %add3A_207 {offsets = [0, 128], sizes = [1, 128], strides = [1, 1]} : vector<1x512xf32> to vector<1x128xf32>
      %tanh3A_217 = math.tanh %slice3A_216 : vector<1x128xf32>
      %mul3A_218 = arith.constant 5.000000e-01 : f32
      %mul3A_219 = vector.broadcast %mul3A_218 : f32 to vector<1x128xf32>
      %mul3A_220 = arith.mulf %mul3A_219, %tanh3A_217 : vector<1x128xf32>
      %add3A_221 = arith.constant 5.000000e-01 : f32
      %add3A_222 = vector.broadcast %add3A_221 : f32 to vector<1x128xf32>
      %add3A_223 = arith.addf %add3A_222, %mul3A_220 : vector<1x128xf32>
      %slice3A_224 = vector.extract_strided_slice %add3A_207 {offsets = [0, 256], sizes = [1, 128], strides = [1, 1]} : vector<1x512xf32> to vector<1x128xf32>
      %tanh3A_225 = math.tanh %slice3A_224 : vector<1x128xf32>
      %slice3A_226 = vector.extract_strided_slice %add3A_207 {offsets = [0, 384], sizes = [1, 128], strides = [1, 1]} : vector<1x512xf32> to vector<1x128xf32>
      %tanh3A_227 = math.tanh %slice3A_226 : vector<1x128xf32>
      %mul3A_228 = arith.constant 5.000000e-01 : f32
      %mul3A_229 = vector.broadcast %mul3A_228 : f32 to vector<1x128xf32>
      %mul3A_230 = arith.mulf %mul3A_229, %tanh3A_227 : vector<1x128xf32>
      %add3A_231 = arith.constant 5.000000e-01 : f32
      %add3A_232 = vector.broadcast %add3A_231 : f32 to vector<1x128xf32>
      %add3A_233 = arith.addf %add3A_232, %mul3A_230 : vector<1x128xf32>
      %mul3A_234 = arith.mulf %add3A_223, %add3A_199 : vector<1x128xf32>
      %mul3A_235 = arith.mulf %add3A_215, %tanh3A_225 : vector<1x128xf32>
      %add3A_236 = arith.addf %mul3A_234, %mul3A_235 : vector<1x128xf32>
      %tanh3A_237 = math.tanh %add3A_236 : vector<1x128xf32>
      %mul3A_238 = arith.mulf %add3A_233, %tanh3A_237 : vector<1x128xf32>
      %slice3A_239 = vector.extract_strided_slice %mul3A_238 {offsets = [0, 0], sizes = [1, 32], strides = [1, 1]} : vector<1x128xf32> to vector<1x32xf32>
      %slice3A_240 = vector.extract_strided_slice %get3A_20 {offsets = [6, 0], sizes = [1, 512], strides = [1, 1]} : vector<16x512xf32> to vector<1x512xf32>
      %slice3A_241 = vector.extract_strided_slice %mul3A_238 {offsets = [0, 0], sizes = [1, 32], strides = [1, 1]} : vector<1x128xf32> to vector<1x32xf32>
      %dot_general3A_242 = arith.constant dense<0.000000e+00> : vector<1x512xf32>
      %dot_general3A_243 = tpu.matmul %slice3A_241, %get3A_1, %dot_general3A_242 {dimension_numbers = #tpu.dot_dimension_numbers<[1], [0], [0], [1], [0, 0, 1, 1], [], []>, transpose_lhs_hint = false} : vector<1x32xf32>, vector<32x512xf32>, vector<1x512xf32> -> vector<1x512xf32>
      %add3A_244 = arith.addf %slice3A_240, %dot_general3A_243 : vector<1x512xf32>
      %slice3A_245 = vector.extract_strided_slice %add3A_244 {offsets = [0, 0], sizes = [1, 128], strides = [1, 1]} : vector<1x512xf32> to vector<1x128xf32>
      %tanh3A_246 = math.tanh %slice3A_245 : vector<1x128xf32>
      %mul3A_247 = arith.constant 5.000000e-01 : f32
      %mul3A_248 = vector.broadcast %mul3A_247 : f32 to vector<1x128xf32>
      %mul3A_249 = arith.mulf %mul3A_248, %tanh3A_246 : vector<1x128xf32>
      %add3A_250 = arith.constant 5.000000e-01 : f32
      %add3A_251 = vector.broadcast %add3A_250 : f32 to vector<1x128xf32>
      %add3A_252 = arith.addf %add3A_251, %mul3A_249 : vector<1x128xf32>
      %slice3A_253 = vector.extract_strided_slice %add3A_244 {offsets = [0, 128], sizes = [1, 128], strides = [1, 1]} : vector<1x512xf32> to vector<1x128xf32>
      %tanh3A_254 = math.tanh %slice3A_253 : vector<1x128xf32>
      %mul3A_255 = arith.constant 5.000000e-01 : f32
      %mul3A_256 = vector.broadcast %mul3A_255 : f32 to vector<1x128xf32>
      %mul3A_257 = arith.mulf %mul3A_256, %tanh3A_254 : vector<1x128xf32>
      %add3A_258 = arith.constant 5.000000e-01 : f32
      %add3A_259 = vector.broadcast %add3A_258 : f32 to vector<1x128xf32>
      %add3A_260 = arith.addf %add3A_259, %mul3A_257 : vector<1x128xf32>
      %slice3A_261 = vector.extract_strided_slice %add3A_244 {offsets = [0, 256], sizes = [1, 128], strides = [1, 1]} : vector<1x512xf32> to vector<1x128xf32>
      %tanh3A_262 = math.tanh %slice3A_261 : vector<1x128xf32>
      %slice3A_263 = vector.extract_strided_slice %add3A_244 {offsets = [0, 384], sizes = [1, 128], strides = [1, 1]} : vector<1x512xf32> to vector<1x128xf32>
      %tanh3A_264 = math.tanh %slice3A_263 : vector<1x128xf32>
      %mul3A_265 = arith.constant 5.000000e-01 : f32
      %mul3A_266 = vector.broadcast %mul3A_265 : f32 to vector<1x128xf32>
      %mul3A_267 = arith.mulf %mul3A_266, %tanh3A_264 : vector<1x128xf32>
      %add3A_268 = arith.constant 5.000000e-01 : f32
      %add3A_269 = vector.broadcast %add3A_268 : f32 to vector<1x128xf32>
      %add3A_270 = arith.addf %add3A_269, %mul3A_267 : vector<1x128xf32>
      %mul3A_271 = arith.mulf %add3A_260, %add3A_236 : vector<1x128xf32>
      %mul3A_272 = arith.mulf %add3A_252, %tanh3A_262 : vector<1x128xf32>
      %add3A_273 = arith.addf %mul3A_271, %mul3A_272 : vector<1x128xf32>
      %tanh3A_274 = math.tanh %add3A_273 : vector<1x128xf32>
      %mul3A_275 = arith.mulf %add3A_270, %tanh3A_274 : vector<1x128xf32>
      %slice3A_276 = vector.extract_strided_slice %mul3A_275 {offsets = [0, 0], sizes = [1, 32], strides = [1, 1]} : vector<1x128xf32> to vector<1x32xf32>
      %slice3A_277 = vector.extract_strided_slice %get3A_20 {offsets = [7, 0], sizes = [1, 512], strides = [1, 1]} : vector<16x512xf32> to vector<1x512xf32>
      %slice3A_278 = vector.extract_strided_slice %mul3A_275 {offsets = [0, 0], sizes = [1, 32], strides = [1, 1]} : vector<1x128xf32> to vector<1x32xf32>
      %dot_general3A_279 = arith.constant dense<0.000000e+00> : vector<1x512xf32>
      %dot_general3A_280 = tpu.matmul %slice3A_278, %get3A_1, %dot_general3A_279 {dimension_numbers = #tpu.dot_dimension_numbers<[1], [0], [0], [1], [0, 0, 1, 1], [], []>, transpose_lhs_hint = false} : vector<1x32xf32>, vector<32x512xf32>, vector<1x512xf32> -> vector<1x512xf32>
      %add3A_281 = arith.addf %slice3A_277, %dot_general3A_280 : vector<1x512xf32>
      %slice3A_282 = vector.extract_strided_slice %add3A_281 {offsets = [0, 0], sizes = [1, 128], strides = [1, 1]} : vector<1x512xf32> to vector<1x128xf32>
      %tanh3A_283 = math.tanh %slice3A_282 : vector<1x128xf32>
      %mul3A_284 = arith.constant 5.000000e-01 : f32
      %mul3A_285 = vector.broadcast %mul3A_284 : f32 to vector<1x128xf32>
      %mul3A_286 = arith.mulf %mul3A_285, %tanh3A_283 : vector<1x128xf32>
      %add3A_287 = arith.constant 5.000000e-01 : f32
      %add3A_288 = vector.broadcast %add3A_287 : f32 to vector<1x128xf32>
      %add3A_289 = arith.addf %add3A_288, %mul3A_286 : vector<1x128xf32>
      %slice3A_290 = vector.extract_strided_slice %add3A_281 {offsets = [0, 128], sizes = [1, 128], strides = [1, 1]} : vector<1x512xf32> to vector<1x128xf32>
      %tanh3A_291 = math.tanh %slice3A_290 : vector<1x128xf32>
      %mul3A_292 = arith.constant 5.000000e-01 : f32
      %mul3A_293 = vector.broadcast %mul3A_292 : f32 to vector<1x128xf32>
      %mul3A_294 = arith.mulf %mul3A_293, %tanh3A_291 : vector<1x128xf32>
      %add3A_295 = arith.constant 5.000000e-01 : f32
      %add3A_296 = vector.broadcast %add3A_295 : f32 to vector<1x128xf32>
      %add3A_297 = arith.addf %add3A_296, %mul3A_294 : vector<1x128xf32>
      %slice3A_298 = vector.extract_strided_slice %add3A_281 {offsets = [0, 256], sizes = [1, 128], strides = [1, 1]} : vector<1x512xf32> to vector<1x128xf32>
      %tanh3A_299 = math.tanh %slice3A_298 : vector<1x128xf32>
      %slice3A_300 = vector.extract_strided_slice %add3A_281 {offsets = [0, 384], sizes = [1, 128], strides = [1, 1]} : vector<1x512xf32> to vector<1x128xf32>
      %tanh3A_301 = math.tanh %slice3A_300 : vector<1x128xf32>
      %mul3A_302 = arith.constant 5.000000e-01 : f32
      %mul3A_303 = vector.broadcast %mul3A_302 : f32 to vector<1x128xf32>
      %mul3A_304 = arith.mulf %mul3A_303, %tanh3A_301 : vector<1x128xf32>
      %add3A_305 = arith.constant 5.000000e-01 : f32
      %add3A_306 = vector.broadcast %add3A_305 : f32 to vector<1x128xf32>
      %add3A_307 = arith.addf %add3A_306, %mul3A_304 : vector<1x128xf32>
      %mul3A_308 = arith.mulf %add3A_297, %add3A_273 : vector<1x128xf32>
      %mul3A_309 = arith.mulf %add3A_289, %tanh3A_299 : vector<1x128xf32>
      %add3A_310 = arith.addf %mul3A_308, %mul3A_309 : vector<1x128xf32>
      %tanh3A_311 = math.tanh %add3A_310 : vector<1x128xf32>
      %mul3A_312 = arith.mulf %add3A_307, %tanh3A_311 : vector<1x128xf32>
      %slice3A_313 = vector.extract_strided_slice %mul3A_312 {offsets = [0, 0], sizes = [1, 32], strides = [1, 1]} : vector<1x128xf32> to vector<1x32xf32>
      %slice3A_314 = vector.extract_strided_slice %get3A_20 {offsets = [8, 0], sizes = [1, 512], strides = [1, 1]} : vector<16x512xf32> to vector<1x512xf32>
      %slice3A_315 = vector.extract_strided_slice %mul3A_312 {offsets = [0, 0], sizes = [1, 32], strides = [1, 1]} : vector<1x128xf32> to vector<1x32xf32>
      %dot_general3A_316 = arith.constant dense<0.000000e+00> : vector<1x512xf32>
      %dot_general3A_317 = tpu.matmul %slice3A_315, %get3A_1, %dot_general3A_316 {dimension_numbers = #tpu.dot_dimension_numbers<[1], [0], [0], [1], [0, 0, 1, 1], [], []>, transpose_lhs_hint = false} : vector<1x32xf32>, vector<32x512xf32>, vector<1x512xf32> -> vector<1x512xf32>
      %add3A_318 = arith.addf %slice3A_314, %dot_general3A_317 : vector<1x512xf32>
      %slice3A_319 = vector.extract_strided_slice %add3A_318 {offsets = [0, 0], sizes = [1, 128], strides = [1, 1]} : vector<1x512xf32> to vector<1x128xf32>
      %tanh3A_320 = math.tanh %slice3A_319 : vector<1x128xf32>
      %mul3A_321 = arith.constant 5.000000e-01 : f32
      %mul3A_322 = vector.broadcast %mul3A_321 : f32 to vector<1x128xf32>
      %mul3A_323 = arith.mulf %mul3A_322, %tanh3A_320 : vector<1x128xf32>
      %add3A_324 = arith.constant 5.000000e-01 : f32
      %add3A_325 = vector.broadcast %add3A_324 : f32 to vector<1x128xf32>
      %add3A_326 = arith.addf %add3A_325, %mul3A_323 : vector<1x128xf32>
      %slice3A_327 = vector.extract_strided_slice %add3A_318 {offsets = [0, 128], sizes = [1, 128], strides = [1, 1]} : vector<1x512xf32> to vector<1x128xf32>
      %tanh3A_328 = math.tanh %slice3A_327 : vector<1x128xf32>
      %mul3A_329 = arith.constant 5.000000e-01 : f32
      %mul3A_330 = vector.broadcast %mul3A_329 : f32 to vector<1x128xf32>
      %mul3A_331 = arith.mulf %mul3A_330, %tanh3A_328 : vector<1x128xf32>
      %add3A_332 = arith.constant 5.000000e-01 : f32
      %add3A_333 = vector.broadcast %add3A_332 : f32 to vector<1x128xf32>
      %add3A_334 = arith.addf %add3A_333, %mul3A_331 : vector<1x128xf32>
      %slice3A_335 = vector.extract_strided_slice %add3A_318 {offsets = [0, 256], sizes = [1, 128], strides = [1, 1]} : vector<1x512xf32> to vector<1x128xf32>
      %tanh3A_336 = math.tanh %slice3A_335 : vector<1x128xf32>
      %slice3A_337 = vector.extract_strided_slice %add3A_318 {offsets = [0, 384], sizes = [1, 128], strides = [1, 1]} : vector<1x512xf32> to vector<1x128xf32>
      %tanh3A_338 = math.tanh %slice3A_337 : vector<1x128xf32>
      %mul3A_339 = arith.constant 5.000000e-01 : f32
      %mul3A_340 = vector.broadcast %mul3A_339 : f32 to vector<1x128xf32>
      %mul3A_341 = arith.mulf %mul3A_340, %tanh3A_338 : vector<1x128xf32>
      %add3A_342 = arith.constant 5.000000e-01 : f32
      %add3A_343 = vector.broadcast %add3A_342 : f32 to vector<1x128xf32>
      %add3A_344 = arith.addf %add3A_343, %mul3A_341 : vector<1x128xf32>
      %mul3A_345 = arith.mulf %add3A_334, %add3A_310 : vector<1x128xf32>
      %mul3A_346 = arith.mulf %add3A_326, %tanh3A_336 : vector<1x128xf32>
      %add3A_347 = arith.addf %mul3A_345, %mul3A_346 : vector<1x128xf32>
      %tanh3A_348 = math.tanh %add3A_347 : vector<1x128xf32>
      %mul3A_349 = arith.mulf %add3A_344, %tanh3A_348 : vector<1x128xf32>
      %slice3A_350 = vector.extract_strided_slice %mul3A_349 {offsets = [0, 0], sizes = [1, 32], strides = [1, 1]} : vector<1x128xf32> to vector<1x32xf32>
      %slice3A_351 = vector.extract_strided_slice %get3A_20 {offsets = [9, 0], sizes = [1, 512], strides = [1, 1]} : vector<16x512xf32> to vector<1x512xf32>
      %slice3A_352 = vector.extract_strided_slice %mul3A_349 {offsets = [0, 0], sizes = [1, 32], strides = [1, 1]} : vector<1x128xf32> to vector<1x32xf32>
      %dot_general3A_353 = arith.constant dense<0.000000e+00> : vector<1x512xf32>
      %dot_general3A_354 = tpu.matmul %slice3A_352, %get3A_1, %dot_general3A_353 {dimension_numbers = #tpu.dot_dimension_numbers<[1], [0], [0], [1], [0, 0, 1, 1], [], []>, transpose_lhs_hint = false} : vector<1x32xf32>, vector<32x512xf32>, vector<1x512xf32> -> vector<1x512xf32>
      %add3A_355 = arith.addf %slice3A_351, %dot_general3A_354 : vector<1x512xf32>
      %slice3A_356 = vector.extract_strided_slice %add3A_355 {offsets = [0, 0], sizes = [1, 128], strides = [1, 1]} : vector<1x512xf32> to vector<1x128xf32>
      %tanh3A_357 = math.tanh %slice3A_356 : vector<1x128xf32>
      %mul3A_358 = arith.constant 5.000000e-01 : f32
      %mul3A_359 = vector.broadcast %mul3A_358 : f32 to vector<1x128xf32>
      %mul3A_360 = arith.mulf %mul3A_359, %tanh3A_357 : vector<1x128xf32>
      %add3A_361 = arith.constant 5.000000e-01 : f32
      %add3A_362 = vector.broadcast %add3A_361 : f32 to vector<1x128xf32>
      %add3A_363 = arith.addf %add3A_362, %mul3A_360 : vector<1x128xf32>
      %slice3A_364 = vector.extract_strided_slice %add3A_355 {offsets = [0, 128], sizes = [1, 128], strides = [1, 1]} : vector<1x512xf32> to vector<1x128xf32>
      %tanh3A_365 = math.tanh %slice3A_364 : vector<1x128xf32>
      %mul3A_366 = arith.constant 5.000000e-01 : f32
      %mul3A_367 = vector.broadcast %mul3A_366 : f32 to vector<1x128xf32>
      %mul3A_368 = arith.mulf %mul3A_367, %tanh3A_365 : vector<1x128xf32>
      %add3A_369 = arith.constant 5.000000e-01 : f32
      %add3A_370 = vector.broadcast %add3A_369 : f32 to vector<1x128xf32>
      %add3A_371 = arith.addf %add3A_370, %mul3A_368 : vector<1x128xf32>
      %slice3A_372 = vector.extract_strided_slice %add3A_355 {offsets = [0, 256], sizes = [1, 128], strides = [1, 1]} : vector<1x512xf32> to vector<1x128xf32>
      %tanh3A_373 = math.tanh %slice3A_372 : vector<1x128xf32>
      %slice3A_374 = vector.extract_strided_slice %add3A_355 {offsets = [0, 384], sizes = [1, 128], strides = [1, 1]} : vector<1x512xf32> to vector<1x128xf32>
      %tanh3A_375 = math.tanh %slice3A_374 : vector<1x128xf32>
      %mul3A_376 = arith.constant 5.000000e-01 : f32
      %mul3A_377 = vector.broadcast %mul3A_376 : f32 to vector<1x128xf32>
      %mul3A_378 = arith.mulf %mul3A_377, %tanh3A_375 : vector<1x128xf32>
      %add3A_379 = arith.constant 5.000000e-01 : f32
      %add3A_380 = vector.broadcast %add3A_379 : f32 to vector<1x128xf32>
      %add3A_381 = arith.addf %add3A_380, %mul3A_378 : vector<1x128xf32>
      %mul3A_382 = arith.mulf %add3A_371, %add3A_347 : vector<1x128xf32>
      %mul3A_383 = arith.mulf %add3A_363, %tanh3A_373 : vector<1x128xf32>
      %add3A_384 = arith.addf %mul3A_382, %mul3A_383 : vector<1x128xf32>
      %tanh3A_385 = math.tanh %add3A_384 : vector<1x128xf32>
      %mul3A_386 = arith.mulf %add3A_381, %tanh3A_385 : vector<1x128xf32>
      %slice3A_387 = vector.extract_strided_slice %mul3A_386 {offsets = [0, 0], sizes = [1, 32], strides = [1, 1]} : vector<1x128xf32> to vector<1x32xf32>
      %slice3A_388 = vector.extract_strided_slice %get3A_20 {offsets = [10, 0], sizes = [1, 512], strides = [1, 1]} : vector<16x512xf32> to vector<1x512xf32>
      %slice3A_389 = vector.extract_strided_slice %mul3A_386 {offsets = [0, 0], sizes = [1, 32], strides = [1, 1]} : vector<1x128xf32> to vector<1x32xf32>
      %dot_general3A_390 = arith.constant dense<0.000000e+00> : vector<1x512xf32>
      %dot_general3A_391 = tpu.matmul %slice3A_389, %get3A_1, %dot_general3A_390 {dimension_numbers = #tpu.dot_dimension_numbers<[1], [0], [0], [1], [0, 0, 1, 1], [], []>, transpose_lhs_hint = false} : vector<1x32xf32>, vector<32x512xf32>, vector<1x512xf32> -> vector<1x512xf32>
      %add3A_392 = arith.addf %slice3A_388, %dot_general3A_391 : vector<1x512xf32>
      %slice3A_393 = vector.extract_strided_slice %add3A_392 {offsets = [0, 0], sizes = [1, 128], strides = [1, 1]} : vector<1x512xf32> to vector<1x128xf32>
      %tanh3A_394 = math.tanh %slice3A_393 : vector<1x128xf32>
      %mul3A_395 = arith.constant 5.000000e-01 : f32
      %mul3A_396 = vector.broadcast %mul3A_395 : f32 to vector<1x128xf32>
      %mul3A_397 = arith.mulf %mul3A_396, %tanh3A_394 : vector<1x128xf32>
      %add3A_398 = arith.constant 5.000000e-01 : f32
      %add3A_399 = vector.broadcast %add3A_398 : f32 to vector<1x128xf32>
      %add3A_400 = arith.addf %add3A_399, %mul3A_397 : vector<1x128xf32>
      %slice3A_401 = vector.extract_strided_slice %add3A_392 {offsets = [0, 128], sizes = [1, 128], strides = [1, 1]} : vector<1x512xf32> to vector<1x128xf32>
      %tanh3A_402 = math.tanh %slice3A_401 : vector<1x128xf32>
      %mul3A_403 = arith.constant 5.000000e-01 : f32
      %mul3A_404 = vector.broadcast %mul3A_403 : f32 to vector<1x128xf32>
      %mul3A_405 = arith.mulf %mul3A_404, %tanh3A_402 : vector<1x128xf32>
      %add3A_406 = arith.constant 5.000000e-01 : f32
      %add3A_407 = vector.broadcast %add3A_406 : f32 to vector<1x128xf32>
      %add3A_408 = arith.addf %add3A_407, %mul3A_405 : vector<1x128xf32>
      %slice3A_409 = vector.extract_strided_slice %add3A_392 {offsets = [0, 256], sizes = [1, 128], strides = [1, 1]} : vector<1x512xf32> to vector<1x128xf32>
      %tanh3A_410 = math.tanh %slice3A_409 : vector<1x128xf32>
      %slice3A_411 = vector.extract_strided_slice %add3A_392 {offsets = [0, 384], sizes = [1, 128], strides = [1, 1]} : vector<1x512xf32> to vector<1x128xf32>
      %tanh3A_412 = math.tanh %slice3A_411 : vector<1x128xf32>
      %mul3A_413 = arith.constant 5.000000e-01 : f32
      %mul3A_414 = vector.broadcast %mul3A_413 : f32 to vector<1x128xf32>
      %mul3A_415 = arith.mulf %mul3A_414, %tanh3A_412 : vector<1x128xf32>
      %add3A_416 = arith.constant 5.000000e-01 : f32
      %add3A_417 = vector.broadcast %add3A_416 : f32 to vector<1x128xf32>
      %add3A_418 = arith.addf %add3A_417, %mul3A_415 : vector<1x128xf32>
      %mul3A_419 = arith.mulf %add3A_408, %add3A_384 : vector<1x128xf32>
      %mul3A_420 = arith.mulf %add3A_400, %tanh3A_410 : vector<1x128xf32>
      %add3A_421 = arith.addf %mul3A_419, %mul3A_420 : vector<1x128xf32>
      %tanh3A_422 = math.tanh %add3A_421 : vector<1x128xf32>
      %mul3A_423 = arith.mulf %add3A_418, %tanh3A_422 : vector<1x128xf32>
      %slice3A_424 = vector.extract_strided_slice %mul3A_423 {offsets = [0, 0], sizes = [1, 32], strides = [1, 1]} : vector<1x128xf32> to vector<1x32xf32>
      %slice3A_425 = vector.extract_strided_slice %get3A_20 {offsets = [11, 0], sizes = [1, 512], strides = [1, 1]} : vector<16x512xf32> to vector<1x512xf32>
      %slice3A_426 = vector.extract_strided_slice %mul3A_423 {offsets = [0, 0], sizes = [1, 32], strides = [1, 1]} : vector<1x128xf32> to vector<1x32xf32>
      %dot_general3A_427 = arith.constant dense<0.000000e+00> : vector<1x512xf32>
      %dot_general3A_428 = tpu.matmul %slice3A_426, %get3A_1, %dot_general3A_427 {dimension_numbers = #tpu.dot_dimension_numbers<[1], [0], [0], [1], [0, 0, 1, 1], [], []>, transpose_lhs_hint = false} : vector<1x32xf32>, vector<32x512xf32>, vector<1x512xf32> -> vector<1x512xf32>
      %add3A_429 = arith.addf %slice3A_425, %dot_general3A_428 : vector<1x512xf32>
      %slice3A_430 = vector.extract_strided_slice %add3A_429 {offsets = [0, 0], sizes = [1, 128], strides = [1, 1]} : vector<1x512xf32> to vector<1x128xf32>
      %tanh3A_431 = math.tanh %slice3A_430 : vector<1x128xf32>
      %mul3A_432 = arith.constant 5.000000e-01 : f32
      %mul3A_433 = vector.broadcast %mul3A_432 : f32 to vector<1x128xf32>
      %mul3A_434 = arith.mulf %mul3A_433, %tanh3A_431 : vector<1x128xf32>
      %add3A_435 = arith.constant 5.000000e-01 : f32
      %add3A_436 = vector.broadcast %add3A_435 : f32 to vector<1x128xf32>
      %add3A_437 = arith.addf %add3A_436, %mul3A_434 : vector<1x128xf32>
      %slice3A_438 = vector.extract_strided_slice %add3A_429 {offsets = [0, 128], sizes = [1, 128], strides = [1, 1]} : vector<1x512xf32> to vector<1x128xf32>
      %tanh3A_439 = math.tanh %slice3A_438 : vector<1x128xf32>
      %mul3A_440 = arith.constant 5.000000e-01 : f32
      %mul3A_441 = vector.broadcast %mul3A_440 : f32 to vector<1x128xf32>
      %mul3A_442 = arith.mulf %mul3A_441, %tanh3A_439 : vector<1x128xf32>
      %add3A_443 = arith.constant 5.000000e-01 : f32
      %add3A_444 = vector.broadcast %add3A_443 : f32 to vector<1x128xf32>
      %add3A_445 = arith.addf %add3A_444, %mul3A_442 : vector<1x128xf32>
      %slice3A_446 = vector.extract_strided_slice %add3A_429 {offsets = [0, 256], sizes = [1, 128], strides = [1, 1]} : vector<1x512xf32> to vector<1x128xf32>
      %tanh3A_447 = math.tanh %slice3A_446 : vector<1x128xf32>
      %slice3A_448 = vector.extract_strided_slice %add3A_429 {offsets = [0, 384], sizes = [1, 128], strides = [1, 1]} : vector<1x512xf32> to vector<1x128xf32>
      %tanh3A_449 = math.tanh %slice3A_448 : vector<1x128xf32>
      %mul3A_450 = arith.constant 5.000000e-01 : f32
      %mul3A_451 = vector.broadcast %mul3A_450 : f32 to vector<1x128xf32>
      %mul3A_452 = arith.mulf %mul3A_451, %tanh3A_449 : vector<1x128xf32>
      %add3A_453 = arith.constant 5.000000e-01 : f32
      %add3A_454 = vector.broadcast %add3A_453 : f32 to vector<1x128xf32>
      %add3A_455 = arith.addf %add3A_454, %mul3A_452 : vector<1x128xf32>
      %mul3A_456 = arith.mulf %add3A_445, %add3A_421 : vector<1x128xf32>
      %mul3A_457 = arith.mulf %add3A_437, %tanh3A_447 : vector<1x128xf32>
      %add3A_458 = arith.addf %mul3A_456, %mul3A_457 : vector<1x128xf32>
      %tanh3A_459 = math.tanh %add3A_458 : vector<1x128xf32>
      %mul3A_460 = arith.mulf %add3A_455, %tanh3A_459 : vector<1x128xf32>
      %slice3A_461 = vector.extract_strided_slice %mul3A_460 {offsets = [0, 0], sizes = [1, 32], strides = [1, 1]} : vector<1x128xf32> to vector<1x32xf32>
      %slice3A_462 = vector.extract_strided_slice %get3A_20 {offsets = [12, 0], sizes = [1, 512], strides = [1, 1]} : vector<16x512xf32> to vector<1x512xf32>
      %slice3A_463 = vector.extract_strided_slice %mul3A_460 {offsets = [0, 0], sizes = [1, 32], strides = [1, 1]} : vector<1x128xf32> to vector<1x32xf32>
      %dot_general3A_464 = arith.constant dense<0.000000e+00> : vector<1x512xf32>
      %dot_general3A_465 = tpu.matmul %slice3A_463, %get3A_1, %dot_general3A_464 {dimension_numbers = #tpu.dot_dimension_numbers<[1], [0], [0], [1], [0, 0, 1, 1], [], []>, transpose_lhs_hint = false} : vector<1x32xf32>, vector<32x512xf32>, vector<1x512xf32> -> vector<1x512xf32>
      %add3A_466 = arith.addf %slice3A_462, %dot_general3A_465 : vector<1x512xf32>
      %slice3A_467 = vector.extract_strided_slice %add3A_466 {offsets = [0, 0], sizes = [1, 128], strides = [1, 1]} : vector<1x512xf32> to vector<1x128xf32>
      %tanh3A_468 = math.tanh %slice3A_467 : vector<1x128xf32>
      %mul3A_469 = arith.constant 5.000000e-01 : f32
      %mul3A_470 = vector.broadcast %mul3A_469 : f32 to vector<1x128xf32>
      %mul3A_471 = arith.mulf %mul3A_470, %tanh3A_468 : vector<1x128xf32>
      %add3A_472 = arith.constant 5.000000e-01 : f32
      %add3A_473 = vector.broadcast %add3A_472 : f32 to vector<1x128xf32>
      %add3A_474 = arith.addf %add3A_473, %mul3A_471 : vector<1x128xf32>
      %slice3A_475 = vector.extract_strided_slice %add3A_466 {offsets = [0, 128], sizes = [1, 128], strides = [1, 1]} : vector<1x512xf32> to vector<1x128xf32>
      %tanh3A_476 = math.tanh %slice3A_475 : vector<1x128xf32>
      %mul3A_477 = arith.constant 5.000000e-01 : f32
      %mul3A_478 = vector.broadcast %mul3A_477 : f32 to vector<1x128xf32>
      %mul3A_479 = arith.mulf %mul3A_478, %tanh3A_476 : vector<1x128xf32>
      %add3A_480 = arith.constant 5.000000e-01 : f32
      %add3A_481 = vector.broadcast %add3A_480 : f32 to vector<1x128xf32>
      %add3A_482 = arith.addf %add3A_481, %mul3A_479 : vector<1x128xf32>
      %slice3A_483 = vector.extract_strided_slice %add3A_466 {offsets = [0, 256], sizes = [1, 128], strides = [1, 1]} : vector<1x512xf32> to vector<1x128xf32>
      %tanh3A_484 = math.tanh %slice3A_483 : vector<1x128xf32>
      %slice3A_485 = vector.extract_strided_slice %add3A_466 {offsets = [0, 384], sizes = [1, 128], strides = [1, 1]} : vector<1x512xf32> to vector<1x128xf32>
      %tanh3A_486 = math.tanh %slice3A_485 : vector<1x128xf32>
      %mul3A_487 = arith.constant 5.000000e-01 : f32
      %mul3A_488 = vector.broadcast %mul3A_487 : f32 to vector<1x128xf32>
      %mul3A_489 = arith.mulf %mul3A_488, %tanh3A_486 : vector<1x128xf32>
      %add3A_490 = arith.constant 5.000000e-01 : f32
      %add3A_491 = vector.broadcast %add3A_490 : f32 to vector<1x128xf32>
      %add3A_492 = arith.addf %add3A_491, %mul3A_489 : vector<1x128xf32>
      %mul3A_493 = arith.mulf %add3A_482, %add3A_458 : vector<1x128xf32>
      %mul3A_494 = arith.mulf %add3A_474, %tanh3A_484 : vector<1x128xf32>
      %add3A_495 = arith.addf %mul3A_493, %mul3A_494 : vector<1x128xf32>
      %tanh3A_496 = math.tanh %add3A_495 : vector<1x128xf32>
      %mul3A_497 = arith.mulf %add3A_492, %tanh3A_496 : vector<1x128xf32>
      %slice3A_498 = vector.extract_strided_slice %mul3A_497 {offsets = [0, 0], sizes = [1, 32], strides = [1, 1]} : vector<1x128xf32> to vector<1x32xf32>
      %slice3A_499 = vector.extract_strided_slice %get3A_20 {offsets = [13, 0], sizes = [1, 512], strides = [1, 1]} : vector<16x512xf32> to vector<1x512xf32>
      %slice3A_500 = vector.extract_strided_slice %mul3A_497 {offsets = [0, 0], sizes = [1, 32], strides = [1, 1]} : vector<1x128xf32> to vector<1x32xf32>
      %dot_general3A_501 = arith.constant dense<0.000000e+00> : vector<1x512xf32>
      %dot_general3A_502 = tpu.matmul %slice3A_500, %get3A_1, %dot_general3A_501 {dimension_numbers = #tpu.dot_dimension_numbers<[1], [0], [0], [1], [0, 0, 1, 1], [], []>, transpose_lhs_hint = false} : vector<1x32xf32>, vector<32x512xf32>, vector<1x512xf32> -> vector<1x512xf32>
      %add3A_503 = arith.addf %slice3A_499, %dot_general3A_502 : vector<1x512xf32>
      %slice3A_504 = vector.extract_strided_slice %add3A_503 {offsets = [0, 0], sizes = [1, 128], strides = [1, 1]} : vector<1x512xf32> to vector<1x128xf32>
      %tanh3A_505 = math.tanh %slice3A_504 : vector<1x128xf32>
      %mul3A_506 = arith.constant 5.000000e-01 : f32
      %mul3A_507 = vector.broadcast %mul3A_506 : f32 to vector<1x128xf32>
      %mul3A_508 = arith.mulf %mul3A_507, %tanh3A_505 : vector<1x128xf32>
      %add3A_509 = arith.constant 5.000000e-01 : f32
      %add3A_510 = vector.broadcast %add3A_509 : f32 to vector<1x128xf32>
      %add3A_511 = arith.addf %add3A_510, %mul3A_508 : vector<1x128xf32>
      %slice3A_512 = vector.extract_strided_slice %add3A_503 {offsets = [0, 128], sizes = [1, 128], strides = [1, 1]} : vector<1x512xf32> to vector<1x128xf32>
      %tanh3A_513 = math.tanh %slice3A_512 : vector<1x128xf32>
      %mul3A_514 = arith.constant 5.000000e-01 : f32
      %mul3A_515 = vector.broadcast %mul3A_514 : f32 to vector<1x128xf32>
      %mul3A_516 = arith.mulf %mul3A_515, %tanh3A_513 : vector<1x128xf32>
      %add3A_517 = arith.constant 5.000000e-01 : f32
      %add3A_518 = vector.broadcast %add3A_517 : f32 to vector<1x128xf32>
      %add3A_519 = arith.addf %add3A_518, %mul3A_516 : vector<1x128xf32>
      %slice3A_520 = vector.extract_strided_slice %add3A_503 {offsets = [0, 256], sizes = [1, 128], strides = [1, 1]} : vector<1x512xf32> to vector<1x128xf32>
      %tanh3A_521 = math.tanh %slice3A_520 : vector<1x128xf32>
      %slice3A_522 = vector.extract_strided_slice %add3A_503 {offsets = [0, 384], sizes = [1, 128], strides = [1, 1]} : vector<1x512xf32> to vector<1x128xf32>
      %tanh3A_523 = math.tanh %slice3A_522 : vector<1x128xf32>
      %mul3A_524 = arith.constant 5.000000e-01 : f32
      %mul3A_525 = vector.broadcast %mul3A_524 : f32 to vector<1x128xf32>
      %mul3A_526 = arith.mulf %mul3A_525, %tanh3A_523 : vector<1x128xf32>
      %add3A_527 = arith.constant 5.000000e-01 : f32
      %add3A_528 = vector.broadcast %add3A_527 : f32 to vector<1x128xf32>
      %add3A_529 = arith.addf %add3A_528, %mul3A_526 : vector<1x128xf32>
      %mul3A_530 = arith.mulf %add3A_519, %add3A_495 : vector<1x128xf32>
      %mul3A_531 = arith.mulf %add3A_511, %tanh3A_521 : vector<1x128xf32>
      %add3A_532 = arith.addf %mul3A_530, %mul3A_531 : vector<1x128xf32>
      %tanh3A_533 = math.tanh %add3A_532 : vector<1x128xf32>
      %mul3A_534 = arith.mulf %add3A_529, %tanh3A_533 : vector<1x128xf32>
      %slice3A_535 = vector.extract_strided_slice %mul3A_534 {offsets = [0, 0], sizes = [1, 32], strides = [1, 1]} : vector<1x128xf32> to vector<1x32xf32>
      %slice3A_536 = vector.extract_strided_slice %get3A_20 {offsets = [14, 0], sizes = [1, 512], strides = [1, 1]} : vector<16x512xf32> to vector<1x512xf32>
      %slice3A_537 = vector.extract_strided_slice %mul3A_534 {offsets = [0, 0], sizes = [1, 32], strides = [1, 1]} : vector<1x128xf32> to vector<1x32xf32>
      %dot_general3A_538 = arith.constant dense<0.000000e+00> : vector<1x512xf32>
      %dot_general3A_539 = tpu.matmul %slice3A_537, %get3A_1, %dot_general3A_538 {dimension_numbers = #tpu.dot_dimension_numbers<[1], [0], [0], [1], [0, 0, 1, 1], [], []>, transpose_lhs_hint = false} : vector<1x32xf32>, vector<32x512xf32>, vector<1x512xf32> -> vector<1x512xf32>
      %add3A_540 = arith.addf %slice3A_536, %dot_general3A_539 : vector<1x512xf32>
      %slice3A_541 = vector.extract_strided_slice %add3A_540 {offsets = [0, 0], sizes = [1, 128], strides = [1, 1]} : vector<1x512xf32> to vector<1x128xf32>
      %tanh3A_542 = math.tanh %slice3A_541 : vector<1x128xf32>
      %mul3A_543 = arith.constant 5.000000e-01 : f32
      %mul3A_544 = vector.broadcast %mul3A_543 : f32 to vector<1x128xf32>
      %mul3A_545 = arith.mulf %mul3A_544, %tanh3A_542 : vector<1x128xf32>
      %add3A_546 = arith.constant 5.000000e-01 : f32
      %add3A_547 = vector.broadcast %add3A_546 : f32 to vector<1x128xf32>
      %add3A_548 = arith.addf %add3A_547, %mul3A_545 : vector<1x128xf32>
      %slice3A_549 = vector.extract_strided_slice %add3A_540 {offsets = [0, 128], sizes = [1, 128], strides = [1, 1]} : vector<1x512xf32> to vector<1x128xf32>
      %tanh3A_550 = math.tanh %slice3A_549 : vector<1x128xf32>
      %mul3A_551 = arith.constant 5.000000e-01 : f32
      %mul3A_552 = vector.broadcast %mul3A_551 : f32 to vector<1x128xf32>
      %mul3A_553 = arith.mulf %mul3A_552, %tanh3A_550 : vector<1x128xf32>
      %add3A_554 = arith.constant 5.000000e-01 : f32
      %add3A_555 = vector.broadcast %add3A_554 : f32 to vector<1x128xf32>
      %add3A_556 = arith.addf %add3A_555, %mul3A_553 : vector<1x128xf32>
      %slice3A_557 = vector.extract_strided_slice %add3A_540 {offsets = [0, 256], sizes = [1, 128], strides = [1, 1]} : vector<1x512xf32> to vector<1x128xf32>
      %tanh3A_558 = math.tanh %slice3A_557 : vector<1x128xf32>
      %slice3A_559 = vector.extract_strided_slice %add3A_540 {offsets = [0, 384], sizes = [1, 128], strides = [1, 1]} : vector<1x512xf32> to vector<1x128xf32>
      %tanh3A_560 = math.tanh %slice3A_559 : vector<1x128xf32>
      %mul3A_561 = arith.constant 5.000000e-01 : f32
      %mul3A_562 = vector.broadcast %mul3A_561 : f32 to vector<1x128xf32>
      %mul3A_563 = arith.mulf %mul3A_562, %tanh3A_560 : vector<1x128xf32>
      %add3A_564 = arith.constant 5.000000e-01 : f32
      %add3A_565 = vector.broadcast %add3A_564 : f32 to vector<1x128xf32>
      %add3A_566 = arith.addf %add3A_565, %mul3A_563 : vector<1x128xf32>
      %mul3A_567 = arith.mulf %add3A_556, %add3A_532 : vector<1x128xf32>
      %mul3A_568 = arith.mulf %add3A_548, %tanh3A_558 : vector<1x128xf32>
      %add3A_569 = arith.addf %mul3A_567, %mul3A_568 : vector<1x128xf32>
      %tanh3A_570 = math.tanh %add3A_569 : vector<1x128xf32>
      %mul3A_571 = arith.mulf %add3A_566, %tanh3A_570 : vector<1x128xf32>
      %slice3A_572 = vector.extract_strided_slice %mul3A_571 {offsets = [0, 0], sizes = [1, 32], strides = [1, 1]} : vector<1x128xf32> to vector<1x32xf32>
      %slice3A_573 = vector.extract_strided_slice %get3A_20 {offsets = [15, 0], sizes = [1, 512], strides = [1, 1]} : vector<16x512xf32> to vector<1x512xf32>
      %slice3A_574 = vector.extract_strided_slice %mul3A_571 {offsets = [0, 0], sizes = [1, 32], strides = [1, 1]} : vector<1x128xf32> to vector<1x32xf32>
      %dot_general3A_575 = arith.constant dense<0.000000e+00> : vector<1x512xf32>
      %dot_general3A_576 = tpu.matmul %slice3A_574, %get3A_1, %dot_general3A_575 {dimension_numbers = #tpu.dot_dimension_numbers<[1], [0], [0], [1], [0, 0, 1, 1], [], []>, transpose_lhs_hint = false} : vector<1x32xf32>, vector<32x512xf32>, vector<1x512xf32> -> vector<1x512xf32>
      %add3A_577 = arith.addf %slice3A_573, %dot_general3A_576 : vector<1x512xf32>
      %slice3A_578 = vector.extract_strided_slice %add3A_577 {offsets = [0, 0], sizes = [1, 128], strides = [1, 1]} : vector<1x512xf32> to vector<1x128xf32>
      %tanh3A_579 = math.tanh %slice3A_578 : vector<1x128xf32>
      %mul3A_580 = arith.constant 5.000000e-01 : f32
      %mul3A_581 = vector.broadcast %mul3A_580 : f32 to vector<1x128xf32>
      %mul3A_582 = arith.mulf %mul3A_581, %tanh3A_579 : vector<1x128xf32>
      %add3A_583 = arith.constant 5.000000e-01 : f32
      %add3A_584 = vector.broadcast %add3A_583 : f32 to vector<1x128xf32>
      %add3A_585 = arith.addf %add3A_584, %mul3A_582 : vector<1x128xf32>
      %slice3A_586 = vector.extract_strided_slice %add3A_577 {offsets = [0, 128], sizes = [1, 128], strides = [1, 1]} : vector<1x512xf32> to vector<1x128xf32>
      %tanh3A_587 = math.tanh %slice3A_586 : vector<1x128xf32>
      %mul3A_588 = arith.constant 5.000000e-01 : f32
      %mul3A_589 = vector.broadcast %mul3A_588 : f32 to vector<1x128xf32>
      %mul3A_590 = arith.mulf %mul3A_589, %tanh3A_587 : vector<1x128xf32>
      %add3A_591 = arith.constant 5.000000e-01 : f32
      %add3A_592 = vector.broadcast %add3A_591 : f32 to vector<1x128xf32>
      %add3A_593 = arith.addf %add3A_592, %mul3A_590 : vector<1x128xf32>
      %slice3A_594 = vector.extract_strided_slice %add3A_577 {offsets = [0, 256], sizes = [1, 128], strides = [1, 1]} : vector<1x512xf32> to vector<1x128xf32>
      %tanh3A_595 = math.tanh %slice3A_594 : vector<1x128xf32>
      %slice3A_596 = vector.extract_strided_slice %add3A_577 {offsets = [0, 384], sizes = [1, 128], strides = [1, 1]} : vector<1x512xf32> to vector<1x128xf32>
      %tanh3A_597 = math.tanh %slice3A_596 : vector<1x128xf32>
      %mul3A_598 = arith.constant 5.000000e-01 : f32
      %mul3A_599 = vector.broadcast %mul3A_598 : f32 to vector<1x128xf32>
      %mul3A_600 = arith.mulf %mul3A_599, %tanh3A_597 : vector<1x128xf32>
      %add3A_601 = arith.constant 5.000000e-01 : f32
      %add3A_602 = vector.broadcast %add3A_601 : f32 to vector<1x128xf32>
      %add3A_603 = arith.addf %add3A_602, %mul3A_600 : vector<1x128xf32>
      %mul3A_604 = arith.mulf %add3A_593, %add3A_569 : vector<1x128xf32>
      %mul3A_605 = arith.mulf %add3A_585, %tanh3A_595 : vector<1x128xf32>
      %add3A_606 = arith.addf %mul3A_604, %mul3A_605 : vector<1x128xf32>
      %tanh3A_607 = math.tanh %add3A_606 : vector<1x128xf32>
      %mul3A_608 = arith.mulf %add3A_603, %tanh3A_607 : vector<1x128xf32>
      %slice3A_609 = vector.extract_strided_slice %mul3A_608 {offsets = [0, 0], sizes = [1, 32], strides = [1, 1]} : vector<1x128xf32> to vector<1x32xf32>
      %concatenate3A = tpu.concatenate %slice3A_54, %slice3A_91, %slice3A_128, %slice3A_165, %slice3A_202, %slice3A_239, %slice3A_276, %slice3A_313, %slice3A_350, %slice3A_387, %slice3A_424, %slice3A_461, %slice3A_498, %slice3A_535, %slice3A_572, %slice3A_609 in 0 : vector<1x32xf32>, vector<1x32xf32>, vector<1x32xf32>, vector<1x32xf32>, vector<1x32xf32>, vector<1x32xf32>, vector<1x32xf32>, vector<1x32xf32>, vector<1x32xf32>, vector<1x32xf32>, vector<1x32xf32>, vector<1x32xf32>, vector<1x32xf32>, vector<1x32xf32>, vector<1x32xf32>, vector<1x32xf32> -> vector<16x32xf32>
      %mul3A_610 = arith.constant 16 : i32
      %mul3A_611 = arith.muli %scan3A_14, %mul3A_610 : i32
      %swap3A_612 = arith.index_cast %mul3A_611 : i32 to index
      %swap3A_613 = arith.constant 0 : index
      %swap3A_614 = vector.load %arg2[%swap3A_612, %swap3A_613] : memref<10000x32xf32, #tpu.memory_space<vmem>>, vector<16x32xf32>
      tpu.vector_store %arg2[%swap3A_612, %swap3A_613], %concatenate3A {strides = array<i32>} : memref<10000x32xf32, #tpu.memory_space<vmem>>, vector<16x32xf32>,
      scf.yield %mul3A_608, %add3A_606 : vector<1x128xf32>, vector<1x128xf32>
    }
    %scan3A_7 = arith.constant 625 : i32
    %slice3A = vector.extract_strided_slice %scan3A_6#0 {offsets = [0, 0], sizes = [1, 32], strides = [1, 1]} : vector<1x128xf32> to vector<1x32xf32>
    %swap3A = arith.constant 0 : index
    %swap3A_8 = arith.constant 0 : index
    %swap3A_9 = vector.load %arg3[%swap3A, %swap3A_8] : memref<1x32xf32, #tpu.memory_space<vmem>>, vector<1x32xf32>
    tpu.vector_store %arg3[%swap3A, %swap3A_8], %slice3A {strides = array<i32>} : memref<1x32xf32, #tpu.memory_space<vmem>>, vector<1x32xf32>,
    %slice3A_10 = vector.extract_strided_slice %scan3A_6#1 {offsets = [0, 0], sizes = [1, 32], strides = [1, 1]} : vector<1x128xf32> to vector<1x32xf32>
    %swap3A_11 = arith.constant 0 : index
    %swap3A_12 = arith.constant 0 : index
    %swap3A_13 = vector.load %arg4[%swap3A_11, %swap3A_12] : memref<1x32xf32, #tpu.memory_space<vmem>>, vector<1x32xf32>
    tpu.vector_store %arg4[%swap3A_11, %swap3A_12], %slice3A_10 {strides = array<i32>} : memref<1x32xf32, #tpu.memory_space<vmem>>, vector<1x32xf32>,
    return
  }
}

</mosaic_0001>

<sc_bundles>
// kernel: kernel.12.cloned.1.call-start
scs
__scs_entry_jumppad:
0x0: {  	(pc) =	sbr.rel $0x88, $3  }
0x1: {  	(tag) =	ssettag $0x0;
	lr =	simm.s32 $0x1  }
0x2: {  	[smem:$0x3F92] =	sst lr;
	_ =	strace $0xD0000000  }
0x3: {  	_ = 	snop  }
0x4: {  	_ = 	snop  }
0x5: {  	_ = 	snop  }
0x6: {  	_ = 	snop  }
0x7: {  	_ = 	snop  }
__scs_overlays_trampoline_lowered:
0x8: {  	[smem:$0x3FA1] =	sst s0  }
0x9: {  	[smem:$0x3FA2] =	sst s1  }
0xa: {  	[smem:$0x3FA3] =	sst s2  }
0xb: {  	[smem:$0x3FA4] =	sst s3  }
0xc: {  	[smem:$0x3FA5] =	sst s4  }
0xd: {  	[smem:$0x3FA6] =	sst s5  }
0xe: {  	[smem:$0x3FA7] =	sst s6  }
0xf: {  	[smem:$0x3FA8] =	sst s7  }
0x10: {  	[smem:$0x3FA9] =	sst s8  }
0x11: {  	[smem:$0x3FAA] =	sst s9;
	s0 =	simm.s32 @!p0 $0x0  }
0x12: {  	s1 =	sld [smem:$0x3F90];
	s0 =	simm.s32 @p0 $0x1  }
0x13: {  	[smem:$0x3FAB] =	sst s0;
	s0 =	simm.s32 @!p1 $0x0  }
0x14: {  	s2 =	sld [smem:$0x3F8F];
	s0 =	simm.s32 @p1 $0x1  }
0x15: {  	[smem:$0x3FAC] =	sst s0;
	s0 =	simm.s32 @!p2 $0x0  }
0x16: {  	s3 =	sld [smem:$0x3FDB];
	s0 =	simm.s32 @p2 $0x1  }
0x17: {  	s4 =	simm.s32 $0x1BF5;
	[smem:$0x3FAE] =	sst s0  }
0x18: {  	s0 =	sld [smem:$0x3F91];
	_ =	swait.ge [sflag:s4], $0x0  }
0x19: {  	s7 =	sld [smem:$0x3F92]  }
0x1a: {  	s8 =	sadd.s32 $0xFFFFE003, lr  }
0x1b: {  	s9 =	sadd.s32 $0xFFFFFEF7, lr;
	s5 =	simm.s32 $0xFFFFFFFF;
	p2 =	slt.u32 s8, $0xFFFFF086  }
0x1c: {  	p1 =	slt.u32 s9, $0xF7A;
	s5 =	simm.s32 @!p2 $0x0  }
0x1d: {  	s5 =	simm.s32 @p1 $0x1;
	p0 =	seq.s32 s7, s2  }
0x1e: {  	s7 =	smul.u32 @!p0 $0xF7A, s2;
	p2 =	seq.s32 @!p0 s5, $0x0  }
0x1f: {  	s9 =	smul.u32 $0xF7A, s1;
	s8 =	simm.s32 @!p0 $0x1BF5;
	p2 =	por !p2, p0  }
0x20: {  	[sflag:s8] =	ssyncset.s32 @!p0 $0xFFFFF086;
	s6 =	sadd.s32 @!p0 s3, s7;
	s7 =	simm.s32 @!p0 $0x108  }
0x21: {  	s3 =	sadd.s32 s3, s9;
	s6 =	sadd.s32 @!p0 $0x88, s6;
	s7 =	simm.s32 @p2 $0x1082  }
0x22: {  	[simem:s7], [sflag:s8] =	dma.local @!p0 [hbm:s6], $0xF7A  }
0x23: {  	s9 =	sor.u32 $0xD0000000, s2;
	s6 =	simm.s32 $0x108;
	_ =	swait.ge @!p0 [sflag:s8], $0x0  }
0x24: {  	s3 =	sadd.s32 $0x88, s3;
	s6 =	simm.s32 @!p1 $0x1082;
	[sflag:s4] =	ssyncset.s32 $0xFFFFF086  }
0x25: {  	[simem:s6], [sflag:s4] =	dma.local [hbm:s3], $0xF7A  }
0x26: {  	[smem:$0x3F92] =	sst s1;
	(tag) =	ssettag s2;
	_ =	strace s9  }
0x27: {  	s1 =	sld [smem:$0x3FA2]  }
0x28: {  	s2 =	sld [smem:$0x3FA3]  }
0x29: {  	s4 =	sld [smem:$0x3FA5]  }
0x2a: {  	p0 =	seq.s32 s5, $0x0;
	s5 =	sld [smem:$0x3FA6]  }
0x2b: {  	s6 =	sld [smem:$0x3FA7]  }
0x2c: {  	s7 =	sld [smem:$0x3FA8]  }
0x2d: {  	s3 =	simm.s32 $0x108;
	s8 =	sld [smem:$0x3FA9]  }
0x2e: {  	s3 =	simm.s32 @!p0 $0x1082;
	s9 =	sld [smem:$0x3FAA]  }
0x2f: {  	lr =	sadd.s32 s0, s3;
	s0 =	sld [smem:$0x3FA1]  }
0x30: {  	s3 =	sld [smem:$0x3FA4]  }
0x31: {  	[smem:$0x3FAD] =	sst s10  }
0x32: {  	s10 =	sld [smem:$0x3FAB];
	_ =	sdelay $0x3  }
0x33: {  	p0 =	seq.s32 s10, $0x1;
	s10 =	sld [smem:$0x3FAD];
	_ =	sdelay $0x3  }
0x34: {  	[smem:$0x3FAD] =	sst s10  }
0x35: {  	s10 =	sld [smem:$0x3FAC];
	_ =	sdelay $0x3  }
0x36: {  	p1 =	seq.s32 s10, $0x1;
	s10 =	sld [smem:$0x3FAD];
	_ =	sdelay $0x3  }
0x37: {  	[smem:$0x3FAD] =	sst s10  }
0x38: {  	s10 =	sld [smem:$0x3FAE]  }
0x39: {  	_ = 	snop;
	(pc) =	sbr.ind lr, $3  }
0x3a: {  	_ = 	snop  }
0x3b: {  	_ = 	snop  }
0x3c: {  	p2 =	seq.s32 s10, $0x1;
	s10 =	sld [smem:$0x3FAD]  }
0x3d: {  	_ =	shalt  }
0x3e: {  	_ =	shalt  }
0x3f: {  	_ =	shalt  }
0x40: {  	_ =	shalt  }
0x41: {  	_ =	shalt  }
0x42: {  	_ =	shalt  }
0x43: {  	_ =	shalt  }
0x44: {  	_ =	shalt  }
0x45: {  	_ =	shalt  }
0x46: {  	_ =	shalt  }
0x47: {  	_ =	shalt  }
0x48: {  	_ =	shalt  }
0x49: {  	_ =	shalt  }
0x4a: {  	_ =	shalt  }
0x4b: {  	_ =	shalt  }
0x4c: {  	_ =	shalt  }
0x4d: {  	_ =	shalt  }
0x4e: {  	_ =	shalt  }
0x4f: {  	_ =	shalt  }
0x50: {  	_ =	shalt  }
0x51: {  	_ =	shalt  }
0x52: {  	_ =	shalt  }
0x53: {  	_ =	shalt  }
0x54: {  	_ =	shalt  }
0x55: {  	_ =	shalt  }
0x56: {  	_ =	shalt  }
0x57: {  	_ =	shalt  }
0x58: {  	_ =	shalt  }
0x59: {  	_ =	shalt  }
0x5a: {  	_ =	shalt  }
0x5b: {  	_ =	shalt  }
0x5c: {  	_ =	shalt  }
0x5d: {  	_ =	shalt  }
0x5e: {  	_ =	shalt  }
0x5f: {  	_ =	shalt  }
0x60: {  	_ =	shalt  }
0x61: {  	_ =	shalt  }
0x62: {  	_ =	shalt  }
0x63: {  	_ =	shalt  }
0x64: {  	_ =	shalt  }
0x65: {  	_ =	shalt  }
0x66: {  	_ =	shalt  }
0x67: {  	_ =	shalt  }
0x68: {  	_ =	shalt  }
0x69: {  	_ =	shalt  }
0x6a: {  	_ =	shalt  }
0x6b: {  	_ =	shalt  }
0x6c: {  	_ =	shalt  }
0x6d: {  	_ =	shalt  }
0x6e: {  	_ =	shalt  }
0x6f: {  	_ =	shalt  }
0x70: {  	_ =	shalt  }
0x71: {  	_ =	shalt  }
0x72: {  	_ =	shalt  }
0x73: {  	_ =	shalt  }
0x74: {  	_ =	shalt  }
0x75: {  	_ =	shalt  }
0x76: {  	_ =	shalt  }
0x77: {  	_ =	shalt  }
0x78: {  	_ =	shalt  }
0x79: {  	_ =	shalt  }
0x7a: {  	_ =	shalt  }
0x7b: {  	_ =	shalt  }
0x7c: {  	_ =	shalt  }
0x7d: {  	_ =	shalt  }
0x7e: {  	_ =	shalt  }
0x7f: {  	_ =	shalt  }
0x80: {  	_ =	shalt  }
0x81: {  	_ =	shalt  }
0x82: {  	_ =	shalt  }
0x83: {  	_ =	shalt  }
0x84: {  	_ =	shalt  }
0x85: {  	_ =	shalt  }
0x86: {  	_ =	shalt  }
0x87: {  	_ =	shalt  }
.Lfunc_end0:
.L_simem_size_0:
called_computation.1_lowered:
.L_overlay_start_0:
0x88: {  	s2 =	sld [smem:$0x3FD9]  }
0x89: {  	s3 =	sld [smem:$0x3FFE];
	_ =	sdelay $0x1  }
0x8a: {  	s1 =	srdreg.scid  }
0x8b: {  	s0 =	sand.u32 $0x1, s1  }
0x8c: {  	s16 =	sshll.u32 s0, $0xA;
	s2 =	sadd.s32 s3, s2  }
0x8d: {  	s2 =	sadd.s32 s2, s16  }
0x8e: {  	[smem:$0x3FB9] =	sst s2  }
0x8f: {  	_ = 	snop  }
0x90: {  	(tm) =	ssettm $0x1  }
0x91: {  	s17 =	sld [smem:$0x3FFB];
	_ =	sdelay $0x3  }
0x92: {  	_ =	strace s17  }
0x93: {  	s2 =	sld [smem:$0x3FFC];
	_ =	sdelay $0x3  }
0x94: {  	_ =	strace s2  }
0x95: {  	s2 =	sld [smem:$0x3FFD];
	_ =	sdelay $0x3  }
0x96: {  	_ =	strace s2  }
0x97: {  	_ =	strace $0x8FFFFFFF  }
0x98: {  	s18 =	sld [smem:$0x3FDB];
	_ =	sdelay $0x1  }
0x99: {  	s19 =	simm.s32 $_scs_section_size  }
0x9a: {  	s4 =	simm.s32 $_size__tile_overlayer_lowered;
	s5 =	simm.s32 $_tile_overlayer_lowered  }
0x9b: {  	s22 =	simm.s32 $0x1BFF;
	s21 =	sshll.u32 s5, $0x1;
	s2 =	sadd.s32 s19, s18  }
0x9c: {  	s6 =	simm.s32 $0x0;
	s20 =	sshll.u32 s4, $0x1;
	s4 =	sadd.s32 s21, s2  }
0x9d: {  	[timem:s6], [sflag:s22] =	dma.local [hbm:s4], s20  }
0x9e: {  	_ =	swait.ge [sflag:s22], s20  }
0x9f: {  	s3 =	ssub.s32 $0x0, s20;
	[sflag:s22] =	ssyncset.done $0x0  }
0xa0: {  	[sflag:s22] =	ssyncadd.s32 s3;
	_ =	sdelay $0x1  }
0xa1: {  	s23 =	simm.s32 $0x1B8B  }
0xa2: {  	_ =	swait.ge [sflag:s23], $0x1  }
0xa3: {  	[sflag:s23] =	ssyncset.done $0x0  }
0xa4: {  	s25 =	simm.s32 $0x1B8E;
	s24 =	sld [smem:$0x3FFE];
	[sflag:s23] =	ssyncadd.s32 $0xFFFFFFFF  }
0xa5: {  	s26 =	simm.s32 $execute0_lowered;
	[smem:$0x3FD2] =	sst s25  }
0xa6: {  	s4 =	sshll.u32 s26, $0x1;
	_ =	strace $0x80000049;
	[dreg:$0x1] =	wrdreg $0xFFFFFFFF  }
0xa7: {  	s28 =	simm.s32 $_size_execute0_lowered;
	s2 =	sadd.s32 s2, s4;
	[dreg:$0x0] =	wrdreg $0x0  }
0xa8: {  	s4 =	sshll.u32 s28, $0x1;
	[dreg:$0x2] =	wrdreg s2  }
0xa9: {  	[dreg:$0x3] =	wrdreg s4  }
0xaa: {  	[dreg:$0x4] =	wrdreg $0xC0  }
0xab: {  	_ =	task [dreg:s6], $0x5FFFF  }
0xac: {  	[dreg:$0x1] =	wrdreg $0xFFFFFFFF  }
0xad: {  	[dreg:$0x0] =	wrdreg $0x60  }
0xae: {  	[dreg:$0x2] =	wrdreg s24  }
0xaf: {  	[dreg:$0x3] =	wrdreg $0x90000  }
0xb0: {  	[dreg:$0x4] =	wrdreg $0x9  }
0xb1: {  	_ =	task.clear_ibuf [dreg:s6], $0x5FFFF;
	_ =	strace $0x90000049  }
0xb2: {  	s29 =	simm.s32 $0x9;
	_ =	strace $0x8000004B  }
0xb3: {  	_ =	swait.ge [sflag:s29], $0x1  }
0xb4: {  	[sflag:s29] =	ssyncadd.s32 $0xFFFFFFFF  }
0xb5: {  	_ =	strace $0x9000004B  }
0xb6: {  	_ =	sfence  }
0xb7: {  	s30 =	sld [smem:$0x0];
	_ =	sdelay $0x2  }
0xb8: {  	s31 =	sshll.u32 s1, $0xD;
	s1 =	sshrl.u32 s1, $0x2  }
0xb9: {  	s3 =	sand.u32 $0x4000, s31;
	s1 =	sadd.s32 s1, s30  }
0xba: {  	s0 =	sor.u32 s3, s0;
	s1 =	sshll.u32 s1, $0x11  }
0xbb: {  	s0 =	sor.u32 s1, s0  }
0xbc: {  	s0 =	sadd.s32 $0x8F2B, s0  }
0xbd: {  	[sflag:s0] =	ssyncadd.remote.s32 $0x1  }
0xbe: {  	_ =	sfence.sel $0xFFFF  }
0xbf: {  	[dreg:$0x0] =	wrdreg $0xFFFFFFFF;
	(pc) =	sbr.abs _section_cstart, $3  }
0xc0: {  	[dreg:$0x1] =	wrdreg $0xFFFFFFFF  }
0xc1: {  	_ =	task.clear_ibuf [dreg:s6], $0x2FFFF;
	_ =	strace $0x9FFFFFFF  }
0xc2: {  	(tm) =	ssettm $0x7FFFFFFF  }
0xc3: {  	_ =	shalt  }
tec
execute0_lowered:
.L_overlay_start_1:
0x0: {  	(tag) =	ssettag $0x1  }
0x1: {  	s0 =	srdreg.scid;
	s6 =	rddreg [dreg:$0x0]  }
0x2: {  	s2 =	rddreg [dreg:$0x1];
	s5 =	sand.u32 $0x1, s0  }
0x3: {  	s0 =	stileid.u32;
	s4 =	smul.u32 $0x28000, s5  }
0x4: {  	s1 =	rddreg [dreg:$0x2];
	s3 =	simm.s32 $0x0;
	s7 =	smul.u32 $0x2800, s0  }
0x5: {  	s17 =	simm.s32 $0x5000;
	s18 =	simm.s32 $0x2;
	s8 =	smul.u32 $0x140000, s5  }
0x6: {  	s19 =	simm.s32 $0x2800;
	s20 =	simm.s32 $0x80;
	s28 =	smul.u32 $0x14000, s0  }
0x7: {  	[smem:$0x7FF] =	sst s3;
	s10 =	smul.u32 $0x50000, s0;
	s29 =	ssub.s32 $0x2, s5  }
0x8: {  	s21 =	simm.s32 $0x1;
	_ =	strace $0x8000004A;
	s31 =	sshrl.u32 s29, $0x1  }
0x9: {  	s4 =	sadd.s32 s7, s4;
	s7 =	sadd.s32 s28, s8;
	s30 =	sshrl.u32 s10, $0x2  }
0xa: {  	s16 =	ssub.s32 s29, s31;
	s9 =	sshrl.u32 s4, $0x3;
	s4 =	sadd.s32 $0x2AE00, s6  }
0xb: {  	s7 =	sshrl.u32 s7, $0x3;
	s5 =	sadd.s32 s30, s2;
	s16 =	smax.u32 s16, $0x1  }
0xc: {  	s14 =	sadd.s32 s9, s6;
	s15 =	sadd.s32 s7, s6;
	s6 =	sadd.s32 $0x4000, s5  }
0xd: {  	s7 =	sadd.s32 $0x8000, s5;
	s8 =	sadd.s32 $0xC000, s5;
	s9 =	sadd.s32 $0x10000, s5  }
0xe: {  	s10 =	sadd.s32 $0x16E00, s14;
	s11 =	sadd.s32 $0x2E00, s14;
	s12 =	sadd.s32 $0x52E00, s15  }
0xf: {  	v0 =	vimm.f32 $0.0e+00;
	s13 =	sadd.s32 $0x20E00, s14;
	s14 =	sadd.s32 $0xCE00, s14;
	s15 =	sadd.s32 $0xA2E00, s15  }
.LBB2_1:
0x10: {  	s22 =	simm.s32 $0x0;
	s23 =	simm.s32 $0x200  }
.LBB2_2:
0x11: {  	p0 =	sne.s32 s23, $0xFE00;
	[tilespmem:s22+$0x5070] =	vst v0  }
0x12: {  	[tilespmem:s22+$0x5000] =	vst v0  }
0x13: {  	[tilespmem:s22+$0x5010] =	vst v0  }
.Ltmp0:
0x14: {  	[tilespmem:s22+$0x5020] =	vst v0;
	(pc) =	sbr.rel @p0 .LBB2_2-.Ltmp0, $4  }
0x15: {  	[tilespmem:s22+$0x5030] =	vst v0  }
0x16: {  	[tilespmem:s22+$0x5040] =	vst v0  }
0x17: {  	[tilespmem:s22+$0x5050] =	vst v0  }
0x18: {  	[tilespmem:s22+$0x5060] =	vst v0;
	s22 =	sshra.s32 s23, $0x2;
	s23 =	sadd.s32 $0x200, s23  }
0x19: {  	[tilespmem:s22+$0x5070] =	vst v0  }
0x1a: {  	[tilespmem:s22+$0x5000] =	vst v0  }
0x1b: {  	[tilespmem:s22+$0x5010] =	vst v0  }
0x1c: {  	[tilespmem:s22+$0x5020] =	vst v0  }
0x1d: {  	[tilespmem:s22+$0x5030] =	vst v0  }
0x1e: {  	[tilespmem:s22+$0x5040] =	vst v0  }
0x1f: {  	[tilespmem:s22+$0x5050] =	vst v0  }
0x20: {  	[tilespmem:s22+$0x5060] =	vst v0  }
0x21: {  	[spmem:s5] =	stream.linear.scatter [tilespmem:s17], [sflag:$0x2], $0x4000, $0x38;
	[tilespmem:$0x1D000] =	vst v63  }
0x22: {  	_ =	swait.ge [sflag:s18], $0x4000  }
0x23: {  	[sflag:s18] =	ssyncset.done $0x0  }
0x24: {  	[sflag:s18] =	ssyncadd.s32 $0xFFFFC000  }
0x25: {  	[spmem:s6] =	stream.linear.scatter [tilespmem:s17], [sflag:$0x2], $0x4000, $0x38;
	[tilespmem:$0x1D000] =	vst v63  }
0x26: {  	_ =	swait.ge [sflag:s18], $0x4000  }
0x27: {  	[sflag:s18] =	ssyncset.done $0x0  }
0x28: {  	[sflag:s18] =	ssyncadd.s32 $0xFFFFC000  }
0x29: {  	[spmem:s7] =	stream.linear.scatter [tilespmem:s17], [sflag:$0x2], $0x4000, $0x38;
	[tilespmem:$0x1D000] =	vst v63  }
0x2a: {  	_ =	swait.ge [sflag:s18], $0x4000  }
0x2b: {  	[sflag:s18] =	ssyncset.done $0x0  }
0x2c: {  	[sflag:s18] =	ssyncadd.s32 $0xFFFFC000  }
0x2d: {  	[spmem:s8] =	stream.linear.scatter [tilespmem:s17], [sflag:$0x2], $0x4000, $0x38;
	[tilespmem:$0x1D000] =	vst v63  }
0x2e: {  	_ =	swait.ge [sflag:s18], $0x4000  }
0x2f: {  	[sflag:s18] =	ssyncset.done $0x0  }
0x30: {  	[sflag:s18] =	ssyncadd.s32 $0xFFFFC000  }
0x31: {  	[spmem:s9] =	stream.linear.scatter [tilespmem:s17], [sflag:$0x2], $0x4000, $0x38;
	[tilespmem:$0x1D000] =	vst v63  }
0x32: {  	_ =	swait.ge [sflag:s18], $0x4000  }
0x33: {  	[sflag:s18] =	ssyncset.done $0x0  }
0x34: {  	[sflag:s18] =	ssyncadd.s32 $0xFFFFC000  }
0x35: {  	s29 =	simm.s32 $0x0;
	[bflag:$0x0] =	sbarrier.arrive $0xFFFF  }
0x36: {  	[tilespmem:s29], [sflag:$0x2] =	stream.linear.gather [hbm4b:s10+s29], $0x2780, $0x38;
	[tilespmem:$0x1D000] =	vst v63  }
0x37: {  	_ =	swait.ge [sflag:s18], $0x2780  }
0x38: {  	[sflag:s18] =	ssyncset.done $0x0  }
0x39: {  	[sflag:s18] =	ssyncadd.s32 $0xFFFFD880  }
0x3a: {  	[tilespmem:s19], [sflag:$0x2] =	stream.linear.gather [hbm4b:s11+s29], $0x2780, $0x38;
	[tilespmem:$0x1D000] =	vst v63  }
0x3b: {  	_ =	swait.ge [sflag:s18], $0x2780  }
0x3c: {  	[sflag:s18] =	ssyncset.done $0x0  }
0x3d: {  	s30 =	simm.s32 $0x0;
	[sflag:s18] =	ssyncadd.s32 $0xFFFFD880  }
0x3e: {  	[tilespmem:s17], [sflag:$0x1] =	stream.indirect.gather [hbm4b:s4+s20], $0x80, s30, s20, $0xb8;
	[tilespmem:$0x1D000] =	vst v63  }
0x3f: {  	_ =	swait.ge [sflag:s21], $0x4000  }
0x40: {  	[sflag:s21] =	ssyncset.done $0x0  }
0x41: {  	s31 =	simm.s32 $0x2800;
	[sflag:s21] =	ssyncadd.s32 $0xFFFFC000  }
0x42: {  	[spmem:s2] =	stream.indirect.scatter.add.f32 [tilespmem:s17], [sflag:$0x2], $0x80, s31, s20, $0xb8;
	[tilespmem:$0x1D000] =	vst v63  }
0x43: {  	_ =	swait.ge [sflag:s18], $0x4000  }
0x44: {  	s22 =	simm.s32 $0x200;
	s23 =	simm.s32 $0x400;
	[sflag:s18] =	ssyncset.done $0x0  }
.LBB2_4:
0x45: {  	s24 =	sshra.s32 s22, $0x2  }
0x46: {  	[sflag:s18] =	ssyncadd.s32 $0xFFFFC000;
	s22 =	smov.u32 s23;
	s25 =	sadd.s32 $0x200, s23  }
0x47: {  	[tilespmem:s17], [sflag:$0x1] =	stream.indirect.gather [hbm4b:s4+s20], $0x80, s24, s20, $0xb8;
	[tilespmem:$0x1D000] =	vst v63  }
0x48: {  	p0 =	sne.s32 s23, $0x9C00;
	_ =	swait.ge [sflag:s21], $0x4000  }
.Ltmp1:
0x49: {  	[sflag:s21] =	ssyncset.done $0x0;
	(pc) =	sbr.rel @p0 .LBB2_4-.Ltmp1, $4  }
0x4a: {  	s23 =	sadd.s32 $0x2800, s24;
	[sflag:s21] =	ssyncadd.s32 $0xFFFFC000  }
0x4b: {  	[spmem:s2] =	stream.indirect.scatter.add.f32 [tilespmem:s17], [sflag:$0x2], $0x80, s23, s20, $0xb8;
	[tilespmem:$0x1D000] =	vst v63  }
0x4c: {  	_ =	swait.ge [sflag:s18], $0x4000  }
0x4d: {  	s23 =	smov.u32 s25;
	[sflag:s18] =	ssyncset.done $0x0  }
0x4e: {  	s22 =	sshra.s32 s22, $0x2;
	[sflag:s18] =	ssyncadd.s32 $0xFFFFC000  }
0x4f: {  	[tilespmem:s17], [sflag:$0x1] =	stream.indirect.gather [hbm4b:s4+s20], $0x80, s22, s20, $0xb8;
	[tilespmem:$0x1D000] =	vst v63  }
0x50: {  	_ =	swait.ge [sflag:s21], $0x4000  }
0x51: {  	[sflag:s21] =	ssyncset.done $0x0  }
0x52: {  	s22 =	sadd.s32 $0x2800, s22;
	[sflag:s21] =	ssyncadd.s32 $0xFFFFC000  }
0x53: {  	[spmem:s2] =	stream.indirect.scatter.add.f32 [tilespmem:s17], [sflag:$0x2], $0x80, s22, s20, $0xb8;
	[tilespmem:$0x1D000] =	vst v63  }
0x54: {  	_ =	swait.ge [sflag:s18], $0x4000  }
0x55: {  	[sflag:s18] =	ssyncset.done $0x0  }
0x56: {  	s29 =	sshll.u32 s0, $0x6;
	[sflag:s18] =	ssyncadd.s32 $0xFFFFC000  }
0x57: {  	s23 =	sshrl.u32 s5, $0x3;
	s22 =	sor.u32 $0x1C02, s29;
	[bflag:$0x0] =	sbarrier.arrive $0xFFFF  }
0x58: {  	[hbm:s12], [sflag:s22] =	dma.local [spmem:s23], $0x2800  }
0x59: {  	_ =	swait.ge [sflag:s18], $0x2800  }
0x5a: {  	[sflag:s18] =	ssyncset.done $0x0  }
0x5b: {  	[sflag:s18] =	ssyncadd.s32 $0xFFFFD800  }
0x5c: {  	s24 =	simm.s32 $0x0;
	[bflag:$0x0] =	sbarrier.arrive $0xFFFF  }
0x5d: {  	[tilespmem:s24], [sflag:$0x2] =	stream.linear.gather [hbm4b:s13+s24], $0x2780, $0x38;
	[tilespmem:$0x1D000] =	vst v63  }
0x5e: {  	_ =	swait.ge [sflag:s18], $0x2780  }
0x5f: {  	[sflag:s18] =	ssyncset.done $0x0  }
0x60: {  	[sflag:s18] =	ssyncadd.s32 $0xFFFFD880  }
0x61: {  	[tilespmem:s19], [sflag:$0x2] =	stream.linear.gather [hbm4b:s14+s24], $0x2780, $0x38;
	[tilespmem:$0x1D000] =	vst v63  }
0x62: {  	_ =	swait.ge [sflag:s18], $0x2780  }
0x63: {  	[sflag:s18] =	ssyncset.done $0x0  }
0x64: {  	s30 =	simm.s32 $0x0;
	[sflag:s18] =	ssyncadd.s32 $0xFFFFD880  }
0x65: {  	[tilespmem:s17], [sflag:$0x1] =	stream.indirect.gather [hbm4b:s4+s20], $0x80, s30, s20, $0xb8;
	[tilespmem:$0x1D000] =	vst v63  }
0x66: {  	_ =	swait.ge [sflag:s21], $0x4000  }
0x67: {  	[sflag:s21] =	ssyncset.done $0x0  }
0x68: {  	s31 =	simm.s32 $0x2800;
	[sflag:s21] =	ssyncadd.s32 $0xFFFFC000  }
0x69: {  	[spmem:s2] =	stream.indirect.scatter.add.f32 [tilespmem:s17], [sflag:$0x2], $0x80, s31, s20, $0xb8;
	[tilespmem:$0x1D000] =	vst v63  }
0x6a: {  	_ =	swait.ge [sflag:s18], $0x4000  }
0x6b: {  	s25 =	simm.s32 $0x400;
	s24 =	simm.s32 $0x200;
	[sflag:s18] =	ssyncset.done $0x0  }
.LBB2_6:
0x6c: {  	s26 =	sshra.s32 s24, $0x2  }
0x6d: {  	[sflag:s18] =	ssyncadd.s32 $0xFFFFC000;
	s24 =	smov.u32 s25;
	s28 =	sadd.s32 $0x200, s25  }
0x6e: {  	[tilespmem:s17], [sflag:$0x1] =	stream.indirect.gather [hbm4b:s4+s20], $0x80, s26, s20, $0xb8;
	[tilespmem:$0x1D000] =	vst v63  }
0x6f: {  	p0 =	sne.s32 s25, $0x9C00;
	_ =	swait.ge [sflag:s21], $0x4000  }
.Ltmp2:
0x70: {  	[sflag:s21] =	ssyncset.done $0x0;
	(pc) =	sbr.rel @p0 .LBB2_6-.Ltmp2, $4  }
0x71: {  	s25 =	sadd.s32 $0x2800, s26;
	[sflag:s21] =	ssyncadd.s32 $0xFFFFC000  }
0x72: {  	[spmem:s2] =	stream.indirect.scatter.add.f32 [tilespmem:s17], [sflag:$0x2], $0x80, s25, s20, $0xb8;
	[tilespmem:$0x1D000] =	vst v63  }
0x73: {  	_ =	swait.ge [sflag:s18], $0x4000  }
0x74: {  	s25 =	smov.u32 s28;
	[sflag:s18] =	ssyncset.done $0x0  }
0x75: {  	s24 =	sshra.s32 s24, $0x2;
	[sflag:s18] =	ssyncadd.s32 $0xFFFFC000  }
0x76: {  	[tilespmem:s17], [sflag:$0x1] =	stream.indirect.gather [hbm4b:s4+s20], $0x80, s24, s20, $0xb8;
	[tilespmem:$0x1D000] =	vst v63  }
0x77: {  	_ =	swait.ge [sflag:s21], $0x4000  }
0x78: {  	[sflag:s21] =	ssyncset.done $0x0  }
0x79: {  	s24 =	sadd.s32 $0x2800, s24;
	[sflag:s21] =	ssyncadd.s32 $0xFFFFC000  }
0x7a: {  	[spmem:s2] =	stream.indirect.scatter.add.f32 [tilespmem:s17], [sflag:$0x2], $0x80, s24, s20, $0xb8;
	[tilespmem:$0x1D000] =	vst v63  }
0x7b: {  	_ =	swait.ge [sflag:s18], $0x4000  }
0x7c: {  	[sflag:s18] =	ssyncset.done $0x0  }
0x7d: {  	s3 =	sadd.s32 $0x1, s3;
	[sflag:s18] =	ssyncadd.s32 $0xFFFFC000  }
0x7e: {  	p0 =	sne.s32 s3, s16;
	[bflag:$0x0] =	sbarrier.arrive $0xFFFF  }
0x7f: {  	[hbm:s15], [sflag:s22] =	dma.local [spmem:s23], $0x2800  }
.Ltmp3:
0x80: {  	_ =	swait.ge [sflag:s18], $0x2800;
	(pc) =	sbr.rel @p0 .LBB2_1-.Ltmp3, $3  }
0x81: {  	[sflag:s18] =	ssyncset.done $0x0  }
0x82: {  	[sflag:s18] =	ssyncadd.s32 $0xFFFFD800  }
0x83: {  	[bflag:$0x0] =	sbarrier.arrive $0xFFFF;
	_ =	sdelay $0x1  }
0x84: {  	_ =	sfence.sel $0x180000  }
0x85: {  	[bflag:$0x0] =	sbarrier.arrive $0xFFFF  }
0x86: {  	p0 =	sne.s32 s0, $0x0;
	_ =	strace $0x9000004A  }
0x87: {  	s0 =	sadd.s32 @!p0 $0x100000, s1;
	[bflag:$0x2] =	sbarrier.arrive $0xFFFF  }
0x88: {  	[sflag:s0] =	ssyncadd.tile.s32 @!p0 $0x1;
	_ =	shalt  }
.Lfunc_end2:
_tile_overlayer_lowered:
.L_overlay_start_2:
0x89: {  	(tag) =	ssettag $0x2  }
0x8a: {  	s0 =	rddreg [dreg:$0x0];
	s2 =	stileid.u32  }
0x8b: {  	s1 =	rddreg [dreg:$0x1];
	p0 =	sne.s32 s2, $0x0  }
0x8c: {  	s3 =	rddreg [dreg:$0x2];
	[bflag:$0x3] =	sbarrier.arrive $0xFFFF;
	s2 =	simm.s32 @!p0 $0x1C02  }
0x8d: {  	[timem:s3], [sflag:s2] =	dma.local @!p0 [hbm:s0], s1  }
0x8e: {  	s0 =	simm.s32 @!p0 $0x2  }
0x8f: {  	_ =	swait.ge @!p0 [sflag:s0], s1  }
0x90: {  	s1 =	ssub.s32 @!p0 $0x0, s1;
	[sflag:s0] =	ssyncset.done @!p0 $0x0  }
0x91: {  	[sflag:s0] =	ssyncadd.s32 @!p0 s1  }
0x92: {  	[bflag:$0x3] =	sbarrier.arrive $0xFFFF  }
0x93: {  	_ =	shalt  }

// kernel: kernel.15.cloned.1.call-start
scs
__scs_entry_jumppad:
0x0: {  	(pc) =	sbr.rel $0x88, $3  }
0x1: {  	(tag) =	ssettag $0x0;
	lr =	simm.s32 $0x1  }
0x2: {  	[smem:$0x3F92] =	sst lr;
	_ =	strace $0xD0000000  }
0x3: {  	_ = 	snop  }
0x4: {  	_ = 	snop  }
0x5: {  	_ = 	snop  }
0x6: {  	_ = 	snop  }
0x7: {  	_ = 	snop  }
__scs_overlays_trampoline_lowered:
0x8: {  	[smem:$0x3FA1] =	sst s0  }
0x9: {  	[smem:$0x3FA2] =	sst s1  }
0xa: {  	[smem:$0x3FA3] =	sst s2  }
0xb: {  	[smem:$0x3FA4] =	sst s3  }
0xc: {  	[smem:$0x3FA5] =	sst s4  }
0xd: {  	[smem:$0x3FA6] =	sst s5  }
0xe: {  	[smem:$0x3FA7] =	sst s6  }
0xf: {  	[smem:$0x3FA8] =	sst s7  }
0x10: {  	[smem:$0x3FA9] =	sst s8  }
0x11: {  	[smem:$0x3FAA] =	sst s9;
	s0 =	simm.s32 @!p0 $0x0  }
0x12: {  	s1 =	sld [smem:$0x3F90];
	s0 =	simm.s32 @p0 $0x1  }
0x13: {  	[smem:$0x3FAB] =	sst s0;
	s0 =	simm.s32 @!p1 $0x0  }
0x14: {  	s2 =	sld [smem:$0x3F8F];
	s0 =	simm.s32 @p1 $0x1  }
0x15: {  	[smem:$0x3FAC] =	sst s0;
	s0 =	simm.s32 @!p2 $0x0  }
0x16: {  	s3 =	sld [smem:$0x3FDB];
	s0 =	simm.s32 @p2 $0x1  }
0x17: {  	s4 =	simm.s32 $0x1BF5;
	[smem:$0x3FAE] =	sst s0  }
0x18: {  	s0 =	sld [smem:$0x3F91];
	_ =	swait.ge [sflag:s4], $0x0  }
0x19: {  	s7 =	sld [smem:$0x3F92]  }
0x1a: {  	s8 =	sadd.s32 $0xFFFFE003, lr  }
0x1b: {  	s9 =	sadd.s32 $0xFFFFFEF7, lr;
	s5 =	simm.s32 $0xFFFFFFFF;
	p2 =	slt.u32 s8, $0xFFFFF086  }
0x1c: {  	p1 =	slt.u32 s9, $0xF7A;
	s5 =	simm.s32 @!p2 $0x0  }
0x1d: {  	s5 =	simm.s32 @p1 $0x1;
	p0 =	seq.s32 s7, s2  }
0x1e: {  	s7 =	smul.u32 @!p0 $0xF7A, s2;
	p2 =	seq.s32 @!p0 s5, $0x0  }
0x1f: {  	s9 =	smul.u32 $0xF7A, s1;
	s8 =	simm.s32 @!p0 $0x1BF5;
	p2 =	por !p2, p0  }
0x20: {  	[sflag:s8] =	ssyncset.s32 @!p0 $0xFFFFF086;
	s6 =	sadd.s32 @!p0 s3, s7;
	s7 =	simm.s32 @!p0 $0x108  }
0x21: {  	s3 =	sadd.s32 s3, s9;
	s6 =	sadd.s32 @!p0 $0x88, s6;
	s7 =	simm.s32 @p2 $0x1082  }
0x22: {  	[simem:s7], [sflag:s8] =	dma.local @!p0 [hbm:s6], $0xF7A  }
0x23: {  	s9 =	sor.u32 $0xD0000000, s2;
	s6 =	simm.s32 $0x108;
	_ =	swait.ge @!p0 [sflag:s8], $0x0  }
0x24: {  	s3 =	sadd.s32 $0x88, s3;
	s6 =	simm.s32 @!p1 $0x1082;
	[sflag:s4] =	ssyncset.s32 $0xFFFFF086  }
0x25: {  	[simem:s6], [sflag:s4] =	dma.local [hbm:s3], $0xF7A  }
0x26: {  	[smem:$0x3F92] =	sst s1;
	(tag) =	ssettag s2;
	_ =	strace s9  }
0x27: {  	s1 =	sld [smem:$0x3FA2]  }
0x28: {  	s2 =	sld [smem:$0x3FA3]  }
0x29: {  	s4 =	sld [smem:$0x3FA5]  }
0x2a: {  	p0 =	seq.s32 s5, $0x0;
	s5 =	sld [smem:$0x3FA6]  }
0x2b: {  	s6 =	sld [smem:$0x3FA7]  }
0x2c: {  	s7 =	sld [smem:$0x3FA8]  }
0x2d: {  	s3 =	simm.s32 $0x108;
	s8 =	sld [smem:$0x3FA9]  }
0x2e: {  	s3 =	simm.s32 @!p0 $0x1082;
	s9 =	sld [smem:$0x3FAA]  }
0x2f: {  	lr =	sadd.s32 s0, s3;
	s0 =	sld [smem:$0x3FA1]  }
0x30: {  	s3 =	sld [smem:$0x3FA4]  }
0x31: {  	[smem:$0x3FAD] =	sst s10  }
0x32: {  	s10 =	sld [smem:$0x3FAB];
	_ =	sdelay $0x3  }
0x33: {  	p0 =	seq.s32 s10, $0x1;
	s10 =	sld [smem:$0x3FAD];
	_ =	sdelay $0x3  }
0x34: {  	[smem:$0x3FAD] =	sst s10  }
0x35: {  	s10 =	sld [smem:$0x3FAC];
	_ =	sdelay $0x3  }
0x36: {  	p1 =	seq.s32 s10, $0x1;
	s10 =	sld [smem:$0x3FAD];
	_ =	sdelay $0x3  }
0x37: {  	[smem:$0x3FAD] =	sst s10  }
0x38: {  	s10 =	sld [smem:$0x3FAE]  }
0x39: {  	_ = 	snop;
	(pc) =	sbr.ind lr, $3  }
0x3a: {  	_ = 	snop  }
0x3b: {  	_ = 	snop  }
0x3c: {  	p2 =	seq.s32 s10, $0x1;
	s10 =	sld [smem:$0x3FAD]  }
0x3d: {  	_ =	shalt  }
0x3e: {  	_ =	shalt  }
0x3f: {  	_ =	shalt  }
0x40: {  	_ =	shalt  }
0x41: {  	_ =	shalt  }
0x42: {  	_ =	shalt  }
0x43: {  	_ =	shalt  }
0x44: {  	_ =	shalt  }
0x45: {  	_ =	shalt  }
0x46: {  	_ =	shalt  }
0x47: {  	_ =	shalt  }
0x48: {  	_ =	shalt  }
0x49: {  	_ =	shalt  }
0x4a: {  	_ =	shalt  }
0x4b: {  	_ =	shalt  }
0x4c: {  	_ =	shalt  }
0x4d: {  	_ =	shalt  }
0x4e: {  	_ =	shalt  }
0x4f: {  	_ =	shalt  }
0x50: {  	_ =	shalt  }
0x51: {  	_ =	shalt  }
0x52: {  	_ =	shalt  }
0x53: {  	_ =	shalt  }
0x54: {  	_ =	shalt  }
0x55: {  	_ =	shalt  }
0x56: {  	_ =	shalt  }
0x57: {  	_ =	shalt  }
0x58: {  	_ =	shalt  }
0x59: {  	_ =	shalt  }
0x5a: {  	_ =	shalt  }
0x5b: {  	_ =	shalt  }
0x5c: {  	_ =	shalt  }
0x5d: {  	_ =	shalt  }
0x5e: {  	_ =	shalt  }
0x5f: {  	_ =	shalt  }
0x60: {  	_ =	shalt  }
0x61: {  	_ =	shalt  }
0x62: {  	_ =	shalt  }
0x63: {  	_ =	shalt  }
0x64: {  	_ =	shalt  }
0x65: {  	_ =	shalt  }
0x66: {  	_ =	shalt  }
0x67: {  	_ =	shalt  }
0x68: {  	_ =	shalt  }
0x69: {  	_ =	shalt  }
0x6a: {  	_ =	shalt  }
0x6b: {  	_ =	shalt  }
0x6c: {  	_ =	shalt  }
0x6d: {  	_ =	shalt  }
0x6e: {  	_ =	shalt  }
0x6f: {  	_ =	shalt  }
0x70: {  	_ =	shalt  }
0x71: {  	_ =	shalt  }
0x72: {  	_ =	shalt  }
0x73: {  	_ =	shalt  }
0x74: {  	_ =	shalt  }
0x75: {  	_ =	shalt  }
0x76: {  	_ =	shalt  }
0x77: {  	_ =	shalt  }
0x78: {  	_ =	shalt  }
0x79: {  	_ =	shalt  }
0x7a: {  	_ =	shalt  }
0x7b: {  	_ =	shalt  }
0x7c: {  	_ =	shalt  }
0x7d: {  	_ =	shalt  }
0x7e: {  	_ =	shalt  }
0x7f: {  	_ =	shalt  }
0x80: {  	_ =	shalt  }
0x81: {  	_ =	shalt  }
0x82: {  	_ =	shalt  }
0x83: {  	_ =	shalt  }
0x84: {  	_ =	shalt  }
0x85: {  	_ =	shalt  }
0x86: {  	_ =	shalt  }
0x87: {  	_ =	shalt  }
.Lfunc_end0:
.L_simem_size_0:
called_computation.2_lowered:
.L_overlay_start_0:
0x88: {  	s2 =	sld [smem:$0x3FD9]  }
0x89: {  	s3 =	sld [smem:$0x3FFE];
	_ =	sdelay $0x1  }
0x8a: {  	s1 =	srdreg.scid  }
0x8b: {  	s0 =	sand.u32 $0x1, s1  }
0x8c: {  	s16 =	sshll.u32 s0, $0xA;
	s2 =	sadd.s32 s3, s2  }
0x8d: {  	s2 =	sadd.s32 s2, s16  }
0x8e: {  	[smem:$0x3FB9] =	sst s2  }
0x8f: {  	_ = 	snop  }
0x90: {  	(tm) =	ssettm $0x1  }
0x91: {  	s17 =	sld [smem:$0x3FFB];
	_ =	sdelay $0x3  }
0x92: {  	_ =	strace s17  }
0x93: {  	s2 =	sld [smem:$0x3FFC];
	_ =	sdelay $0x3  }
0x94: {  	_ =	strace s2  }
0x95: {  	s2 =	sld [smem:$0x3FFD];
	_ =	sdelay $0x3  }
0x96: {  	_ =	strace s2  }
0x97: {  	_ =	strace $0x8FFFFFFF  }
0x98: {  	s18 =	sld [smem:$0x3FDB];
	_ =	sdelay $0x1  }
0x99: {  	s19 =	simm.s32 $_scs_section_size  }
0x9a: {  	s4 =	simm.s32 $_size__tile_overlayer_lowered;
	s5 =	simm.s32 $_tile_overlayer_lowered  }
0x9b: {  	s22 =	simm.s32 $0x1BFF;
	s21 =	sshll.u32 s5, $0x1;
	s2 =	sadd.s32 s19, s18  }
0x9c: {  	s6 =	simm.s32 $0x0;
	s20 =	sshll.u32 s4, $0x1;
	s4 =	sadd.s32 s21, s2  }
0x9d: {  	[timem:s6], [sflag:s22] =	dma.local [hbm:s4], s20  }
0x9e: {  	_ =	swait.ge [sflag:s22], s20  }
0x9f: {  	s3 =	ssub.s32 $0x0, s20;
	[sflag:s22] =	ssyncset.done $0x0  }
0xa0: {  	[sflag:s22] =	ssyncadd.s32 s3;
	_ =	sdelay $0x1  }
0xa1: {  	s23 =	simm.s32 $0x1B8B  }
0xa2: {  	_ =	swait.ge [sflag:s23], $0x1  }
0xa3: {  	[sflag:s23] =	ssyncset.done $0x0  }
0xa4: {  	s25 =	simm.s32 $0x1B8E;
	s24 =	sld [smem:$0x3FFE];
	[sflag:s23] =	ssyncadd.s32 $0xFFFFFFFF  }
0xa5: {  	s26 =	simm.s32 $execute0_lowered;
	[smem:$0x3FD2] =	sst s25  }
0xa6: {  	s4 =	sshll.u32 s26, $0x1;
	_ =	strace $0x8000004C;
	[dreg:$0x1] =	wrdreg $0xFFFFFFFF  }
0xa7: {  	s28 =	simm.s32 $_size_execute0_lowered;
	s2 =	sadd.s32 s2, s4;
	[dreg:$0x0] =	wrdreg $0x0  }
0xa8: {  	s4 =	sshll.u32 s28, $0x1;
	[dreg:$0x2] =	wrdreg s2  }
0xa9: {  	[dreg:$0x3] =	wrdreg s4  }
0xaa: {  	[dreg:$0x4] =	wrdreg $0xC0  }
0xab: {  	_ =	task [dreg:s6], $0x5FFFF  }
0xac: {  	[dreg:$0x1] =	wrdreg $0xFFFFFFFF  }
0xad: {  	[dreg:$0x0] =	wrdreg $0x60  }
0xae: {  	[dreg:$0x2] =	wrdreg s24  }
0xaf: {  	[dreg:$0x3] =	wrdreg $0x90000  }
0xb0: {  	[dreg:$0x4] =	wrdreg $0x9  }
0xb1: {  	_ =	task.clear_ibuf [dreg:s6], $0x5FFFF;
	_ =	strace $0x9000004C  }
0xb2: {  	s29 =	simm.s32 $0x9;
	_ =	strace $0x8000004E  }
0xb3: {  	_ =	swait.ge [sflag:s29], $0x1  }
0xb4: {  	[sflag:s29] =	ssyncadd.s32 $0xFFFFFFFF  }
0xb5: {  	_ =	strace $0x9000004E  }
0xb6: {  	_ =	sfence  }
0xb7: {  	s30 =	sld [smem:$0x0];
	_ =	sdelay $0x2  }
0xb8: {  	s31 =	sshll.u32 s1, $0xD;
	s1 =	sshrl.u32 s1, $0x2  }
0xb9: {  	s3 =	sand.u32 $0x4000, s31;
	s1 =	sadd.s32 s1, s30  }
0xba: {  	s0 =	sor.u32 s3, s0;
	s1 =	sshll.u32 s1, $0x11  }
0xbb: {  	s0 =	sor.u32 s1, s0  }
0xbc: {  	s0 =	sadd.s32 $0x8F2B, s0  }
0xbd: {  	[sflag:s0] =	ssyncadd.remote.s32 $0x1  }
0xbe: {  	_ =	sfence.sel $0xFFFF  }
0xbf: {  	[dreg:$0x0] =	wrdreg $0xFFFFFFFF;
	(pc) =	sbr.abs _section_cstart, $3  }
0xc0: {  	[dreg:$0x1] =	wrdreg $0xFFFFFFFF  }
0xc1: {  	_ =	task.clear_ibuf [dreg:s6], $0x2FFFF;
	_ =	strace $0x9FFFFFFF  }
0xc2: {  	(tm) =	ssettm $0x7FFFFFFF  }
0xc3: {  	_ =	shalt  }
tec
execute0_lowered:
.L_overlay_start_1:
0x0: {  	(tag) =	ssettag $0x1  }
0x1: {  	s0 =	srdreg.scid;
	s6 =	rddreg [dreg:$0x0]  }
0x2: {  	s2 =	rddreg [dreg:$0x1];
	s5 =	sand.u32 $0x1, s0  }
0x3: {  	s0 =	stileid.u32;
	s4 =	smul.u32 $0x28000, s5  }
0x4: {  	s1 =	rddreg [dreg:$0x2];
	s3 =	simm.s32 $0x0;
	s7 =	smul.u32 $0x2800, s0  }
0x5: {  	s17 =	simm.s32 $0x5000;
	s18 =	simm.s32 $0x2;
	s8 =	smul.u32 $0x140000, s5  }
0x6: {  	s19 =	simm.s32 $0x2800;
	s20 =	simm.s32 $0x80;
	s28 =	smul.u32 $0x14000, s0  }
0x7: {  	[smem:$0x7FF] =	sst s3;
	s10 =	smul.u32 $0x50000, s0;
	s29 =	ssub.s32 $0x2, s5  }
0x8: {  	s21 =	simm.s32 $0x1;
	_ =	strace $0x8000004D;
	s31 =	sshrl.u32 s29, $0x1  }
0x9: {  	s4 =	sadd.s32 s7, s4;
	s7 =	sadd.s32 s28, s8;
	s30 =	sshrl.u32 s10, $0x2  }
0xa: {  	s16 =	ssub.s32 s29, s31;
	s9 =	sshrl.u32 s4, $0x3;
	s4 =	sadd.s32 $0x2AE00, s6  }
0xb: {  	s7 =	sshrl.u32 s7, $0x3;
	s5 =	sadd.s32 s30, s2;
	s16 =	smax.u32 s16, $0x1  }
0xc: {  	s14 =	sadd.s32 s9, s6;
	s15 =	sadd.s32 s7, s6;
	s6 =	sadd.s32 $0x4000, s5  }
0xd: {  	s7 =	sadd.s32 $0x8000, s5;
	s8 =	sadd.s32 $0xC000, s5;
	s9 =	sadd.s32 $0x10000, s5  }
0xe: {  	s10 =	sadd.s32 $0x16E00, s14;
	s11 =	sadd.s32 $0x2E00, s14;
	s12 =	sadd.s32 $0x52E00, s15  }
0xf: {  	v0 =	vimm.f32 $0.0e+00;
	s13 =	sadd.s32 $0x20E00, s14;
	s14 =	sadd.s32 $0xCE00, s14;
	s15 =	sadd.s32 $0xA2E00, s15  }
.LBB2_1:
0x10: {  	s22 =	simm.s32 $0x0;
	s23 =	simm.s32 $0x200  }
.LBB2_2:
0x11: {  	p0 =	sne.s32 s23, $0xFE00;
	[tilespmem:s22+$0x5070] =	vst v0  }
0x12: {  	[tilespmem:s22+$0x5000] =	vst v0  }
0x13: {  	[tilespmem:s22+$0x5010] =	vst v0  }
.Ltmp0:
0x14: {  	[tilespmem:s22+$0x5020] =	vst v0;
	(pc) =	sbr.rel @p0 .LBB2_2-.Ltmp0, $4  }
0x15: {  	[tilespmem:s22+$0x5030] =	vst v0  }
0x16: {  	[tilespmem:s22+$0x5040] =	vst v0  }
0x17: {  	[tilespmem:s22+$0x5050] =	vst v0  }
0x18: {  	[tilespmem:s22+$0x5060] =	vst v0;
	s22 =	sshra.s32 s23, $0x2;
	s23 =	sadd.s32 $0x200, s23  }
0x19: {  	[tilespmem:s22+$0x5070] =	vst v0  }
0x1a: {  	[tilespmem:s22+$0x5000] =	vst v0  }
0x1b: {  	[tilespmem:s22+$0x5010] =	vst v0  }
0x1c: {  	[tilespmem:s22+$0x5020] =	vst v0  }
0x1d: {  	[tilespmem:s22+$0x5030] =	vst v0  }
0x1e: {  	[tilespmem:s22+$0x5040] =	vst v0  }
0x1f: {  	[tilespmem:s22+$0x5050] =	vst v0  }
0x20: {  	[tilespmem:s22+$0x5060] =	vst v0  }
0x21: {  	[spmem:s5] =	stream.linear.scatter [tilespmem:s17], [sflag:$0x2], $0x4000, $0x38;
	[tilespmem:$0x1D000] =	vst v63  }
0x22: {  	_ =	swait.ge [sflag:s18], $0x4000  }
0x23: {  	[sflag:s18] =	ssyncset.done $0x0  }
0x24: {  	[sflag:s18] =	ssyncadd.s32 $0xFFFFC000  }
0x25: {  	[spmem:s6] =	stream.linear.scatter [tilespmem:s17], [sflag:$0x2], $0x4000, $0x38;
	[tilespmem:$0x1D000] =	vst v63  }
0x26: {  	_ =	swait.ge [sflag:s18], $0x4000  }
0x27: {  	[sflag:s18] =	ssyncset.done $0x0  }
0x28: {  	[sflag:s18] =	ssyncadd.s32 $0xFFFFC000  }
0x29: {  	[spmem:s7] =	stream.linear.scatter [tilespmem:s17], [sflag:$0x2], $0x4000, $0x38;
	[tilespmem:$0x1D000] =	vst v63  }
0x2a: {  	_ =	swait.ge [sflag:s18], $0x4000  }
0x2b: {  	[sflag:s18] =	ssyncset.done $0x0  }
0x2c: {  	[sflag:s18] =	ssyncadd.s32 $0xFFFFC000  }
0x2d: {  	[spmem:s8] =	stream.linear.scatter [tilespmem:s17], [sflag:$0x2], $0x4000, $0x38;
	[tilespmem:$0x1D000] =	vst v63  }
0x2e: {  	_ =	swait.ge [sflag:s18], $0x4000  }
0x2f: {  	[sflag:s18] =	ssyncset.done $0x0  }
0x30: {  	[sflag:s18] =	ssyncadd.s32 $0xFFFFC000  }
0x31: {  	[spmem:s9] =	stream.linear.scatter [tilespmem:s17], [sflag:$0x2], $0x4000, $0x38;
	[tilespmem:$0x1D000] =	vst v63  }
0x32: {  	_ =	swait.ge [sflag:s18], $0x4000  }
0x33: {  	[sflag:s18] =	ssyncset.done $0x0  }
0x34: {  	[sflag:s18] =	ssyncadd.s32 $0xFFFFC000  }
0x35: {  	s29 =	simm.s32 $0x0;
	[bflag:$0x0] =	sbarrier.arrive $0xFFFF  }
0x36: {  	[tilespmem:s29], [sflag:$0x2] =	stream.linear.gather [hbm4b:s10+s29], $0x2780, $0x38;
	[tilespmem:$0x1D000] =	vst v63  }
0x37: {  	_ =	swait.ge [sflag:s18], $0x2780  }
0x38: {  	[sflag:s18] =	ssyncset.done $0x0  }
0x39: {  	[sflag:s18] =	ssyncadd.s32 $0xFFFFD880  }
0x3a: {  	[tilespmem:s19], [sflag:$0x2] =	stream.linear.gather [hbm4b:s11+s29], $0x2780, $0x38;
	[tilespmem:$0x1D000] =	vst v63  }
0x3b: {  	_ =	swait.ge [sflag:s18], $0x2780  }
0x3c: {  	[sflag:s18] =	ssyncset.done $0x0  }
0x3d: {  	s30 =	simm.s32 $0x0;
	[sflag:s18] =	ssyncadd.s32 $0xFFFFD880  }
0x3e: {  	[tilespmem:s17], [sflag:$0x1] =	stream.indirect.gather [hbm4b:s4+s20], $0x80, s30, s20, $0xb8;
	[tilespmem:$0x1D000] =	vst v63  }
0x3f: {  	_ =	swait.ge [sflag:s21], $0x4000  }
0x40: {  	[sflag:s21] =	ssyncset.done $0x0  }
0x41: {  	s31 =	simm.s32 $0x2800;
	[sflag:s21] =	ssyncadd.s32 $0xFFFFC000  }
0x42: {  	[spmem:s2] =	stream.indirect.scatter.add.f32 [tilespmem:s17], [sflag:$0x2], $0x80, s31, s20, $0xb8;
	[tilespmem:$0x1D000] =	vst v63  }
0x43: {  	_ =	swait.ge [sflag:s18], $0x4000  }
0x44: {  	s22 =	simm.s32 $0x200;
	s23 =	simm.s32 $0x400;
	[sflag:s18] =	ssyncset.done $0x0  }
.LBB2_4:
0x45: {  	s24 =	sshra.s32 s22, $0x2  }
0x46: {  	[sflag:s18] =	ssyncadd.s32 $0xFFFFC000;
	s22 =	smov.u32 s23;
	s25 =	sadd.s32 $0x200, s23  }
0x47: {  	[tilespmem:s17], [sflag:$0x1] =	stream.indirect.gather [hbm4b:s4+s20], $0x80, s24, s20, $0xb8;
	[tilespmem:$0x1D000] =	vst v63  }
0x48: {  	p0 =	sne.s32 s23, $0x9C00;
	_ =	swait.ge [sflag:s21], $0x4000  }
.Ltmp1:
0x49: {  	[sflag:s21] =	ssyncset.done $0x0;
	(pc) =	sbr.rel @p0 .LBB2_4-.Ltmp1, $4  }
0x4a: {  	s23 =	sadd.s32 $0x2800, s24;
	[sflag:s21] =	ssyncadd.s32 $0xFFFFC000  }
0x4b: {  	[spmem:s2] =	stream.indirect.scatter.add.f32 [tilespmem:s17], [sflag:$0x2], $0x80, s23, s20, $0xb8;
	[tilespmem:$0x1D000] =	vst v63  }
0x4c: {  	_ =	swait.ge [sflag:s18], $0x4000  }
0x4d: {  	s23 =	smov.u32 s25;
	[sflag:s18] =	ssyncset.done $0x0  }
0x4e: {  	s22 =	sshra.s32 s22, $0x2;
	[sflag:s18] =	ssyncadd.s32 $0xFFFFC000  }
0x4f: {  	[tilespmem:s17], [sflag:$0x1] =	stream.indirect.gather [hbm4b:s4+s20], $0x80, s22, s20, $0xb8;
	[tilespmem:$0x1D000] =	vst v63  }
0x50: {  	_ =	swait.ge [sflag:s21], $0x4000  }
0x51: {  	[sflag:s21] =	ssyncset.done $0x0  }
0x52: {  	s22 =	sadd.s32 $0x2800, s22;
	[sflag:s21] =	ssyncadd.s32 $0xFFFFC000  }
0x53: {  	[spmem:s2] =	stream.indirect.scatter.add.f32 [tilespmem:s17], [sflag:$0x2], $0x80, s22, s20, $0xb8;
	[tilespmem:$0x1D000] =	vst v63  }
0x54: {  	_ =	swait.ge [sflag:s18], $0x4000  }
0x55: {  	[sflag:s18] =	ssyncset.done $0x0  }
0x56: {  	s29 =	sshll.u32 s0, $0x6;
	[sflag:s18] =	ssyncadd.s32 $0xFFFFC000  }
0x57: {  	s23 =	sshrl.u32 s5, $0x3;
	s22 =	sor.u32 $0x1C02, s29;
	[bflag:$0x0] =	sbarrier.arrive $0xFFFF  }
0x58: {  	[hbm:s12], [sflag:s22] =	dma.local [spmem:s23], $0x2800  }
0x59: {  	_ =	swait.ge [sflag:s18], $0x2800  }
0x5a: {  	[sflag:s18] =	ssyncset.done $0x0  }
0x5b: {  	[sflag:s18] =	ssyncadd.s32 $0xFFFFD800  }
0x5c: {  	s24 =	simm.s32 $0x0;
	[bflag:$0x0] =	sbarrier.arrive $0xFFFF  }
0x5d: {  	[tilespmem:s24], [sflag:$0x2] =	stream.linear.gather [hbm4b:s13+s24], $0x2780, $0x38;
	[tilespmem:$0x1D000] =	vst v63  }
0x5e: {  	_ =	swait.ge [sflag:s18], $0x2780  }
0x5f: {  	[sflag:s18] =	ssyncset.done $0x0  }
0x60: {  	[sflag:s18] =	ssyncadd.s32 $0xFFFFD880  }
0x61: {  	[tilespmem:s19], [sflag:$0x2] =	stream.linear.gather [hbm4b:s14+s24], $0x2780, $0x38;
	[tilespmem:$0x1D000] =	vst v63  }
0x62: {  	_ =	swait.ge [sflag:s18], $0x2780  }
0x63: {  	[sflag:s18] =	ssyncset.done $0x0  }
0x64: {  	s30 =	simm.s32 $0x0;
	[sflag:s18] =	ssyncadd.s32 $0xFFFFD880  }
0x65: {  	[tilespmem:s17], [sflag:$0x1] =	stream.indirect.gather [hbm4b:s4+s20], $0x80, s30, s20, $0xb8;
	[tilespmem:$0x1D000] =	vst v63  }
0x66: {  	_ =	swait.ge [sflag:s21], $0x4000  }
0x67: {  	[sflag:s21] =	ssyncset.done $0x0  }
0x68: {  	s31 =	simm.s32 $0x2800;
	[sflag:s21] =	ssyncadd.s32 $0xFFFFC000  }
0x69: {  	[spmem:s2] =	stream.indirect.scatter.add.f32 [tilespmem:s17], [sflag:$0x2], $0x80, s31, s20, $0xb8;
	[tilespmem:$0x1D000] =	vst v63  }
0x6a: {  	_ =	swait.ge [sflag:s18], $0x4000  }
0x6b: {  	s25 =	simm.s32 $0x400;
	s24 =	simm.s32 $0x200;
	[sflag:s18] =	ssyncset.done $0x0  }
.LBB2_6:
0x6c: {  	s26 =	sshra.s32 s24, $0x2  }
0x6d: {  	[sflag:s18] =	ssyncadd.s32 $0xFFFFC000;
	s24 =	smov.u32 s25;
	s28 =	sadd.s32 $0x200, s25  }
0x6e: {  	[tilespmem:s17], [sflag:$0x1] =	stream.indirect.gather [hbm4b:s4+s20], $0x80, s26, s20, $0xb8;
	[tilespmem:$0x1D000] =	vst v63  }
0x6f: {  	p0 =	sne.s32 s25, $0x9C00;
	_ =	swait.ge [sflag:s21], $0x4000  }
.Ltmp2:
0x70: {  	[sflag:s21] =	ssyncset.done $0x0;
	(pc) =	sbr.rel @p0 .LBB2_6-.Ltmp2, $4  }
0x71: {  	s25 =	sadd.s32 $0x2800, s26;
	[sflag:s21] =	ssyncadd.s32 $0xFFFFC000  }
0x72: {  	[spmem:s2] =	stream.indirect.scatter.add.f32 [tilespmem:s17], [sflag:$0x2], $0x80, s25, s20, $0xb8;
	[tilespmem:$0x1D000] =	vst v63  }
0x73: {  	_ =	swait.ge [sflag:s18], $0x4000  }
0x74: {  	s25 =	smov.u32 s28;
	[sflag:s18] =	ssyncset.done $0x0  }
0x75: {  	s24 =	sshra.s32 s24, $0x2;
	[sflag:s18] =	ssyncadd.s32 $0xFFFFC000  }
0x76: {  	[tilespmem:s17], [sflag:$0x1] =	stream.indirect.gather [hbm4b:s4+s20], $0x80, s24, s20, $0xb8;
	[tilespmem:$0x1D000] =	vst v63  }
0x77: {  	_ =	swait.ge [sflag:s21], $0x4000  }
0x78: {  	[sflag:s21] =	ssyncset.done $0x0  }
0x79: {  	s24 =	sadd.s32 $0x2800, s24;
	[sflag:s21] =	ssyncadd.s32 $0xFFFFC000  }
0x7a: {  	[spmem:s2] =	stream.indirect.scatter.add.f32 [tilespmem:s17], [sflag:$0x2], $0x80, s24, s20, $0xb8;
	[tilespmem:$0x1D000] =	vst v63  }
0x7b: {  	_ =	swait.ge [sflag:s18], $0x4000  }
0x7c: {  	[sflag:s18] =	ssyncset.done $0x0  }
0x7d: {  	s3 =	sadd.s32 $0x1, s3;
	[sflag:s18] =	ssyncadd.s32 $0xFFFFC000  }
0x7e: {  	p0 =	sne.s32 s3, s16;
	[bflag:$0x0] =	sbarrier.arrive $0xFFFF  }
0x7f: {  	[hbm:s15], [sflag:s22] =	dma.local [spmem:s23], $0x2800  }
.Ltmp3:
0x80: {  	_ =	swait.ge [sflag:s18], $0x2800;
	(pc) =	sbr.rel @p0 .LBB2_1-.Ltmp3, $3  }
0x81: {  	[sflag:s18] =	ssyncset.done $0x0  }
0x82: {  	[sflag:s18] =	ssyncadd.s32 $0xFFFFD800  }
0x83: {  	[bflag:$0x0] =	sbarrier.arrive $0xFFFF;
	_ =	sdelay $0x1  }
0x84: {  	_ =	sfence.sel $0x180000  }
0x85: {  	[bflag:$0x0] =	sbarrier.arrive $0xFFFF  }
0x86: {  	p0 =	sne.s32 s0, $0x0;
	_ =	strace $0x9000004D  }
0x87: {  	s0 =	sadd.s32 @!p0 $0x100000, s1;
	[bflag:$0x2] =	sbarrier.arrive $0xFFFF  }
0x88: {  	[sflag:s0] =	ssyncadd.tile.s32 @!p0 $0x1;
	_ =	shalt  }
.Lfunc_end2:
_tile_overlayer_lowered:
.L_overlay_start_2:
0x89: {  	(tag) =	ssettag $0x2  }
0x8a: {  	s0 =	rddreg [dreg:$0x0];
	s2 =	stileid.u32  }
0x8b: {  	s1 =	rddreg [dreg:$0x1];
	p0 =	sne.s32 s2, $0x0  }
0x8c: {  	s3 =	rddreg [dreg:$0x2];
	[bflag:$0x3] =	sbarrier.arrive $0xFFFF;
	s2 =	simm.s32 @!p0 $0x1C02  }
0x8d: {  	[timem:s3], [sflag:s2] =	dma.local @!p0 [hbm:s0], s1  }
0x8e: {  	s0 =	simm.s32 @!p0 $0x2  }
0x8f: {  	_ =	swait.ge @!p0 [sflag:s0], s1  }
0x90: {  	s1 =	ssub.s32 @!p0 $0x0, s1;
	[sflag:s0] =	ssyncset.done @!p0 $0x0  }
0x91: {  	[sflag:s0] =	ssyncadd.s32 @!p0 s1  }
0x92: {  	[bflag:$0x3] =	sbarrier.arrive $0xFFFF  }
0x93: {  	_ =	shalt  }

// kernel: kernel.9.cloned.1.call-start
scs
__scs_entry_jumppad:
0x0: {  	(pc) =	sbr.rel $0x88, $3  }
0x1: {  	(tag) =	ssettag $0x0;
	lr =	simm.s32 $0x1  }
0x2: {  	[smem:$0x3F92] =	sst lr;
	_ =	strace $0xD0000000  }
0x3: {  	_ = 	snop  }
0x4: {  	_ = 	snop  }
0x5: {  	_ = 	snop  }
0x6: {  	_ = 	snop  }
0x7: {  	_ = 	snop  }
__scs_overlays_trampoline_lowered:
0x8: {  	[smem:$0x3FA1] =	sst s0  }
0x9: {  	[smem:$0x3FA2] =	sst s1  }
0xa: {  	[smem:$0x3FA3] =	sst s2  }
0xb: {  	[smem:$0x3FA4] =	sst s3  }
0xc: {  	[smem:$0x3FA5] =	sst s4  }
0xd: {  	[smem:$0x3FA6] =	sst s5  }
0xe: {  	[smem:$0x3FA7] =	sst s6  }
0xf: {  	[smem:$0x3FA8] =	sst s7  }
0x10: {  	[smem:$0x3FA9] =	sst s8  }
0x11: {  	[smem:$0x3FAA] =	sst s9;
	s0 =	simm.s32 @!p0 $0x0  }
0x12: {  	s1 =	sld [smem:$0x3F90];
	s0 =	simm.s32 @p0 $0x1  }
0x13: {  	[smem:$0x3FAB] =	sst s0;
	s0 =	simm.s32 @!p1 $0x0  }
0x14: {  	s2 =	sld [smem:$0x3F8F];
	s0 =	simm.s32 @p1 $0x1  }
0x15: {  	[smem:$0x3FAC] =	sst s0;
	s0 =	simm.s32 @!p2 $0x0  }
0x16: {  	s3 =	sld [smem:$0x3FDB];
	s0 =	simm.s32 @p2 $0x1  }
0x17: {  	s4 =	simm.s32 $0x1BF5;
	[smem:$0x3FAE] =	sst s0  }
0x18: {  	s0 =	sld [smem:$0x3F91];
	_ =	swait.ge [sflag:s4], $0x0  }
0x19: {  	s7 =	sld [smem:$0x3F92]  }
0x1a: {  	s8 =	sadd.s32 $0xFFFFE003, lr  }
0x1b: {  	s9 =	sadd.s32 $0xFFFFFEF7, lr;
	s5 =	simm.s32 $0xFFFFFFFF;
	p2 =	slt.u32 s8, $0xFFFFF086  }
0x1c: {  	p1 =	slt.u32 s9, $0xF7A;
	s5 =	simm.s32 @!p2 $0x0  }
0x1d: {  	s5 =	simm.s32 @p1 $0x1;
	p0 =	seq.s32 s7, s2  }
0x1e: {  	s7 =	smul.u32 @!p0 $0xF7A, s2;
	p2 =	seq.s32 @!p0 s5, $0x0  }
0x1f: {  	s9 =	smul.u32 $0xF7A, s1;
	s8 =	simm.s32 @!p0 $0x1BF5;
	p2 =	por !p2, p0  }
0x20: {  	[sflag:s8] =	ssyncset.s32 @!p0 $0xFFFFF086;
	s6 =	sadd.s32 @!p0 s3, s7;
	s7 =	simm.s32 @!p0 $0x108  }
0x21: {  	s3 =	sadd.s32 s3, s9;
	s6 =	sadd.s32 @!p0 $0x88, s6;
	s7 =	simm.s32 @p2 $0x1082  }
0x22: {  	[simem:s7], [sflag:s8] =	dma.local @!p0 [hbm:s6], $0xF7A  }
0x23: {  	s9 =	sor.u32 $0xD0000000, s2;
	s6 =	simm.s32 $0x108;
	_ =	swait.ge @!p0 [sflag:s8], $0x0  }
0x24: {  	s3 =	sadd.s32 $0x88, s3;
	s6 =	simm.s32 @!p1 $0x1082;
	[sflag:s4] =	ssyncset.s32 $0xFFFFF086  }
0x25: {  	[simem:s6], [sflag:s4] =	dma.local [hbm:s3], $0xF7A  }
0x26: {  	[smem:$0x3F92] =	sst s1;
	(tag) =	ssettag s2;
	_ =	strace s9  }
0x27: {  	s1 =	sld [smem:$0x3FA2]  }
0x28: {  	s2 =	sld [smem:$0x3FA3]  }
0x29: {  	s4 =	sld [smem:$0x3FA5]  }
0x2a: {  	p0 =	seq.s32 s5, $0x0;
	s5 =	sld [smem:$0x3FA6]  }
0x2b: {  	s6 =	sld [smem:$0x3FA7]  }
0x2c: {  	s7 =	sld [smem:$0x3FA8]  }
0x2d: {  	s3 =	simm.s32 $0x108;
	s8 =	sld [smem:$0x3FA9]  }
0x2e: {  	s3 =	simm.s32 @!p0 $0x1082;
	s9 =	sld [smem:$0x3FAA]  }
0x2f: {  	lr =	sadd.s32 s0, s3;
	s0 =	sld [smem:$0x3FA1]  }
0x30: {  	s3 =	sld [smem:$0x3FA4]  }
0x31: {  	[smem:$0x3FAD] =	sst s10  }
0x32: {  	s10 =	sld [smem:$0x3FAB];
	_ =	sdelay $0x3  }
0x33: {  	p0 =	seq.s32 s10, $0x1;
	s10 =	sld [smem:$0x3FAD];
	_ =	sdelay $0x3  }
0x34: {  	[smem:$0x3FAD] =	sst s10  }
0x35: {  	s10 =	sld [smem:$0x3FAC];
	_ =	sdelay $0x3  }
0x36: {  	p1 =	seq.s32 s10, $0x1;
	s10 =	sld [smem:$0x3FAD];
	_ =	sdelay $0x3  }
0x37: {  	[smem:$0x3FAD] =	sst s10  }
0x38: {  	s10 =	sld [smem:$0x3FAE]  }
0x39: {  	_ = 	snop;
	(pc) =	sbr.ind lr, $3  }
0x3a: {  	_ = 	snop  }
0x3b: {  	_ = 	snop  }
0x3c: {  	p2 =	seq.s32 s10, $0x1;
	s10 =	sld [smem:$0x3FAD]  }
0x3d: {  	_ =	shalt  }
0x3e: {  	_ =	shalt  }
0x3f: {  	_ =	shalt  }
0x40: {  	_ =	shalt  }
0x41: {  	_ =	shalt  }
0x42: {  	_ =	shalt  }
0x43: {  	_ =	shalt  }
0x44: {  	_ =	shalt  }
0x45: {  	_ =	shalt  }
0x46: {  	_ =	shalt  }
0x47: {  	_ =	shalt  }
0x48: {  	_ =	shalt  }
0x49: {  	_ =	shalt  }
0x4a: {  	_ =	shalt  }
0x4b: {  	_ =	shalt  }
0x4c: {  	_ =	shalt  }
0x4d: {  	_ =	shalt  }
0x4e: {  	_ =	shalt  }
0x4f: {  	_ =	shalt  }
0x50: {  	_ =	shalt  }
0x51: {  	_ =	shalt  }
0x52: {  	_ =	shalt  }
0x53: {  	_ =	shalt  }
0x54: {  	_ =	shalt  }
0x55: {  	_ =	shalt  }
0x56: {  	_ =	shalt  }
0x57: {  	_ =	shalt  }
0x58: {  	_ =	shalt  }
0x59: {  	_ =	shalt  }
0x5a: {  	_ =	shalt  }
0x5b: {  	_ =	shalt  }
0x5c: {  	_ =	shalt  }
0x5d: {  	_ =	shalt  }
0x5e: {  	_ =	shalt  }
0x5f: {  	_ =	shalt  }
0x60: {  	_ =	shalt  }
0x61: {  	_ =	shalt  }
0x62: {  	_ =	shalt  }
0x63: {  	_ =	shalt  }
0x64: {  	_ =	shalt  }
0x65: {  	_ =	shalt  }
0x66: {  	_ =	shalt  }
0x67: {  	_ =	shalt  }
0x68: {  	_ =	shalt  }
0x69: {  	_ =	shalt  }
0x6a: {  	_ =	shalt  }
0x6b: {  	_ =	shalt  }
0x6c: {  	_ =	shalt  }
0x6d: {  	_ =	shalt  }
0x6e: {  	_ =	shalt  }
0x6f: {  	_ =	shalt  }
0x70: {  	_ =	shalt  }
0x71: {  	_ =	shalt  }
0x72: {  	_ =	shalt  }
0x73: {  	_ =	shalt  }
0x74: {  	_ =	shalt  }
0x75: {  	_ =	shalt  }
0x76: {  	_ =	shalt  }
0x77: {  	_ =	shalt  }
0x78: {  	_ =	shalt  }
0x79: {  	_ =	shalt  }
0x7a: {  	_ =	shalt  }
0x7b: {  	_ =	shalt  }
0x7c: {  	_ =	shalt  }
0x7d: {  	_ =	shalt  }
0x7e: {  	_ =	shalt  }
0x7f: {  	_ =	shalt  }
0x80: {  	_ =	shalt  }
0x81: {  	_ =	shalt  }
0x82: {  	_ =	shalt  }
0x83: {  	_ =	shalt  }
0x84: {  	_ =	shalt  }
0x85: {  	_ =	shalt  }
0x86: {  	_ =	shalt  }
0x87: {  	_ =	shalt  }
.Lfunc_end0:
.L_simem_size_0:
called_computation_lowered:
.L_overlay_start_0:
0x88: {  	s2 =	sld [smem:$0x3FD9]  }
0x89: {  	s3 =	sld [smem:$0x3FFE];
	_ =	sdelay $0x1  }
0x8a: {  	s1 =	srdreg.scid  }
0x8b: {  	s0 =	sand.u32 $0x1, s1  }
0x8c: {  	s14 =	sshll.u32 s0, $0xA;
	s2 =	sadd.s32 s3, s2  }
0x8d: {  	s2 =	sadd.s32 s2, s14  }
0x8e: {  	[smem:$0x3FB9] =	sst s2  }
0x8f: {  	_ = 	snop  }
0x90: {  	s2 =	sld [smem:$0x3FD0];
	_ =	sdelay $0x2  }
0x91: {  	s15 =	simm.s32 $0xA;
	s4 =	simm.s32 $0x10  }
0x92: {  	[smem:s4], [sflag:s15] =	dma.local [hbm:s2], $0x1  }
0x93: {  	_ =	swait.eq [sflag:s15], $0x1  }
0x94: {  	[sflag:s15] =	ssyncset.done $0x0  }
0x95: {  	[sflag:s15] =	ssyncadd.s32 $0xFFFFFFFF  }
0x96: {  	s16 =	sld [smem:$0x10];
	(tm) =	ssettm $0x1  }
0x97: {  	s17 =	sld [smem:$0x3FFB];
	_ =	sdelay $0x3  }
0x98: {  	_ =	strace s17  }
0x99: {  	s3 =	sld [smem:$0x3FFC];
	_ =	sdelay $0x3  }
0x9a: {  	_ =	strace s3  }
0x9b: {  	s3 =	sld [smem:$0x3FFD];
	_ =	sdelay $0x3  }
0x9c: {  	_ =	strace s3  }
0x9d: {  	_ =	strace $0x8FFFFFFF  }
0x9e: {  	s18 =	sld [smem:$0x3FDB];
	_ =	sdelay $0x1  }
0x9f: {  	s19 =	simm.s32 $_scs_section_size  }
0xa0: {  	s5 =	simm.s32 $_size__tile_overlayer_lowered;
	s6 =	simm.s32 $_tile_overlayer_lowered  }
0xa1: {  	s22 =	simm.s32 $0x1BFF;
	s21 =	sshll.u32 s6, $0x1;
	s3 =	sadd.s32 s19, s18  }
0xa2: {  	s7 =	simm.s32 $0x0;
	s20 =	sshll.u32 s5, $0x1;
	s5 =	sadd.s32 s21, s3  }
0xa3: {  	[timem:s7], [sflag:s22] =	dma.local [hbm:s5], s20  }
0xa4: {  	_ =	swait.ge [sflag:s22], s20  }
0xa5: {  	s4 =	ssub.s32 $0x0, s20;
	[sflag:s22] =	ssyncset.done $0x0  }
0xa6: {  	[sflag:s22] =	ssyncadd.s32 s4;
	_ =	sdelay $0x1  }
0xa7: {  	s23 =	simm.s32 $0x1B8B  }
0xa8: {  	_ =	swait.ge [sflag:s23], $0x1  }
0xa9: {  	[sflag:s23] =	ssyncset.done $0x0  }
0xaa: {  	s25 =	simm.s32 $0x1B8E;
	s24 =	sld [smem:$0x3FFE];
	[sflag:s23] =	ssyncadd.s32 $0xFFFFFFFF  }
0xab: {  	s26 =	simm.s32 $execute0_lowered;
	[smem:$0x3FD2] =	sst s25  }
0xac: {  	s5 =	sshll.u32 s26, $0x1;
	_ =	strace $0x80000046;
	[dreg:$0x1] =	wrdreg $0xFFFFFFFF  }
0xad: {  	s28 =	simm.s32 $_size_execute0_lowered;
	s3 =	sadd.s32 s3, s5;
	[dreg:$0x0] =	wrdreg $0x0  }
0xae: {  	s5 =	sshll.u32 s28, $0x1;
	[dreg:$0x2] =	wrdreg s3  }
0xaf: {  	[dreg:$0x3] =	wrdreg s5  }
0xb0: {  	[dreg:$0x4] =	wrdreg $0xC0  }
0xb1: {  	_ =	task [dreg:s7], $0x5FFFF  }
0xb2: {  	[dreg:$0x1] =	wrdreg $0xFFFFFFFF  }
0xb3: {  	[dreg:$0x0] =	wrdreg $0x60  }
0xb4: {  	[dreg:$0x2] =	wrdreg s24  }
0xb5: {  	[dreg:$0x3] =	wrdreg s16  }
0xb6: {  	[dreg:$0x4] =	wrdreg $0x2B000  }
0xb7: {  	[dreg:$0x5] =	wrdreg $0x2D800  }
0xb8: {  	[dreg:$0x6] =	wrdreg $0x9  }
0xb9: {  	_ =	task.clear_ibuf [dreg:s7], $0x7FFFF;
	_ =	strace $0x90000046  }
0xba: {  	s29 =	simm.s32 $0x9;
	_ =	strace $0x80000048  }
0xbb: {  	_ =	swait.ge [sflag:s29], $0x1  }
0xbc: {  	[sflag:s29] =	ssyncadd.s32 $0xFFFFFFFF  }
0xbd: {  	_ =	strace $0x90000048  }
0xbe: {  	_ =	sfence  }
0xbf: {  	s30 =	sld [smem:$0x0];
	_ =	sdelay $0x2  }
0xc0: {  	s31 =	sshll.u32 s1, $0xD;
	s1 =	sshrl.u32 s1, $0x2  }
0xc1: {  	s3 =	sand.u32 $0x4000, s31;
	s1 =	sadd.s32 s1, s30  }
0xc2: {  	s0 =	sor.u32 s3, s0;
	s1 =	sshll.u32 s1, $0x11  }
0xc3: {  	s0 =	sor.u32 s1, s0  }
0xc4: {  	s0 =	sadd.s32 $0x8F2B, s0  }
0xc5: {  	[sflag:s0] =	ssyncadd.remote.s32 $0x1  }
0xc6: {  	_ =	sfence.sel $0xFFFF  }
0xc7: {  	[dreg:$0x0] =	wrdreg $0xFFFFFFFF;
	(pc) =	sbr.abs _section_cstart, $3  }
0xc8: {  	[dreg:$0x1] =	wrdreg $0xFFFFFFFF  }
0xc9: {  	_ =	task.clear_ibuf [dreg:s7], $0x2FFFF;
	_ =	strace $0x9FFFFFFF  }
0xca: {  	(tm) =	ssettm $0x7FFFFFFF  }
0xcb: {  	_ =	shalt  }
tec
execute0_lowered:
.L_overlay_start_1:
0x0: {  	(tag) =	ssettag $0x1  }
0x1: {  	s5 =	rddreg [dreg:$0x0]  }
0x2: {  	s10 =	rddreg [dreg:$0x1]  }
0x3: {  	s2 =	rddreg [dreg:$0x2]  }
0x4: {  	s0 =	srdreg.scid;
	s3 =	rddreg [dreg:$0x3]  }
0x5: {  	s1 =	stileid.u32;
	s4 =	simm.s32 $0x0;
	s15 =	simm.s32 $0x2800  }
0x6: {  	s18 =	simm.s32 $0x20;
	s19 =	simm.s32 $0x10;
	s8 =	smul.u32 $0x2800, s1  }
0x7: {  	s6 =	sand.u32 $0x1, s0;
	s0 =	rddreg [dreg:$0x4];
	s9 =	smul.u32 $0x500, s1  }
0x8: {  	s21 =	simm.s32 $0x0;
	[smem:$0x7FF] =	sst s4;
	s12 =	smul.u32 $0x280, s1  }
0x9: {  	s16 =	sshll.u32 s1, $0x6;
	s7 =	smul.u32 $0x28000, s6;
	_ =	strace $0x80000047  }
0xa: {  	s29 =	ssub.s32 $0x2, s6;
	s6 =	sshll.u32 s6, $0x7;
	s16 =	sor.u32 $0x1C01, s16  }
0xb: {  	s11 =	sshrl.u32 s29, $0x1;
	s30 =	sor.u32 s6, s9;
	s6 =	sadd.s32 s12, s3  }
0xc: {  	s7 =	sadd.s32 s8, s7;
	s11 =	ssub.s32 s29, s11;
	s9 =	sadd.s32 $0x5000, s30  }
0xd: {  	s31 =	sshrl.u32 s30, $0x3;
	s20 =	sshrl.u32 s6, $0x3;
	s7 =	sshrl.u32 s7, $0x3  }
0xe: {  	s14 =	sshrl.u32 s9, $0x3;
	s9 =	sadd.s32 s10, s31;
	s11 =	smax.u32 s11, $0x1  }
0xf: {  	s13 =	sadd.s32 s7, s5;
	s5 =	sadd.s32 s12, s2;
	s10 =	sadd.s32 s10, s14  }
0x10: {  	s12 =	simm.s32 $0x2880;
	s14 =	simm.s32 $0x80;
	s7 =	sadd.s32 $0x2E00, s13  }
0x11: {  	v0 =	vimm.f32 $1.000000000e+00;
	v1 =	vimm.f32 $0.0e+00;
	s8 =	sadd.s32 $0xCE00, s13;
	s13 =	simm.s32 $0x1;
	s17 =	sshrl.u32 s5, $0x3  }
.LBB2_1:
0x12: {  	[tilespmem:$0x2800] =	vst v0  }
0x13: {  	[tilespmem:$0x2810] =	vst v0  }
0x14: {  	[tilespmem:$0x2820] =	vst v0  }
0x15: {  	[tilespmem:$0x2830] =	vst v0  }
0x16: {  	[tilespmem:$0x2840] =	vst v0  }
0x17: {  	[tilespmem:$0x2850] =	vst v0  }
0x18: {  	[tilespmem:$0x2860] =	vst v0  }
0x19: {  	[tilespmem:$0x2870] =	vst v0  }
0x1a: {  	[tilespmem:$0x2880] =	vst v1  }
0x1b: {  	[tilespmem:$0x2890] =	vst v1  }
0x1c: {  	[tilespmem:$0x28A0] =	vst v1  }
0x1d: {  	[tilespmem:$0x28B0] =	vst v1  }
0x1e: {  	[tilespmem:$0x28C0] =	vst v1  }
0x1f: {  	[tilespmem:$0x28D0] =	vst v1  }
0x20: {  	[tilespmem:$0x28E0] =	vst v1  }
0x21: {  	[tilespmem:$0x28F0] =	vst v1  }
0x22: {  	[tilespmem:$0x2900] =	vst v1  }
0x23: {  	[tilespmem:$0x2910] =	vst v1  }
0x24: {  	[tilespmem:$0x2920] =	vst v1  }
0x25: {  	[tilespmem:$0x2930] =	vst v1  }
0x26: {  	[tilespmem:$0x2940] =	vst v1  }
0x27: {  	[tilespmem:$0x2950] =	vst v1  }
0x28: {  	[tilespmem:$0x2960] =	vst v1  }
0x29: {  	[tilespmem:$0x2970] =	vst v1  }
0x2a: {  	[tilespmem:$0x2980] =	vst v1  }
0x2b: {  	[tilespmem:$0x2990] =	vst v1  }
0x2c: {  	[tilespmem:$0x29A0] =	vst v1  }
0x2d: {  	[tilespmem:$0x29B0] =	vst v1  }
0x2e: {  	[tilespmem:$0x29C0] =	vst v1  }
0x2f: {  	[tilespmem:$0x29D0] =	vst v1  }
0x30: {  	[tilespmem:$0x29E0] =	vst v1  }
0x31: {  	[tilespmem:$0x29F0] =	vst v1  }
0x32: {  	[tilespmem:$0x2A00] =	vst v1  }
0x33: {  	[tilespmem:$0x2A10] =	vst v1  }
0x34: {  	[tilespmem:$0x2A20] =	vst v1  }
0x35: {  	[tilespmem:$0x2A30] =	vst v1  }
0x36: {  	[tilespmem:$0x2A40] =	vst v1  }
0x37: {  	[tilespmem:$0x2A50] =	vst v1  }
0x38: {  	[tilespmem:$0x2A60] =	vst v1  }
0x39: {  	[tilespmem:$0x2A70] =	vst v1  }
0x3a: {  	[tilespmem:$0x2A80] =	vst v1  }
0x3b: {  	[tilespmem:$0x2A90] =	vst v1  }
0x3c: {  	[tilespmem:$0x2AA0] =	vst v1  }
0x3d: {  	[tilespmem:$0x2AB0] =	vst v1  }
0x3e: {  	[tilespmem:$0x2AC0] =	vst v1  }
0x3f: {  	[tilespmem:$0x2AD0] =	vst v1  }
0x40: {  	[tilespmem:$0x2AE0] =	vst v1  }
0x41: {  	[tilespmem:$0x2AF0] =	vst v1  }
0x42: {  	[spmem:s5] =	stream.linear.scatter [tilespmem:s12], [sflag:$0x1], $0x280, $0x38;
	[tilespmem:$0x3000] =	vst v63  }
0x43: {  	_ =	swait.ge [sflag:s13], $0x280  }
0x44: {  	[sflag:s13] =	ssyncset.done $0x0  }
0x45: {  	[sflag:s13] =	ssyncadd.s32 $0xFFFFFD80  }
0x46: {  	[spmem:s6] =	stream.linear.scatter [tilespmem:s12], [sflag:$0x1], $0x280, $0x38;
	[tilespmem:$0x3000] =	vst v63  }
0x47: {  	_ =	swait.ge [sflag:s13], $0x280  }
0x48: {  	[sflag:s13] =	ssyncset.done $0x0  }
0x49: {  	[sflag:s13] =	ssyncadd.s32 $0xFFFFFD80  }
0x4a: {  	[bflag:$0x0] =	sbarrier.arrive $0xFFFF  }
0x4b: {  	[tilespmem:s4], [sflag:$0x1] =	stream.linear.gather [hbm4b:s7+s4], $0x2780, $0x38;
	[tilespmem:$0x3000] =	vst v63  }
0x4c: {  	_ =	swait.ge [sflag:s13], $0x2780  }
0x4d: {  	[sflag:s13] =	ssyncset.done $0x0  }
0x4e: {  	s22 =	simm.s32 $0x0;
	[sflag:s13] =	ssyncadd.s32 $0xFFFFD880  }
0x4f: {  	[spmem:s2] =	stream.indirect.scatter.add.f32 [tilespmem:s15], [sflag:$0x1], $0x1, s22, s14, $0xb8;
	[tilespmem:$0x3000] =	vst v63  }
0x50: {  	_ =	swait.ge [sflag:s13], $0x80  }
0x51: {  	s22 =	simm.s32 $0x200;
	[sflag:s13] =	ssyncset.done $0x0  }
.LBB2_2:
0x52: {  	s23 =	sshra.s32 s22, $0x2;
	[sflag:s13] =	ssyncadd.s32 $0xFFFFFF80;
	p0 =	sne.s32 s22, $0x9C00  }
0x53: {  	[spmem:s2] =	stream.indirect.scatter.add.f32 [tilespmem:s15], [sflag:$0x1], $0x1, s23, s14, $0xb8;
	[tilespmem:$0x3000] =	vst v63  }
.Ltmp0:
0x54: {  	_ = 	snop;
	(pc) =	sbr.rel @p0 .LBB2_2-.Ltmp0, $4  }
0x55: {  	_ = 	snop  }
0x56: {  	s22 =	sadd.s32 $0x200, s22  }
0x57: {  	_ =	swait.ge [sflag:s13], $0x80  }
0x58: {  	[sflag:s13] =	ssyncset.done $0x0  }
0x59: {  	[sflag:s13] =	ssyncadd.s32 $0xFFFFFF80;
	s22 =	simm.s32 $0x0  }
0x5a: {  	[tilespmem:s22], [sflag:$0x1] =	stream.linear.gather [hbm4b:s8+s22], $0x2780, $0x38;
	[tilespmem:$0x3000] =	vst v63  }
0x5b: {  	_ =	swait.ge [sflag:s13], $0x2780  }
0x5c: {  	[sflag:s13] =	ssyncset.done $0x0  }
0x5d: {  	s31 =	simm.s32 $0x0;
	[sflag:s13] =	ssyncadd.s32 $0xFFFFD880  }
0x5e: {  	[spmem:s3] =	stream.indirect.scatter.add.f32 [tilespmem:s15], [sflag:$0x1], $0x1, s31, s14, $0xb8;
	[tilespmem:$0x3000] =	vst v63  }
0x5f: {  	_ =	swait.ge [sflag:s13], $0x80  }
0x60: {  	s22 =	simm.s32 $0x200;
	[sflag:s13] =	ssyncset.done $0x0  }
.LBB2_4:
0x61: {  	s23 =	sshra.s32 s22, $0x2;
	[sflag:s13] =	ssyncadd.s32 $0xFFFFFF80;
	p0 =	sne.s32 s22, $0x9C00  }
0x62: {  	[spmem:s3] =	stream.indirect.scatter.add.f32 [tilespmem:s15], [sflag:$0x1], $0x1, s23, s14, $0xb8;
	[tilespmem:$0x3000] =	vst v63  }
.Ltmp1:
0x63: {  	_ = 	snop;
	(pc) =	sbr.rel @p0 .LBB2_4-.Ltmp1, $4  }
0x64: {  	_ = 	snop  }
0x65: {  	s22 =	sadd.s32 $0x200, s22  }
0x66: {  	_ =	swait.ge [sflag:s13], $0x80  }
0x67: {  	[sflag:s13] =	ssyncset.done $0x0  }
0x68: {  	[sflag:s13] =	ssyncadd.s32 $0xFFFFFF80  }
0x69: {  	[bflag:$0x0] =	sbarrier.arrive $0xFFFF  }
0x6a: {  	[hbm:s9@s18], [sflag:s16] =	dma.strided [spmem:s17@s19], $0x50, s13, $0x10   }
0x6b: {  	s21 =	sadd.s32 $0x1, s21;
	_ =	swait.ge [sflag:s13], $0x50  }
0x6c: {  	p0 =	sne.s32 s21, s11;
	[sflag:s13] =	ssyncset.done $0x0  }
.Ltmp2:
0x6d: {  	[sflag:s13] =	ssyncadd.s32 $0xFFFFFFB0;
	(pc) =	sbr.rel @p0 .LBB2_1-.Ltmp2, $4  }
0x6e: {  	[hbm:s10@s18], [sflag:s16] =	dma.strided [spmem:s20@s19], $0x50, s13, $0x10   }
0x6f: {  	_ =	swait.ge [sflag:s13], $0x50  }
0x70: {  	[sflag:s13] =	ssyncset.done $0x0  }
0x71: {  	[sflag:s13] =	ssyncadd.s32 $0xFFFFFFB0  }
0x72: {  	_ =	sfence.sel $0x180000  }
0x73: {  	[bflag:$0x0] =	sbarrier.arrive $0xFFFF  }
0x74: {  	p0 =	sne.s32 s1, $0x0;
	_ =	strace $0x90000047  }
0x75: {  	s0 =	sadd.s32 @!p0 $0x100000, s0;
	[bflag:$0x2] =	sbarrier.arrive $0xFFFF  }
0x76: {  	[sflag:s0] =	ssyncadd.tile.s32 @!p0 $0x1;
	_ =	shalt  }
.Lfunc_end2:
_tile_overlayer_lowered:
.L_overlay_start_2:
0x77: {  	(tag) =	ssettag $0x2  }
0x78: {  	s0 =	rddreg [dreg:$0x0];
	s2 =	stileid.u32  }
0x79: {  	s1 =	rddreg [dreg:$0x1];
	p0 =	sne.s32 s2, $0x0  }
0x7a: {  	s3 =	rddreg [dreg:$0x2];
	[bflag:$0x3] =	sbarrier.arrive $0xFFFF;
	s2 =	simm.s32 @!p0 $0x1C01  }
0x7b: {  	[timem:s3], [sflag:s2] =	dma.local @!p0 [hbm:s0], s1  }
0x7c: {  	s0 =	simm.s32 @!p0 $0x1  }
0x7d: {  	_ =	swait.ge @!p0 [sflag:s0], s1  }
0x7e: {  	s1 =	ssub.s32 @!p0 $0x0, s1;
	[sflag:s0] =	ssyncset.done @!p0 $0x0  }
0x7f: {  	[sflag:s0] =	ssyncadd.s32 @!p0 s1  }
0x80: {  	[bflag:$0x3] =	sbarrier.arrive $0xFFFF  }
0x81: {  	_ =	shalt  }

</sc_bundles>
